<compile_context>
chip_gen: v7x
topology: tpu7x:2x2x1
jax: 0.10.2.dev20260603
libtpu: 0.0.44.dev20260713+nightly
codegen_flags: <defaults>
</compile_context>

<pallas_src>
import functools

import jax
import jax.numpy as jnp
from jax import lax
from jax.experimental import pallas as pl
from jax.experimental.pallas import tpu as pltpu
from jax.experimental.pallas import tpu_sc as plsc

L = 16
R = 1024
K = 16
N = 256
G = R // L
NW = 32
SPW = N // NW
ITERS = 10
F32 = jnp.float32


def _r16(x):
    bits = jax.lax.bitcast_convert_type(x, jnp.uint32)
    sign = bits & jnp.uint32(0x80000000)
    mag = bits & jnp.uint32(0x7FFFFFFF)
    odd = (mag >> 13) & jnp.uint32(1)
    rb = (mag + jnp.uint32(0xFFF) + odd) & jnp.uint32(0xFFFFE000)
    xn = jax.lax.bitcast_convert_type(sign | rb, jnp.float32)
    ax = jnp.abs(x)
    xs = (ax + jnp.float32(0.5)) - jnp.float32(0.5)
    xs = jnp.where(x < 0, -xs, xs)
    return jnp.where(ax >= jnp.float32(2.0 ** -14), xn, xs)


def _rbf(x):
    bits = jax.lax.bitcast_convert_type(x, jnp.uint32)
    odd = (bits >> 16) & jnp.uint32(1)
    rb = (bits + jnp.uint32(0x7FFF) + odd) & jnp.uint32(0xFFFF0000)
    return jax.lax.bitcast_convert_type(rb, jnp.float32)


def _sqrt(x):
    bits = jax.lax.bitcast_convert_type(x, jnp.uint32)
    s = jax.lax.bitcast_convert_type(
        (bits >> 1) + jnp.uint32(0x1FBD1DF5), jnp.float32)
    for _ in range(3):
        s = 0.5 * (s + x / s)
    return jnp.where(x > 0.0, s, 0.0)


def _lane(vec, off, iota):
    return jnp.sum(jnp.where(iota == off, vec, 0.0))


def _kpp_v():
    key = jax.random.key(42)
    vs = []
    for _b in range(N // 8):
        for _i in range(K - 1):
            key, sk = jax.random.split(key)
            vs.append(jax.random.uniform(sk, (8, 1), dtype=jnp.float32))
    V = jnp.stack(vs, 0).reshape(N // 8, K - 1, 8)
    V = jnp.transpose(V, (0, 2, 1)).reshape(N, K - 1)
    return jnp.concatenate([jnp.zeros((N, 1), F32), V], axis=1)


def _sc_call(x0f, x1f, vf):
    mesh = plsc.VectorSubcoreMesh(core_axis_name="c", subcore_axis_name="s")

    @functools.partial(
        pl.kernel,
        out_type=jax.ShapeDtypeStruct((N * 2 * K,), F32),
        mesh=mesh,
        compiler_params=pltpu.CompilerParams(needs_layout_passes=False),
        scratch_types=[
            pltpu.VMEM((R,), F32),
            pltpu.VMEM((R,), F32),
            pltpu.VMEM((R,), F32),
            pltpu.VMEM((R,), F32),
            pltpu.VMEM((R,), F32),
            pltpu.VMEM((R,), F32),
            pltpu.VMEM((K,), F32),
            pltpu.VMEM((L,), F32),
            pltpu.VMEM((L,), F32),
            pltpu.VMEM((L,), F32),
            pltpu.VMEM((L,), F32),
            pltpu.VMEM((L,), F32),
            pltpu.VMEM((2 * K,), F32),
        ],
    )
    def k(x0h, x1h, vh, outh, x0, x1, b0, b1, an, rm, vbuf, s0r, s1r, ctr,
          cs0, cs1, ob):
        cidx = lax.axis_index("c")
        sidx = lax.axis_index("s")
        wid = sidx * 2 + cidx
        iota = lax.iota(jnp.int32, L)
        zf = jnp.zeros((L,), F32)
        zi = jnp.zeros((L,), jnp.int32)

        def per_sub(jj, _):
            n = wid * SPW + jj
            pltpu.sync_copy(x0h.at[pl.ds(n * R, R)], x0)
            pltpu.sync_copy(x1h.at[pl.ds(n * R, R)], x1)
            pltpu.sync_copy(vh.at[pl.ds(n * K, K)], vbuf)

            def g0(g, _c):
                sl = pl.ds(g * L, L)
                a0 = x0[sl]
                a1 = x1[sl]
                b0[sl] = _rbf(_r16(a0))
                b1[sl] = _rbf(_r16(a1))
                an[sl] = a0 * a0 + a1 * a1
                return 0

            lax.fori_loop(0, G, g0, 0)

            xa0 = x0[pl.ds(0, L)][0]
            xa1 = x1[pl.ds(0, L)][0]
            ba0 = b0[pl.ds(0, L)][0]
            ba1 = b1[pl.ds(0, L)][0]
            ana = xa0 * xa0 + xa1 * xa1

            def g1(g, _c):
                sl = pl.ds(g * L, L)
                d2 = (ana + an[sl]) - 2.0 * (ba0 * b0[sl] + ba1 * b1[sl])
                rm[sl] = _r16(_sqrt(jnp.maximum(d2, 0.0)))
                return 0

            lax.fori_loop(0, G, g1, 0)
            c0v = jnp.where(iota == 0, _r16(zf + xa0), zf)
            c1v = jnp.where(iota == 0, _r16(zf + xa1), zf)

            def step(i, carry):
                c0v, c1v = carry
                v_i = _lane(vbuf[pl.ds(0, L)], i, iota)

                def gs(g, acc):
                    return acc + jnp.sum(rm[pl.ds(g * L, L)])

                s = lax.fori_loop(0, G, gs, jnp.float32(0.0))

                def gc(g, carry2):
                    acc, cnt = carry2
                    q = rm[pl.ds(g * L, L)] / s
                    cum = jnp.cumsum(q) + acc
                    cnt = cnt + jnp.sum((cum < v_i).astype(jnp.int32))
                    return acc + jnp.sum(q), cnt

                _, cnt_s = lax.fori_loop(
                    0, G, gc, (jnp.float32(0.0), jnp.int32(0)))
                idx_s = jnp.minimum(cnt_s, R - 1)
                base = jnp.left_shift(jnp.right_shift(idx_s, 4), 4)
                off = idx_s - base
                xb0 = _lane(x0[pl.ds(base, L)], off, iota)
                xb1 = _lane(x1[pl.ds(base, L)], off, iota)
                bb0 = _lane(b0[pl.ds(base, L)], off, iota)
                bb1 = _lane(b1[pl.ds(base, L)], off, iota)
                anb = _lane(an[pl.ds(base, L)], off, iota)

                def gd(g, _c):
                    sl = pl.ds(g * L, L)
                    d2 = (anb + an[sl]) - 2.0 * (bb0 * b0[sl] + bb1 * b1[sl])
                    rm[sl] = jnp.minimum(
                        rm[sl], _r16(_sqrt(jnp.maximum(d2, 0.0))))
                    return 0

                lax.fori_loop(0, G, gd, 0)
                c0v = jnp.where(iota == i, _r16(zf + xb0), c0v)
                c1v = jnp.where(iota == i, _r16(zf + xb1), c1v)
                return c0v, c1v

            c0v, c1v = lax.fori_loop(1, K, step, (c0v, c1v))

            def lloyd(t, carry):
                c0v, c1v = carry
                c0s = [_lane(c0v, kk, iota) for kk in range(K)]
                c1s = [_lane(c1v, kk, iota) for kk in range(K)]

                def ga(g, accs):
                    s0a, s1a, ca = accs
                    sl = pl.ds(g * L, L)
                    a0 = x0[sl]
                    a1 = x1[sl]
                    d0 = a0 - c0s[0]
                    d1 = a1 - c1s[0]
                    best = d0 * d0 + d1 * d1
                    bk = zi
                    for kk in range(1, K):
                        e0 = a0 - c0s[kk]
                        e1 = a1 - c1s[kk]
                        dd = e0 * e0 + e1 * e1
                        m = dd < best
                        best = jnp.where(m, dd, best)
                        bk = jnp.where(m, kk, bk)
                    s0a = tuple(s0a[kk] + jnp.where(bk == kk, a0, 0.0)
                                for kk in range(K))
                    s1a = tuple(s1a[kk] + jnp.where(bk == kk, a1, 0.0)
                                for kk in range(K))
                    ca = tuple(ca[kk] + jnp.where(bk == kk, 1.0, 0.0)
                               for kk in range(K))
                    return s0a, s1a, ca

                z16 = tuple(zf for _ in range(K))
                s0a, s1a, ca = lax.fori_loop(0, G, ga, (z16, z16, z16))
                s0v = zf
                s1v = zf
                cv = zf
                for kk in range(K):
                    s0v = jnp.where(iota == kk, jnp.sum(s0a[kk]), s0v)
                    s1v = jnp.where(iota == kk, jnp.sum(s1a[kk]), s1v)
                    cv = jnp.where(iota == kk, jnp.sum(ca[kk]), cv)
                normv = 1.0 / jnp.maximum(cv, 1.0)
                return _r16(s0v * normv), _r16(s1v * normv)

            c0v, c1v = lax.fori_loop(0, ITERS, lloyd, (c0v, c1v))
            ob[pl.ds(0, L)] = c0v
            ob[pl.ds(L, L)] = c1v
            pltpu.sync_copy(ob, outh.at[pl.ds(n * 2 * K, 2 * K)])
            return 0

        lax.fori_loop(0, SPW, per_sub, 0)

    return k(x0f, x1f, vf)


def kernel(X):
    Xr = jnp.transpose(X.reshape(R, N, 2), (1, 0, 2))
    x0f = Xr[:, :, 0].reshape(-1)
    x1f = Xr[:, :, 1].reshape(-1)
    V = _kpp_v()
    out = _sc_call(x0f, x1f, V.reshape(-1))
    out = out.reshape(N, 2, K).transpose(0, 2, 1)
    return out.astype(jnp.float16)

# --- scband reference (transcript-rebuilt; emitter-appended) ---
"""Pipeline reference for scband-vector-quantizer-55250459295889 (READ-ONLY COPY).

The authoritative reference and input builder live on the scoring server;
editing this copy changes nothing except your own understanding.
"""

import jax, jax.numpy as jnp
import numpy as np

SUB_VECTOR = 2
N_CENTROIDS = 16  # 2 ** codebook_width, codebook_width = 4
KMEANS_ITERS = 10


def setup_inputs(seed: int = 0) -> dict:
    key = jax.random.key(seed)
    X = jax.random.normal(key, (1024, 512), dtype=jnp.float32)
    return {"X": X}


def _cdist(a, b):
    # pairwise euclidean distance, a,b: [B, R, D]
    an = (a * a).sum(-1)[:, :, None]
    bn = (b * b).sum(-1)[:, None, :]
    ab = jnp.einsum('brd,bsd->brs', a, b)
    d2 = jnp.clip(an + bn - 2.0 * ab, 0.0, None)
    return jnp.sqrt(d2)


def _kpp_parallel_sampled(data, k, key):
    # data: [N, R, D] float32 -> init centroids [N, k, D] float16 (kmeans++ on precomputed dists)
    N, R, D = data.shape
    if N < 16:
        split = 1
    elif N < 64:
        split = 4
    else:
        split = 8

    def _batch_body(key, batch):
        B = batch.shape[0]
        b16 = batch.astype(jnp.float16)
        all_dists = _cdist(b16, b16)  # [B, R, R] fp16
        init = jnp.zeros((B, k, D), dtype=jnp.float16)
        init = init.at[:, 0, :].set(b16[:, 0, :])
        D2 = jnp.zeros((B, k, R), dtype=jnp.float16)
        D2 = D2.at[:, 0, :].set(all_dists[:, 0])
        for i in range(1, k):
            dists = D2[:, :i, :].min(axis=1)  # [B, R]
            probs = jnp.cumsum((dists / dists.sum(axis=1, keepdims=True)).astype(jnp.float32), axis=1)
            key, sk = jax.random.split(key)
            v = jax.random.uniform(sk, (B, 1), dtype=jnp.float32)
            idx = jax.vmap(jnp.searchsorted)(probs, v)  # [B, 1]
            idx0 = jnp.clip(idx[:, 0], 0, R - 1)
            rows = all_dists[jnp.arange(B), idx0, :]  # gather [B, R]
            D2 = D2.at[:, i, :].set(rows)
            init = init.at[:, i, :].set(batch[jnp.arange(B), idx0, :].astype(jnp.float16))
        return key, init

    nb = N // split
    main = data[:nb * split].reshape(nb, split, R, D)
    key, outs = jax.lax.scan(_batch_body, key, main)
    res = outs.reshape(nb * split, k, D)
    if N % split:
        key, tail = _batch_body(key, data[nb * split:])
        res = jnp.concatenate([res, tail], axis=0)
    return res


def _get_assignments(X, centroids):
    # X: [N, R, D] fp32, centroids: [N, K, D] fp16 (promoted like torch)
    dist = ((X[:, :, None, :] - centroids[:, None, :, :].astype(X.dtype)) ** 2).sum(-1)
    return jnp.argmin(dist, axis=-1)  # [N, R]


def _kmeans_m_step(centroids, n_centroids, assignments, X):
    # scatter-add based M-step (index_add in torch)
    N, R, D = X.shape
    K = n_centroids
    offset = jnp.arange(N) * K
    aflat = (assignments + offset[:, None]).reshape(-1)
    Xflat = X.reshape(N * R, D)
    sums = jnp.zeros((N * K, D), dtype=X.dtype).at[aflat].add(Xflat)
    counts = jnp.zeros((N * K,), dtype=X.dtype).at[aflat].add(jnp.ones((N * R,), dtype=X.dtype))
    norm = 1.0 / jnp.clip(counts, 1.0, None)
    new_c = sums.reshape(N, K, D) * norm.reshape(N, K, 1)
    return new_c.astype(centroids.dtype)


def _get_centroids(X):
    R, C = X.shape
    Xr = X.reshape(R, C // SUB_VECTOR, SUB_VECTOR)
    Xr = jnp.transpose(Xr, (1, 0, 2))  # [N, R, D]
    centroids = _kpp_parallel_sampled(Xr, N_CENTROIDS, jax.random.key(42))

    def _kmeans_iter(_, c):
        a = _get_assignments(Xr, c)
        return _kmeans_m_step(c, N_CENTROIDS, a, Xr)

    centroids = jax.lax.fori_loop(0, KMEANS_ITERS, _kmeans_iter, centroids)
    return centroids


def reference(X):
    return _get_centroids(X)

if __name__ == "__main__":
    import jax
    _d = setup_inputs()
    print(jax.jit(kernel)(*tuple(_d.values())))

</pallas_src>

<mosaic_0001>
#map = affine_map<(d0, d1) -> (0)>
module attributes {stable_mosaic.version = 14 : i64} {
  func.func @k(%arg0: i32, %arg1: i32, %arg2: memref<262144xf32, #tpu.memory_space<hbm>>, %arg3: memref<262144xf32, #tpu.memory_space<hbm>>, %arg4: memref<4096xf32, #tpu.memory_space<hbm>>, %arg5: memref<8192xf32, #tpu.memory_space<hbm>>, %arg6: memref<1024xf32, #tpu.memory_space<vmem>>, %arg7: memref<1024xf32, #tpu.memory_space<vmem>>, %arg8: memref<1024xf32, #tpu.memory_space<vmem>>, %arg9: memref<1024xf32, #tpu.memory_space<vmem>>, %arg10: memref<1024xf32, #tpu.memory_space<vmem>>, %arg11: memref<1024xf32, #tpu.memory_space<vmem>>, %arg12: memref<16xf32, #tpu.memory_space<vmem>>, %arg13: memref<16xf32, #tpu.memory_space<vmem>>, %arg14: memref<16xf32, #tpu.memory_space<vmem>>, %arg15: memref<16xf32, #tpu.memory_space<vmem>>, %arg16: memref<16xf32, #tpu.memory_space<vmem>>, %arg17: memref<16xf32, #tpu.memory_space<vmem>>, %arg18: memref<32xf32, #tpu.memory_space<vmem>>) attributes {dimension_semantics = [#tpu.dimension_semantics<core_parallel>, #tpu.dimension_semantics<subcore_parallel>], iteration_bounds = array<i64: 2, 16>, scalar_prefetch = 0 : i64, scratch_operands = 13 : i64, tpu.core_type = #tpu.core_type<sc_vector_subcore>, window_params = [{transform_indices = #map}, {transform_indices = #map}, {transform_indices = #map}, {transform_indices = #map}]} {
    %mul3A = arith.constant 2 : i32
    %mul3A_0 = arith.muli %arg1, %mul3A : i32
    %add3A = arith.addi %mul3A_0, %arg0 : i32
    %iota3A = tpu.iota {dimensions = array<i32: 0>} : vector<16xi32>
    %broadcast_in_dim3A = arith.constant 0.000000e+00 : f32
    %broadcast_in_dim3A_1 = vector.broadcast %broadcast_in_dim3A : f32 to vector<16xf32>
    %broadcast_in_dim3A_2 = arith.constant 0 : i32
    %broadcast_in_dim3A_3 = vector.broadcast %broadcast_in_dim3A_2 : i32 to vector<16xi32>
    %scan3A = arith.constant 0 : i32
    %scan3A_4 = arith.constant 0 : i32
    %scan3A_5 = arith.constant 8 : i32
    %scan3A_6 = arith.addi %scan3A_4, %scan3A_5 : i32
    %scan3A_7 = arith.constant 1 : i32
    %scan3A_8 = scf.for %scan3A_10 = %scan3A_4 to %scan3A_6 step %scan3A_7 iter_args(%scan3A_11 = %scan3A) -> (i32)  : i32 {
      %mul3A_12 = arith.constant 8 : i32
      %mul3A_13 = arith.muli %add3A, %mul3A_12 : i32
      %add3A_14 = arith.addi %mul3A_13, %scan3A_10 : i32
      %mul3A_15 = arith.constant 1024 : i32
      %mul3A_16 = arith.muli %add3A_14, %mul3A_15 : i32
      "tpu.region"() ({
        %run_scoped3A = tpu.sem_alloc : memref<!tpu.dma_semaphore, #tpu.memory_space<semaphore_mem>>
        %dma_start3A = tpu.memref_slice %arg2[%mul3A_16] : memref<262144xf32, #tpu.memory_space<hbm>> -> memref<1024xf32, #tpu.memory_space<hbm>>
        %dma_start3A_152 = tpu.memref_slice %arg2[%mul3A_16] : memref<262144xf32, #tpu.memory_space<hbm>> -> memref<1024xf32, #tpu.memory_space<hbm>>
        tpu.enqueue_dma source(%dma_start3A_152 : memref<1024xf32, #tpu.memory_space<hbm>>) target(%arg6 : memref<1024xf32, #tpu.memory_space<vmem>>) target_semaphore(%run_scoped3A : memref<!tpu.dma_semaphore, #tpu.memory_space<semaphore_mem>>)
        %dma_wait3A = tpu.memref_slice %arg2[%mul3A_16] : memref<262144xf32, #tpu.memory_space<hbm>> -> memref<1024xf32, #tpu.memory_space<hbm>>
        %dma_wait3A_153 = tpu.memref_slice %arg2[%mul3A_16] : memref<262144xf32, #tpu.memory_space<hbm>> -> memref<1024xf32, #tpu.memory_space<hbm>>
        tpu.wait_dma2 semaphore(%run_scoped3A : memref<!tpu.dma_semaphore, #tpu.memory_space<semaphore_mem>>) src(%dma_wait3A_153 : memref<1024xf32, #tpu.memory_space<hbm>>) dst(%arg6 : memref<1024xf32, #tpu.memory_space<vmem>>)
        tpu.yield
      }) : () -> ()
      %mul3A_17 = arith.constant 1024 : i32
      %mul3A_18 = arith.muli %add3A_14, %mul3A_17 : i32
      "tpu.region"() ({
        %run_scoped3A = tpu.sem_alloc : memref<!tpu.dma_semaphore, #tpu.memory_space<semaphore_mem>>
        %dma_start3A = tpu.memref_slice %arg3[%mul3A_18] : memref<262144xf32, #tpu.memory_space<hbm>> -> memref<1024xf32, #tpu.memory_space<hbm>>
        %dma_start3A_152 = tpu.memref_slice %arg3[%mul3A_18] : memref<262144xf32, #tpu.memory_space<hbm>> -> memref<1024xf32, #tpu.memory_space<hbm>>
        tpu.enqueue_dma source(%dma_start3A_152 : memref<1024xf32, #tpu.memory_space<hbm>>) target(%arg7 : memref<1024xf32, #tpu.memory_space<vmem>>) target_semaphore(%run_scoped3A : memref<!tpu.dma_semaphore, #tpu.memory_space<semaphore_mem>>)
        %dma_wait3A = tpu.memref_slice %arg3[%mul3A_18] : memref<262144xf32, #tpu.memory_space<hbm>> -> memref<1024xf32, #tpu.memory_space<hbm>>
        %dma_wait3A_153 = tpu.memref_slice %arg3[%mul3A_18] : memref<262144xf32, #tpu.memory_space<hbm>> -> memref<1024xf32, #tpu.memory_space<hbm>>
        tpu.wait_dma2 semaphore(%run_scoped3A : memref<!tpu.dma_semaphore, #tpu.memory_space<semaphore_mem>>) src(%dma_wait3A_153 : memref<1024xf32, #tpu.memory_space<hbm>>) dst(%arg7 : memref<1024xf32, #tpu.memory_space<vmem>>)
        tpu.yield
      }) : () -> ()
      %mul3A_19 = arith.constant 16 : i32
      %mul3A_20 = arith.muli %add3A_14, %mul3A_19 : i32
      "tpu.region"() ({
        %run_scoped3A = tpu.sem_alloc : memref<!tpu.dma_semaphore, #tpu.memory_space<semaphore_mem>>
        %dma_start3A = tpu.memref_slice %arg4[%mul3A_20] : memref<4096xf32, #tpu.memory_space<hbm>> -> memref<16xf32, #tpu.memory_space<hbm>>
        %dma_start3A_152 = tpu.memref_slice %arg4[%mul3A_20] : memref<4096xf32, #tpu.memory_space<hbm>> -> memref<16xf32, #tpu.memory_space<hbm>>
        tpu.enqueue_dma source(%dma_start3A_152 : memref<16xf32, #tpu.memory_space<hbm>>) target(%arg12 : memref<16xf32, #tpu.memory_space<vmem>>) target_semaphore(%run_scoped3A : memref<!tpu.dma_semaphore, #tpu.memory_space<semaphore_mem>>)
        %dma_wait3A = tpu.memref_slice %arg4[%mul3A_20] : memref<4096xf32, #tpu.memory_space<hbm>> -> memref<16xf32, #tpu.memory_space<hbm>>
        %dma_wait3A_153 = tpu.memref_slice %arg4[%mul3A_20] : memref<4096xf32, #tpu.memory_space<hbm>> -> memref<16xf32, #tpu.memory_space<hbm>>
        tpu.wait_dma2 semaphore(%run_scoped3A : memref<!tpu.dma_semaphore, #tpu.memory_space<semaphore_mem>>) src(%dma_wait3A_153 : memref<16xf32, #tpu.memory_space<hbm>>) dst(%arg12 : memref<16xf32, #tpu.memory_space<vmem>>)
        tpu.yield
      }) : () -> ()
      %scan3A_21 = arith.constant 0 : i32
      %scan3A_22 = arith.constant 0 : i32
      %scan3A_23 = arith.constant 64 : i32
      %scan3A_24 = arith.addi %scan3A_22, %scan3A_23 : i32
      %scan3A_25 = arith.constant 1 : i32
      %scan3A_26 = scf.for %scan3A_152 = %scan3A_22 to %scan3A_24 step %scan3A_25 iter_args(%scan3A_153 = %scan3A_21) -> (i32)  : i32 {
        %mul3A_154 = arith.constant 16 : i32
        %mul3A_155 = arith.muli %scan3A_152, %mul3A_154 : i32
        %get3A_156 = arith.index_cast %mul3A_155 : i32 to index
        %get3A_157 = tpu.vector_load %arg6[%get3A_156] {strides = array<i32>} : memref<1024xf32, #tpu.memory_space<vmem>>, vector<16xf32>,
        %get3A_158 = arith.index_cast %mul3A_155 : i32 to index
        %get3A_159 = tpu.vector_load %arg7[%get3A_158] {strides = array<i32>} : memref<1024xf32, #tpu.memory_space<vmem>>, vector<16xf32>,
        %bitcast_convert_type3A_160 = tpu.bitcast %get3A_157 : vector<16xf32> -> vector<16xi32>
        %and3A_161 = arith.constant -2147483648 : i32
        %and3A_162 = vector.broadcast %and3A_161 : i32 to vector<16xi32>
        %and3A_163 = arith.andi %bitcast_convert_type3A_160, %and3A_162 : vector<16xi32>
        %and3A_164 = arith.constant 2147483647 : i32
        %and3A_165 = vector.broadcast %and3A_164 : i32 to vector<16xi32>
        %and3A_166 = arith.andi %bitcast_convert_type3A_160, %and3A_165 : vector<16xi32>
        %shift_right_logical3A_167 = arith.constant 13 : i32
        %shift_right_logical3A_168 = vector.broadcast %shift_right_logical3A_167 : i32 to vector<16xi32>
        %shift_right_logical3A_169 = arith.shrui %and3A_166, %shift_right_logical3A_168 : vector<16xi32>
        %and3A_170 = arith.constant 1 : i32
        %and3A_171 = vector.broadcast %and3A_170 : i32 to vector<16xi32>
        %and3A_172 = arith.andi %shift_right_logical3A_169, %and3A_171 : vector<16xi32>
        %add3A_173 = arith.constant 4095 : i32
        %add3A_174 = vector.broadcast %add3A_173 : i32 to vector<16xi32>
        %add3A_175 = arith.addi %and3A_166, %add3A_174 : vector<16xi32>
        %add3A_176 = arith.addi %add3A_175, %and3A_172 : vector<16xi32>
        %and3A_177 = arith.constant -8192 : i32
        %and3A_178 = vector.broadcast %and3A_177 : i32 to vector<16xi32>
        %and3A_179 = arith.andi %add3A_176, %and3A_178 : vector<16xi32>
        %or3A_180 = arith.ori %and3A_163, %and3A_179 : vector<16xi32>
        %bitcast_convert_type3A_181 = tpu.bitcast %or3A_180 : vector<16xi32> -> vector<16xf32>
        %abs3A_182 = math.absf %get3A_157 : vector<16xf32>
        %add3A_183 = arith.constant 5.000000e-01 : f32
        %add3A_184 = vector.broadcast %add3A_183 : f32 to vector<16xf32>
        %add3A_185 = arith.addf %abs3A_182, %add3A_184 : vector<16xf32>
        %sub3A_186 = arith.constant 5.000000e-01 : f32
        %sub3A_187 = vector.broadcast %sub3A_186 : f32 to vector<16xf32>
        %sub3A_188 = arith.subf %add3A_185, %sub3A_187 : vector<16xf32>
        %lt3A_189 = arith.constant 0.000000e+00 : f32
        %lt3A_190 = vector.broadcast %lt3A_189 : f32 to vector<16xf32>
        %lt3A_191 = arith.cmpf olt, %get3A_157, %lt3A_190 : vector<16xf32>
        %neg3A_192 = arith.constant 0.000000e+00 : f32
        %neg3A_193 = vector.broadcast %neg3A_192 : f32 to vector<16xf32>
        %neg3A_194 = arith.subf %neg3A_193, %sub3A_188 : vector<16xf32>
        %select_n3A_195 = arith.select %lt3A_191, %neg3A_194, %sub3A_188 : vector<16xi1>, vector<16xf32>
        %ge3A_196 = arith.constant 6.10351563E-5 : f32
        %ge3A_197 = vector.broadcast %ge3A_196 : f32 to vector<16xf32>
        %ge3A_198 = arith.cmpf oge, %abs3A_182, %ge3A_197 : vector<16xf32>
        %select_n3A_199 = arith.select %ge3A_198, %bitcast_convert_type3A_181, %select_n3A_195 : vector<16xi1>, vector<16xf32>
        %bitcast_convert_type3A_200 = tpu.bitcast %select_n3A_199 : vector<16xf32> -> vector<16xi32>
        %shift_right_logical3A_201 = arith.constant 16 : i32
        %shift_right_logical3A_202 = vector.broadcast %shift_right_logical3A_201 : i32 to vector<16xi32>
        %shift_right_logical3A_203 = arith.shrui %bitcast_convert_type3A_200, %shift_right_logical3A_202 : vector<16xi32>
        %and3A_204 = arith.constant 1 : i32
        %and3A_205 = vector.broadcast %and3A_204 : i32 to vector<16xi32>
        %and3A_206 = arith.andi %shift_right_logical3A_203, %and3A_205 : vector<16xi32>
        %add3A_207 = arith.constant 32767 : i32
        %add3A_208 = vector.broadcast %add3A_207 : i32 to vector<16xi32>
        %add3A_209 = arith.addi %bitcast_convert_type3A_200, %add3A_208 : vector<16xi32>
        %add3A_210 = arith.addi %add3A_209, %and3A_206 : vector<16xi32>
        %and3A_211 = arith.constant -65536 : i32
        %and3A_212 = vector.broadcast %and3A_211 : i32 to vector<16xi32>
        %and3A_213 = arith.andi %add3A_210, %and3A_212 : vector<16xi32>
        %bitcast_convert_type3A_214 = tpu.bitcast %and3A_213 : vector<16xi32> -> vector<16xf32>
        %swap3A_215 = arith.index_cast %mul3A_155 : i32 to index
        %swap3A_216 = tpu.vector_load %arg8[%swap3A_215] {strides = array<i32>} : memref<1024xf32, #tpu.memory_space<vmem>>, vector<16xf32>,
        tpu.vector_store %arg8[%swap3A_215], %bitcast_convert_type3A_214 {strides = array<i32>} : memref<1024xf32, #tpu.memory_space<vmem>>, vector<16xf32>,
        %bitcast_convert_type3A_217 = tpu.bitcast %get3A_159 : vector<16xf32> -> vector<16xi32>
        %and3A_218 = arith.constant -2147483648 : i32
        %and3A_219 = vector.broadcast %and3A_218 : i32 to vector<16xi32>
        %and3A_220 = arith.andi %bitcast_convert_type3A_217, %and3A_219 : vector<16xi32>
        %and3A_221 = arith.constant 2147483647 : i32
        %and3A_222 = vector.broadcast %and3A_221 : i32 to vector<16xi32>
        %and3A_223 = arith.andi %bitcast_convert_type3A_217, %and3A_222 : vector<16xi32>
        %shift_right_logical3A_224 = arith.constant 13 : i32
        %shift_right_logical3A_225 = vector.broadcast %shift_right_logical3A_224 : i32 to vector<16xi32>
        %shift_right_logical3A_226 = arith.shrui %and3A_223, %shift_right_logical3A_225 : vector<16xi32>
        %and3A_227 = arith.constant 1 : i32
        %and3A_228 = vector.broadcast %and3A_227 : i32 to vector<16xi32>
        %and3A_229 = arith.andi %shift_right_logical3A_226, %and3A_228 : vector<16xi32>
        %add3A_230 = arith.constant 4095 : i32
        %add3A_231 = vector.broadcast %add3A_230 : i32 to vector<16xi32>
        %add3A_232 = arith.addi %and3A_223, %add3A_231 : vector<16xi32>
        %add3A_233 = arith.addi %add3A_232, %and3A_229 : vector<16xi32>
        %and3A_234 = arith.constant -8192 : i32
        %and3A_235 = vector.broadcast %and3A_234 : i32 to vector<16xi32>
        %and3A_236 = arith.andi %add3A_233, %and3A_235 : vector<16xi32>
        %or3A_237 = arith.ori %and3A_220, %and3A_236 : vector<16xi32>
        %bitcast_convert_type3A_238 = tpu.bitcast %or3A_237 : vector<16xi32> -> vector<16xf32>
        %abs3A_239 = math.absf %get3A_159 : vector<16xf32>
        %add3A_240 = arith.constant 5.000000e-01 : f32
        %add3A_241 = vector.broadcast %add3A_240 : f32 to vector<16xf32>
        %add3A_242 = arith.addf %abs3A_239, %add3A_241 : vector<16xf32>
        %sub3A_243 = arith.constant 5.000000e-01 : f32
        %sub3A_244 = vector.broadcast %sub3A_243 : f32 to vector<16xf32>
        %sub3A_245 = arith.subf %add3A_242, %sub3A_244 : vector<16xf32>
        %lt3A_246 = arith.constant 0.000000e+00 : f32
        %lt3A_247 = vector.broadcast %lt3A_246 : f32 to vector<16xf32>
        %lt3A_248 = arith.cmpf olt, %get3A_159, %lt3A_247 : vector<16xf32>
        %neg3A_249 = arith.constant 0.000000e+00 : f32
        %neg3A_250 = vector.broadcast %neg3A_249 : f32 to vector<16xf32>
        %neg3A_251 = arith.subf %neg3A_250, %sub3A_245 : vector<16xf32>
        %select_n3A_252 = arith.select %lt3A_248, %neg3A_251, %sub3A_245 : vector<16xi1>, vector<16xf32>
        %ge3A_253 = arith.constant 6.10351563E-5 : f32
        %ge3A_254 = vector.broadcast %ge3A_253 : f32 to vector<16xf32>
        %ge3A_255 = arith.cmpf oge, %abs3A_239, %ge3A_254 : vector<16xf32>
        %select_n3A_256 = arith.select %ge3A_255, %bitcast_convert_type3A_238, %select_n3A_252 : vector<16xi1>, vector<16xf32>
        %bitcast_convert_type3A_257 = tpu.bitcast %select_n3A_256 : vector<16xf32> -> vector<16xi32>
        %shift_right_logical3A_258 = arith.constant 16 : i32
        %shift_right_logical3A_259 = vector.broadcast %shift_right_logical3A_258 : i32 to vector<16xi32>
        %shift_right_logical3A_260 = arith.shrui %bitcast_convert_type3A_257, %shift_right_logical3A_259 : vector<16xi32>
        %and3A_261 = arith.constant 1 : i32
        %and3A_262 = vector.broadcast %and3A_261 : i32 to vector<16xi32>
        %and3A_263 = arith.andi %shift_right_logical3A_260, %and3A_262 : vector<16xi32>
        %add3A_264 = arith.constant 32767 : i32
        %add3A_265 = vector.broadcast %add3A_264 : i32 to vector<16xi32>
        %add3A_266 = arith.addi %bitcast_convert_type3A_257, %add3A_265 : vector<16xi32>
        %add3A_267 = arith.addi %add3A_266, %and3A_263 : vector<16xi32>
        %and3A_268 = arith.constant -65536 : i32
        %and3A_269 = vector.broadcast %and3A_268 : i32 to vector<16xi32>
        %and3A_270 = arith.andi %add3A_267, %and3A_269 : vector<16xi32>
        %bitcast_convert_type3A_271 = tpu.bitcast %and3A_270 : vector<16xi32> -> vector<16xf32>
        %swap3A_272 = arith.index_cast %mul3A_155 : i32 to index
        %swap3A_273 = tpu.vector_load %arg9[%swap3A_272] {strides = array<i32>} : memref<1024xf32, #tpu.memory_space<vmem>>, vector<16xf32>,
        tpu.vector_store %arg9[%swap3A_272], %bitcast_convert_type3A_271 {strides = array<i32>} : memref<1024xf32, #tpu.memory_space<vmem>>, vector<16xf32>,
        %mul3A_274 = arith.mulf %get3A_157, %get3A_157 : vector<16xf32>
        %mul3A_275 = arith.mulf %get3A_159, %get3A_159 : vector<16xf32>
        %add3A_276 = arith.addf %mul3A_274, %mul3A_275 : vector<16xf32>
        %swap3A_277 = arith.index_cast %mul3A_155 : i32 to index
        %swap3A_278 = tpu.vector_load %arg10[%swap3A_277] {strides = array<i32>} : memref<1024xf32, #tpu.memory_space<vmem>>, vector<16xf32>,
        tpu.vector_store %arg10[%swap3A_277], %add3A_276 {strides = array<i32>} : memref<1024xf32, #tpu.memory_space<vmem>>, vector<16xf32>,
        %scan3A_279 = arith.constant 0 : i32
        scf.yield %scan3A_279 : i32
      }
      %scan3A_27 = arith.constant 64 : i32
      %get3A = arith.constant 0 : index
      %get3A_28 = tpu.vector_load %arg6[%get3A] {strides = array<i32>} : memref<1024xf32, #tpu.memory_space<vmem>>, vector<16xf32>,
      %slice3A = vector.extract_strided_slice %get3A_28 {offsets = [0], sizes = [1], strides = [1]} : vector<16xf32> to vector<1xf32>
      %squeeze3A = vector.extract %slice3A[0] : f32 from vector<1xf32>
      %get3A_29 = arith.constant 0 : index
      %get3A_30 = tpu.vector_load %arg7[%get3A_29] {strides = array<i32>} : memref<1024xf32, #tpu.memory_space<vmem>>, vector<16xf32>,
      %slice3A_31 = vector.extract_strided_slice %get3A_30 {offsets = [0], sizes = [1], strides = [1]} : vector<16xf32> to vector<1xf32>
      %squeeze3A_32 = vector.extract %slice3A_31[0] : f32 from vector<1xf32>
      %get3A_33 = arith.constant 0 : index
      %get3A_34 = tpu.vector_load %arg8[%get3A_33] {strides = array<i32>} : memref<1024xf32, #tpu.memory_space<vmem>>, vector<16xf32>,
      %slice3A_35 = vector.extract_strided_slice %get3A_34 {offsets = [0], sizes = [1], strides = [1]} : vector<16xf32> to vector<1xf32>
      %squeeze3A_36 = vector.extract %slice3A_35[0] : f32 from vector<1xf32>
      %get3A_37 = arith.constant 0 : index
      %get3A_38 = tpu.vector_load %arg9[%get3A_37] {strides = array<i32>} : memref<1024xf32, #tpu.memory_space<vmem>>, vector<16xf32>,
      %slice3A_39 = vector.extract_strided_slice %get3A_38 {offsets = [0], sizes = [1], strides = [1]} : vector<16xf32> to vector<1xf32>
      %squeeze3A_40 = vector.extract %slice3A_39[0] : f32 from vector<1xf32>
      %mul3A_41 = arith.mulf %squeeze3A, %squeeze3A : f32
      %mul3A_42 = arith.mulf %squeeze3A_32, %squeeze3A_32 : f32
      %add3A_43 = arith.addf %mul3A_41, %mul3A_42 : f32
      %scan3A_44 = arith.constant 0 : i32
      %scan3A_45 = arith.constant 0 : i32
      %scan3A_46 = arith.constant 64 : i32
      %scan3A_47 = arith.addi %scan3A_45, %scan3A_46 : i32
      %scan3A_48 = arith.constant 1 : i32
      %scan3A_49 = scf.for %scan3A_152 = %scan3A_45 to %scan3A_47 step %scan3A_48 iter_args(%scan3A_153 = %scan3A_44) -> (i32)  : i32 {
        %mul3A_154 = arith.constant 16 : i32
        %mul3A_155 = arith.muli %scan3A_152, %mul3A_154 : i32
        %get3A_156 = arith.index_cast %mul3A_155 : i32 to index
        %get3A_157 = tpu.vector_load %arg10[%get3A_156] {strides = array<i32>} : memref<1024xf32, #tpu.memory_space<vmem>>, vector<16xf32>,
        %add3A_158 = vector.broadcast %add3A_43 : f32 to vector<16xf32>
        %add3A_159 = arith.addf %add3A_158, %get3A_157 : vector<16xf32>
        %get3A_160 = arith.index_cast %mul3A_155 : i32 to index
        %get3A_161 = tpu.vector_load %arg8[%get3A_160] {strides = array<i32>} : memref<1024xf32, #tpu.memory_space<vmem>>, vector<16xf32>,
        %mul3A_162 = vector.broadcast %squeeze3A_36 : f32 to vector<16xf32>
        %mul3A_163 = arith.mulf %mul3A_162, %get3A_161 : vector<16xf32>
        %get3A_164 = arith.index_cast %mul3A_155 : i32 to index
        %get3A_165 = tpu.vector_load %arg9[%get3A_164] {strides = array<i32>} : memref<1024xf32, #tpu.memory_space<vmem>>, vector<16xf32>,
        %mul3A_166 = vector.broadcast %squeeze3A_40 : f32 to vector<16xf32>
        %mul3A_167 = arith.mulf %mul3A_166, %get3A_165 : vector<16xf32>
        %add3A_168 = arith.addf %mul3A_163, %mul3A_167 : vector<16xf32>
        %mul3A_169 = arith.constant 2.000000e+00 : f32
        %mul3A_170 = vector.broadcast %mul3A_169 : f32 to vector<16xf32>
        %mul3A_171 = arith.mulf %mul3A_170, %add3A_168 : vector<16xf32>
        %sub3A_172 = arith.subf %add3A_159, %mul3A_171 : vector<16xf32>
        %max3A = arith.constant 0.000000e+00 : f32
        %max3A_173 = vector.broadcast %max3A : f32 to vector<16xf32>
        %max3A_174 = arith.maximumf %sub3A_172, %max3A_173 : vector<16xf32>
        %bitcast_convert_type3A_175 = tpu.bitcast %max3A_174 : vector<16xf32> -> vector<16xi32>
        %shift_right_logical3A_176 = arith.constant 1 : i32
        %shift_right_logical3A_177 = vector.broadcast %shift_right_logical3A_176 : i32 to vector<16xi32>
        %shift_right_logical3A_178 = arith.shrui %bitcast_convert_type3A_175, %shift_right_logical3A_177 : vector<16xi32>
        %add3A_179 = arith.constant 532487669 : i32
        %add3A_180 = vector.broadcast %add3A_179 : i32 to vector<16xi32>
        %add3A_181 = arith.addi %shift_right_logical3A_178, %add3A_180 : vector<16xi32>
        %bitcast_convert_type3A_182 = tpu.bitcast %add3A_181 : vector<16xi32> -> vector<16xf32>
        %div3A = arith.divf %max3A_174, %bitcast_convert_type3A_182 : vector<16xf32>
        %add3A_183 = arith.addf %bitcast_convert_type3A_182, %div3A : vector<16xf32>
        %mul3A_184 = arith.constant 5.000000e-01 : f32
        %mul3A_185 = vector.broadcast %mul3A_184 : f32 to vector<16xf32>
        %mul3A_186 = arith.mulf %mul3A_185, %add3A_183 : vector<16xf32>
        %div3A_187 = arith.divf %max3A_174, %mul3A_186 : vector<16xf32>
        %add3A_188 = arith.addf %mul3A_186, %div3A_187 : vector<16xf32>
        %mul3A_189 = arith.constant 5.000000e-01 : f32
        %mul3A_190 = vector.broadcast %mul3A_189 : f32 to vector<16xf32>
        %mul3A_191 = arith.mulf %mul3A_190, %add3A_188 : vector<16xf32>
        %div3A_192 = arith.divf %max3A_174, %mul3A_191 : vector<16xf32>
        %add3A_193 = arith.addf %mul3A_191, %div3A_192 : vector<16xf32>
        %mul3A_194 = arith.constant 5.000000e-01 : f32
        %mul3A_195 = vector.broadcast %mul3A_194 : f32 to vector<16xf32>
        %mul3A_196 = arith.mulf %mul3A_195, %add3A_193 : vector<16xf32>
        %gt3A = arith.constant 0.000000e+00 : f32
        %gt3A_197 = vector.broadcast %gt3A : f32 to vector<16xf32>
        %gt3A_198 = arith.cmpf ogt, %max3A_174, %gt3A_197 : vector<16xf32>
        %jit3A = arith.constant 0.000000e+00 : f32
        %broadcast_in_dim3A_199 = vector.broadcast %jit3A : f32 to vector<16xf32>
        %select_n3A_200 = arith.select %gt3A_198, %mul3A_196, %broadcast_in_dim3A_199 : vector<16xi1>, vector<16xf32>
        %bitcast_convert_type3A_201 = tpu.bitcast %select_n3A_200 : vector<16xf32> -> vector<16xi32>
        %and3A_202 = arith.constant -2147483648 : i32
        %and3A_203 = vector.broadcast %and3A_202 : i32 to vector<16xi32>
        %and3A_204 = arith.andi %bitcast_convert_type3A_201, %and3A_203 : vector<16xi32>
        %and3A_205 = arith.constant 2147483647 : i32
        %and3A_206 = vector.broadcast %and3A_205 : i32 to vector<16xi32>
        %and3A_207 = arith.andi %bitcast_convert_type3A_201, %and3A_206 : vector<16xi32>
        %shift_right_logical3A_208 = arith.constant 13 : i32
        %shift_right_logical3A_209 = vector.broadcast %shift_right_logical3A_208 : i32 to vector<16xi32>
        %shift_right_logical3A_210 = arith.shrui %and3A_207, %shift_right_logical3A_209 : vector<16xi32>
        %and3A_211 = arith.constant 1 : i32
        %and3A_212 = vector.broadcast %and3A_211 : i32 to vector<16xi32>
        %and3A_213 = arith.andi %shift_right_logical3A_210, %and3A_212 : vector<16xi32>
        %add3A_214 = arith.constant 4095 : i32
        %add3A_215 = vector.broadcast %add3A_214 : i32 to vector<16xi32>
        %add3A_216 = arith.addi %and3A_207, %add3A_215 : vector<16xi32>
        %add3A_217 = arith.addi %add3A_216, %and3A_213 : vector<16xi32>
        %and3A_218 = arith.constant -8192 : i32
        %and3A_219 = vector.broadcast %and3A_218 : i32 to vector<16xi32>
        %and3A_220 = arith.andi %add3A_217, %and3A_219 : vector<16xi32>
        %or3A_221 = arith.ori %and3A_204, %and3A_220 : vector<16xi32>
        %bitcast_convert_type3A_222 = tpu.bitcast %or3A_221 : vector<16xi32> -> vector<16xf32>
        %abs3A_223 = math.absf %select_n3A_200 : vector<16xf32>
        %add3A_224 = arith.constant 5.000000e-01 : f32
        %add3A_225 = vector.broadcast %add3A_224 : f32 to vector<16xf32>
        %add3A_226 = arith.addf %abs3A_223, %add3A_225 : vector<16xf32>
        %sub3A_227 = arith.constant 5.000000e-01 : f32
        %sub3A_228 = vector.broadcast %sub3A_227 : f32 to vector<16xf32>
        %sub3A_229 = arith.subf %add3A_226, %sub3A_228 : vector<16xf32>
        %lt3A_230 = arith.constant 0.000000e+00 : f32
        %lt3A_231 = vector.broadcast %lt3A_230 : f32 to vector<16xf32>
        %lt3A_232 = arith.cmpf olt, %select_n3A_200, %lt3A_231 : vector<16xf32>
        %neg3A_233 = arith.constant 0.000000e+00 : f32
        %neg3A_234 = vector.broadcast %neg3A_233 : f32 to vector<16xf32>
        %neg3A_235 = arith.subf %neg3A_234, %sub3A_229 : vector<16xf32>
        %select_n3A_236 = arith.select %lt3A_232, %neg3A_235, %sub3A_229 : vector<16xi1>, vector<16xf32>
        %ge3A_237 = arith.constant 6.10351563E-5 : f32
        %ge3A_238 = vector.broadcast %ge3A_237 : f32 to vector<16xf32>
        %ge3A_239 = arith.cmpf oge, %abs3A_223, %ge3A_238 : vector<16xf32>
        %select_n3A_240 = arith.select %ge3A_239, %bitcast_convert_type3A_222, %select_n3A_236 : vector<16xi1>, vector<16xf32>
        %swap3A_241 = arith.index_cast %mul3A_155 : i32 to index
        %swap3A_242 = tpu.vector_load %arg11[%swap3A_241] {strides = array<i32>} : memref<1024xf32, #tpu.memory_space<vmem>>, vector<16xf32>,
        tpu.vector_store %arg11[%swap3A_241], %select_n3A_240 {strides = array<i32>} : memref<1024xf32, #tpu.memory_space<vmem>>, vector<16xf32>,
        %scan3A_243 = arith.constant 0 : i32
        scf.yield %scan3A_243 : i32
      }
      %scan3A_50 = arith.constant 64 : i32
      %eq3A = arith.constant 0 : i32
      %eq3A_51 = vector.broadcast %eq3A : i32 to vector<16xi32>
      %eq3A_52 = arith.cmpi eq, %iota3A, %eq3A_51 : vector<16xi32>
      %add3A_53 = vector.broadcast %squeeze3A : f32 to vector<16xf32>
      %add3A_54 = arith.addf %broadcast_in_dim3A_1, %add3A_53 : vector<16xf32>
      %bitcast_convert_type3A = tpu.bitcast %add3A_54 : vector<16xf32> -> vector<16xi32>
      %and3A = arith.constant -2147483648 : i32
      %and3A_55 = vector.broadcast %and3A : i32 to vector<16xi32>
      %and3A_56 = arith.andi %bitcast_convert_type3A, %and3A_55 : vector<16xi32>
      %and3A_57 = arith.constant 2147483647 : i32
      %and3A_58 = vector.broadcast %and3A_57 : i32 to vector<16xi32>
      %and3A_59 = arith.andi %bitcast_convert_type3A, %and3A_58 : vector<16xi32>
      %shift_right_logical3A = arith.constant 13 : i32
      %shift_right_logical3A_60 = vector.broadcast %shift_right_logical3A : i32 to vector<16xi32>
      %shift_right_logical3A_61 = arith.shrui %and3A_59, %shift_right_logical3A_60 : vector<16xi32>
      %and3A_62 = arith.constant 1 : i32
      %and3A_63 = vector.broadcast %and3A_62 : i32 to vector<16xi32>
      %and3A_64 = arith.andi %shift_right_logical3A_61, %and3A_63 : vector<16xi32>
      %add3A_65 = arith.constant 4095 : i32
      %add3A_66 = vector.broadcast %add3A_65 : i32 to vector<16xi32>
      %add3A_67 = arith.addi %and3A_59, %add3A_66 : vector<16xi32>
      %add3A_68 = arith.addi %add3A_67, %and3A_64 : vector<16xi32>
      %and3A_69 = arith.constant -8192 : i32
      %and3A_70 = vector.broadcast %and3A_69 : i32 to vector<16xi32>
      %and3A_71 = arith.andi %add3A_68, %and3A_70 : vector<16xi32>
      %or3A = arith.ori %and3A_56, %and3A_71 : vector<16xi32>
      %bitcast_convert_type3A_72 = tpu.bitcast %or3A : vector<16xi32> -> vector<16xf32>
      %abs3A = math.absf %add3A_54 : vector<16xf32>
      %add3A_73 = arith.constant 5.000000e-01 : f32
      %add3A_74 = vector.broadcast %add3A_73 : f32 to vector<16xf32>
      %add3A_75 = arith.addf %abs3A, %add3A_74 : vector<16xf32>
      %sub3A = arith.constant 5.000000e-01 : f32
      %sub3A_76 = vector.broadcast %sub3A : f32 to vector<16xf32>
      %sub3A_77 = arith.subf %add3A_75, %sub3A_76 : vector<16xf32>
      %lt3A = arith.constant 0.000000e+00 : f32
      %lt3A_78 = vector.broadcast %lt3A : f32 to vector<16xf32>
      %lt3A_79 = arith.cmpf olt, %add3A_54, %lt3A_78 : vector<16xf32>
      %neg3A = arith.constant 0.000000e+00 : f32
      %neg3A_80 = vector.broadcast %neg3A : f32 to vector<16xf32>
      %neg3A_81 = arith.subf %neg3A_80, %sub3A_77 : vector<16xf32>
      %select_n3A = arith.select %lt3A_79, %neg3A_81, %sub3A_77 : vector<16xi1>, vector<16xf32>
      %ge3A = arith.constant 6.10351563E-5 : f32
      %ge3A_82 = vector.broadcast %ge3A : f32 to vector<16xf32>
      %ge3A_83 = arith.cmpf oge, %abs3A, %ge3A_82 : vector<16xf32>
      %select_n3A_84 = arith.select %ge3A_83, %bitcast_convert_type3A_72, %select_n3A : vector<16xi1>, vector<16xf32>
      %select_n3A_85 = arith.select %eq3A_52, %select_n3A_84, %broadcast_in_dim3A_1 : vector<16xi1>, vector<16xf32>
      %eq3A_86 = arith.constant 0 : i32
      %eq3A_87 = vector.broadcast %eq3A_86 : i32 to vector<16xi32>
      %eq3A_88 = arith.cmpi eq, %iota3A, %eq3A_87 : vector<16xi32>
      %add3A_89 = vector.broadcast %squeeze3A_32 : f32 to vector<16xf32>
      %add3A_90 = arith.addf %broadcast_in_dim3A_1, %add3A_89 : vector<16xf32>
      %bitcast_convert_type3A_91 = tpu.bitcast %add3A_90 : vector<16xf32> -> vector<16xi32>
      %and3A_92 = arith.constant -2147483648 : i32
      %and3A_93 = vector.broadcast %and3A_92 : i32 to vector<16xi32>
      %and3A_94 = arith.andi %bitcast_convert_type3A_91, %and3A_93 : vector<16xi32>
      %and3A_95 = arith.constant 2147483647 : i32
      %and3A_96 = vector.broadcast %and3A_95 : i32 to vector<16xi32>
      %and3A_97 = arith.andi %bitcast_convert_type3A_91, %and3A_96 : vector<16xi32>
      %shift_right_logical3A_98 = arith.constant 13 : i32
      %shift_right_logical3A_99 = vector.broadcast %shift_right_logical3A_98 : i32 to vector<16xi32>
      %shift_right_logical3A_100 = arith.shrui %and3A_97, %shift_right_logical3A_99 : vector<16xi32>
      %and3A_101 = arith.constant 1 : i32
      %and3A_102 = vector.broadcast %and3A_101 : i32 to vector<16xi32>
      %and3A_103 = arith.andi %shift_right_logical3A_100, %and3A_102 : vector<16xi32>
      %add3A_104 = arith.constant 4095 : i32
      %add3A_105 = vector.broadcast %add3A_104 : i32 to vector<16xi32>
      %add3A_106 = arith.addi %and3A_97, %add3A_105 : vector<16xi32>
      %add3A_107 = arith.addi %add3A_106, %and3A_103 : vector<16xi32>
      %and3A_108 = arith.constant -8192 : i32
      %and3A_109 = vector.broadcast %and3A_108 : i32 to vector<16xi32>
      %and3A_110 = arith.andi %add3A_107, %and3A_109 : vector<16xi32>
      %or3A_111 = arith.ori %and3A_94, %and3A_110 : vector<16xi32>
      %bitcast_convert_type3A_112 = tpu.bitcast %or3A_111 : vector<16xi32> -> vector<16xf32>
      %abs3A_113 = math.absf %add3A_90 : vector<16xf32>
      %add3A_114 = arith.constant 5.000000e-01 : f32
      %add3A_115 = vector.broadcast %add3A_114 : f32 to vector<16xf32>
      %add3A_116 = arith.addf %abs3A_113, %add3A_115 : vector<16xf32>
      %sub3A_117 = arith.constant 5.000000e-01 : f32
      %sub3A_118 = vector.broadcast %sub3A_117 : f32 to vector<16xf32>
      %sub3A_119 = arith.subf %add3A_116, %sub3A_118 : vector<16xf32>
      %lt3A_120 = arith.constant 0.000000e+00 : f32
      %lt3A_121 = vector.broadcast %lt3A_120 : f32 to vector<16xf32>
      %lt3A_122 = arith.cmpf olt, %add3A_90, %lt3A_121 : vector<16xf32>
      %neg3A_123 = arith.constant 0.000000e+00 : f32
      %neg3A_124 = vector.broadcast %neg3A_123 : f32 to vector<16xf32>
      %neg3A_125 = arith.subf %neg3A_124, %sub3A_119 : vector<16xf32>
      %select_n3A_126 = arith.select %lt3A_122, %neg3A_125, %sub3A_119 : vector<16xi1>, vector<16xf32>
      %ge3A_127 = arith.constant 6.10351563E-5 : f32
      %ge3A_128 = vector.broadcast %ge3A_127 : f32 to vector<16xf32>
      %ge3A_129 = arith.cmpf oge, %abs3A_113, %ge3A_128 : vector<16xf32>
      %select_n3A_130 = arith.select %ge3A_129, %bitcast_convert_type3A_112, %select_n3A_126 : vector<16xi1>, vector<16xf32>
      %select_n3A_131 = arith.select %eq3A_88, %select_n3A_130, %broadcast_in_dim3A_1 : vector<16xi1>, vector<16xf32>
      %scan3A_132 = arith.constant 1 : i32
      %scan3A_133 = arith.constant 15 : i32
      %scan3A_134 = arith.addi %scan3A_132, %scan3A_133 : i32
      %scan3A_135 = arith.constant 1 : i32
      %scan3A_136:2 = scf.for %scan3A_152 = %scan3A_132 to %scan3A_134 step %scan3A_135 iter_args(%scan3A_153 = %select_n3A_85, %scan3A_154 = %select_n3A_131) -> (vector<16xf32>, vector<16xf32>)  : i32 {
        %get3A_155 = arith.constant 0 : index
        %get3A_156 = tpu.vector_load %arg12[%get3A_155] {strides = array<i32>} : memref<16xf32, #tpu.memory_space<vmem>>, vector<16xf32>,
        %eq3A_157 = vector.broadcast %scan3A_152 : i32 to vector<16xi32>
        %eq3A_158 = arith.cmpi eq, %iota3A, %eq3A_157 : vector<16xi32>
        %jit3A = arith.constant 0.000000e+00 : f32
        %broadcast_in_dim3A_159 = vector.broadcast %jit3A : f32 to vector<16xf32>
        %select_n3A_160 = arith.select %eq3A_158, %get3A_156, %broadcast_in_dim3A_159 : vector<16xi1>, vector<16xf32>
        %reduce_sum3A = arith.constant true
        %reduce_sum3A_161 = vector.broadcast %reduce_sum3A : i1 to vector<16xi1>
        %reduce_sum3A_162 = tpu.scan <sum>, %select_n3A_160 masked %reduce_sum3A_161 : vector<16xf32>, vector<16xi1> -> vector<16xf32>
        %reduce_sum3A_163 = vector.extract %reduce_sum3A_162[15] : f32 from vector<16xf32>
        %scan3A_164 = arith.constant 0.000000e+00 : f32
        %scan3A_165 = arith.constant 0 : i32
        %scan3A_166 = arith.constant 64 : i32
        %scan3A_167 = arith.addi %scan3A_165, %scan3A_166 : i32
        %scan3A_168 = arith.constant 1 : i32
        %scan3A_169 = scf.for %scan3A_335 = %scan3A_165 to %scan3A_167 step %scan3A_168 iter_args(%scan3A_336 = %scan3A_164) -> (f32)  : i32 {
          %mul3A_337 = arith.constant 16 : i32
          %mul3A_338 = arith.muli %scan3A_335, %mul3A_337 : i32
          %get3A_339 = arith.index_cast %mul3A_338 : i32 to index
          %get3A_340 = tpu.vector_load %arg11[%get3A_339] {strides = array<i32>} : memref<1024xf32, #tpu.memory_space<vmem>>, vector<16xf32>,
          %reduce_sum3A_341 = arith.constant true
          %reduce_sum3A_342 = vector.broadcast %reduce_sum3A_341 : i1 to vector<16xi1>
          %reduce_sum3A_343 = tpu.scan <sum>, %get3A_340 masked %reduce_sum3A_342 : vector<16xf32>, vector<16xi1> -> vector<16xf32>
          %reduce_sum3A_344 = vector.extract %reduce_sum3A_343[15] : f32 from vector<16xf32>
          %add3A_345 = arith.addf %scan3A_336, %reduce_sum3A_344 : f32
          scf.yield %add3A_345 : f32
        }
        %scan3A_170 = arith.constant 64 : i32
        %scan3A_171 = arith.constant 0.000000e+00 : f32
        %scan3A_172 = arith.constant 0 : i32
        %scan3A_173 = arith.constant 0 : i32
        %scan3A_174 = arith.constant 64 : i32
        %scan3A_175 = arith.addi %scan3A_173, %scan3A_174 : i32
        %scan3A_176 = arith.constant 1 : i32
        %scan3A_177:2 = scf.for %scan3A_335 = %scan3A_173 to %scan3A_175 step %scan3A_176 iter_args(%scan3A_336 = %scan3A_171, %scan3A_337 = %scan3A_172) -> (f32, i32)  : i32 {
          %mul3A_338 = arith.constant 16 : i32
          %mul3A_339 = arith.muli %scan3A_335, %mul3A_338 : i32
          %get3A_340 = arith.index_cast %mul3A_339 : i32 to index
          %get3A_341 = tpu.vector_load %arg11[%get3A_340] {strides = array<i32>} : memref<1024xf32, #tpu.memory_space<vmem>>, vector<16xf32>,
          %div3A = vector.broadcast %scan3A_169 : f32 to vector<16xf32>
          %div3A_342 = arith.divf %get3A_341, %div3A : vector<16xf32>
          %cumsum3A = arith.constant true
          %cumsum3A_343 = vector.broadcast %cumsum3A : i1 to vector<16xi1>
          %cumsum3A_344 = tpu.scan <sum>, %div3A_342 masked %cumsum3A_343 : vector<16xf32>, vector<16xi1> -> vector<16xf32>
          %add3A_345 = vector.broadcast %scan3A_336 : f32 to vector<16xf32>
          %add3A_346 = arith.addf %cumsum3A_344, %add3A_345 : vector<16xf32>
          %lt3A_347 = vector.broadcast %reduce_sum3A_163 : f32 to vector<16xf32>
          %lt3A_348 = arith.cmpf olt, %add3A_346, %lt3A_347 : vector<16xf32>
          %convert_element_type3A = arith.extui %lt3A_348 : vector<16xi1> to vector<16xi32>
          %reduce_sum3A_349 = arith.constant true
          %reduce_sum3A_350 = vector.broadcast %reduce_sum3A_349 : i1 to vector<16xi1>
          %reduce_sum3A_351 = tpu.scan <sum>, %convert_element_type3A masked %reduce_sum3A_350 : vector<16xi32>, vector<16xi1> -> vector<16xi32>
          %reduce_sum3A_352 = vector.extract %reduce_sum3A_351[15] : i32 from vector<16xi32>
          %add3A_353 = arith.addi %scan3A_337, %reduce_sum3A_352 : i32
          %reduce_sum3A_354 = arith.constant true
          %reduce_sum3A_355 = vector.broadcast %reduce_sum3A_354 : i1 to vector<16xi1>
          %reduce_sum3A_356 = tpu.scan <sum>, %div3A_342 masked %reduce_sum3A_355 : vector<16xf32>, vector<16xi1> -> vector<16xf32>
          %reduce_sum3A_357 = vector.extract %reduce_sum3A_356[15] : f32 from vector<16xf32>
          %add3A_358 = arith.addf %scan3A_336, %reduce_sum3A_357 : f32
          scf.yield %add3A_358, %add3A_353 : f32, i32
        }
        %scan3A_178 = arith.constant 64 : i32
        %min3A = arith.constant 1023 : i32
        %min3A_179 = arith.minsi %scan3A_177#1, %min3A : i32
        %shift_right_arithmetic3A = arith.constant 4 : i32
        %shift_right_arithmetic3A_180 = arith.shrsi %min3A_179, %shift_right_arithmetic3A : i32
        %shift_left3A = arith.constant 4 : i32
        %shift_left3A_181 = arith.shli %shift_right_arithmetic3A_180, %shift_left3A : i32
        %sub3A_182 = arith.subi %min3A_179, %shift_left3A_181 : i32
        %get3A_183 = arith.index_cast %shift_left3A_181 : i32 to index
        %get3A_184 = tpu.vector_load %arg6[%get3A_183] {strides = array<i32>} : memref<1024xf32, #tpu.memory_space<vmem>>, vector<16xf32>,
        %eq3A_185 = vector.broadcast %sub3A_182 : i32 to vector<16xi32>
        %eq3A_186 = arith.cmpi eq, %iota3A, %eq3A_185 : vector<16xi32>
        %jit3A_187 = arith.constant 0.000000e+00 : f32
        %broadcast_in_dim3A_188 = vector.broadcast %jit3A_187 : f32 to vector<16xf32>
        %select_n3A_189 = arith.select %eq3A_186, %get3A_184, %broadcast_in_dim3A_188 : vector<16xi1>, vector<16xf32>
        %reduce_sum3A_190 = arith.constant true
        %reduce_sum3A_191 = vector.broadcast %reduce_sum3A_190 : i1 to vector<16xi1>
        %reduce_sum3A_192 = tpu.scan <sum>, %select_n3A_189 masked %reduce_sum3A_191 : vector<16xf32>, vector<16xi1> -> vector<16xf32>
        %reduce_sum3A_193 = vector.extract %reduce_sum3A_192[15] : f32 from vector<16xf32>
        %get3A_194 = arith.index_cast %shift_left3A_181 : i32 to index
        %get3A_195 = tpu.vector_load %arg7[%get3A_194] {strides = array<i32>} : memref<1024xf32, #tpu.memory_space<vmem>>, vector<16xf32>,
        %eq3A_196 = vector.broadcast %sub3A_182 : i32 to vector<16xi32>
        %eq3A_197 = arith.cmpi eq, %iota3A, %eq3A_196 : vector<16xi32>
        %jit3A_198 = arith.constant 0.000000e+00 : f32
        %broadcast_in_dim3A_199 = vector.broadcast %jit3A_198 : f32 to vector<16xf32>
        %select_n3A_200 = arith.select %eq3A_197, %get3A_195, %broadcast_in_dim3A_199 : vector<16xi1>, vector<16xf32>
        %reduce_sum3A_201 = arith.constant true
        %reduce_sum3A_202 = vector.broadcast %reduce_sum3A_201 : i1 to vector<16xi1>
        %reduce_sum3A_203 = tpu.scan <sum>, %select_n3A_200 masked %reduce_sum3A_202 : vector<16xf32>, vector<16xi1> -> vector<16xf32>
        %reduce_sum3A_204 = vector.extract %reduce_sum3A_203[15] : f32 from vector<16xf32>
        %get3A_205 = arith.index_cast %shift_left3A_181 : i32 to index
        %get3A_206 = tpu.vector_load %arg8[%get3A_205] {strides = array<i32>} : memref<1024xf32, #tpu.memory_space<vmem>>, vector<16xf32>,
        %eq3A_207 = vector.broadcast %sub3A_182 : i32 to vector<16xi32>
        %eq3A_208 = arith.cmpi eq, %iota3A, %eq3A_207 : vector<16xi32>
        %jit3A_209 = arith.constant 0.000000e+00 : f32
        %broadcast_in_dim3A_210 = vector.broadcast %jit3A_209 : f32 to vector<16xf32>
        %select_n3A_211 = arith.select %eq3A_208, %get3A_206, %broadcast_in_dim3A_210 : vector<16xi1>, vector<16xf32>
        %reduce_sum3A_212 = arith.constant true
        %reduce_sum3A_213 = vector.broadcast %reduce_sum3A_212 : i1 to vector<16xi1>
        %reduce_sum3A_214 = tpu.scan <sum>, %select_n3A_211 masked %reduce_sum3A_213 : vector<16xf32>, vector<16xi1> -> vector<16xf32>
        %reduce_sum3A_215 = vector.extract %reduce_sum3A_214[15] : f32 from vector<16xf32>
        %get3A_216 = arith.index_cast %shift_left3A_181 : i32 to index
        %get3A_217 = tpu.vector_load %arg9[%get3A_216] {strides = array<i32>} : memref<1024xf32, #tpu.memory_space<vmem>>, vector<16xf32>,
        %eq3A_218 = vector.broadcast %sub3A_182 : i32 to vector<16xi32>
        %eq3A_219 = arith.cmpi eq, %iota3A, %eq3A_218 : vector<16xi32>
        %jit3A_220 = arith.constant 0.000000e+00 : f32
        %broadcast_in_dim3A_221 = vector.broadcast %jit3A_220 : f32 to vector<16xf32>
        %select_n3A_222 = arith.select %eq3A_219, %get3A_217, %broadcast_in_dim3A_221 : vector<16xi1>, vector<16xf32>
        %reduce_sum3A_223 = arith.constant true
        %reduce_sum3A_224 = vector.broadcast %reduce_sum3A_223 : i1 to vector<16xi1>
        %reduce_sum3A_225 = tpu.scan <sum>, %select_n3A_222 masked %reduce_sum3A_224 : vector<16xf32>, vector<16xi1> -> vector<16xf32>
        %reduce_sum3A_226 = vector.extract %reduce_sum3A_225[15] : f32 from vector<16xf32>
        %get3A_227 = arith.index_cast %shift_left3A_181 : i32 to index
        %get3A_228 = tpu.vector_load %arg10[%get3A_227] {strides = array<i32>} : memref<1024xf32, #tpu.memory_space<vmem>>, vector<16xf32>,
        %eq3A_229 = vector.broadcast %sub3A_182 : i32 to vector<16xi32>
        %eq3A_230 = arith.cmpi eq, %iota3A, %eq3A_229 : vector<16xi32>
        %jit3A_231 = arith.constant 0.000000e+00 : f32
        %broadcast_in_dim3A_232 = vector.broadcast %jit3A_231 : f32 to vector<16xf32>
        %select_n3A_233 = arith.select %eq3A_230, %get3A_228, %broadcast_in_dim3A_232 : vector<16xi1>, vector<16xf32>
        %reduce_sum3A_234 = arith.constant true
        %reduce_sum3A_235 = vector.broadcast %reduce_sum3A_234 : i1 to vector<16xi1>
        %reduce_sum3A_236 = tpu.scan <sum>, %select_n3A_233 masked %reduce_sum3A_235 : vector<16xf32>, vector<16xi1> -> vector<16xf32>
        %reduce_sum3A_237 = vector.extract %reduce_sum3A_236[15] : f32 from vector<16xf32>
        %scan3A_238 = arith.constant 0 : i32
        %scan3A_239 = arith.constant 0 : i32
        %scan3A_240 = arith.constant 64 : i32
        %scan3A_241 = arith.addi %scan3A_239, %scan3A_240 : i32
        %scan3A_242 = arith.constant 1 : i32
        %scan3A_243 = scf.for %scan3A_335 = %scan3A_239 to %scan3A_241 step %scan3A_242 iter_args(%scan3A_336 = %scan3A_238) -> (i32)  : i32 {
          %mul3A_337 = arith.constant 16 : i32
          %mul3A_338 = arith.muli %scan3A_335, %mul3A_337 : i32
          %get3A_339 = arith.index_cast %mul3A_338 : i32 to index
          %get3A_340 = tpu.vector_load %arg10[%get3A_339] {strides = array<i32>} : memref<1024xf32, #tpu.memory_space<vmem>>, vector<16xf32>,
          %add3A_341 = vector.broadcast %reduce_sum3A_237 : f32 to vector<16xf32>
          %add3A_342 = arith.addf %add3A_341, %get3A_340 : vector<16xf32>
          %get3A_343 = arith.index_cast %mul3A_338 : i32 to index
          %get3A_344 = tpu.vector_load %arg8[%get3A_343] {strides = array<i32>} : memref<1024xf32, #tpu.memory_space<vmem>>, vector<16xf32>,
          %mul3A_345 = vector.broadcast %reduce_sum3A_215 : f32 to vector<16xf32>
          %mul3A_346 = arith.mulf %mul3A_345, %get3A_344 : vector<16xf32>
          %get3A_347 = arith.index_cast %mul3A_338 : i32 to index
          %get3A_348 = tpu.vector_load %arg9[%get3A_347] {strides = array<i32>} : memref<1024xf32, #tpu.memory_space<vmem>>, vector<16xf32>,
          %mul3A_349 = vector.broadcast %reduce_sum3A_226 : f32 to vector<16xf32>
          %mul3A_350 = arith.mulf %mul3A_349, %get3A_348 : vector<16xf32>
          %add3A_351 = arith.addf %mul3A_346, %mul3A_350 : vector<16xf32>
          %mul3A_352 = arith.constant 2.000000e+00 : f32
          %mul3A_353 = vector.broadcast %mul3A_352 : f32 to vector<16xf32>
          %mul3A_354 = arith.mulf %mul3A_353, %add3A_351 : vector<16xf32>
          %sub3A_355 = arith.subf %add3A_342, %mul3A_354 : vector<16xf32>
          %get3A_356 = arith.index_cast %mul3A_338 : i32 to index
          %get3A_357 = tpu.vector_load %arg11[%get3A_356] {strides = array<i32>} : memref<1024xf32, #tpu.memory_space<vmem>>, vector<16xf32>,
          %max3A = arith.constant 0.000000e+00 : f32
          %max3A_358 = vector.broadcast %max3A : f32 to vector<16xf32>
          %max3A_359 = arith.maximumf %sub3A_355, %max3A_358 : vector<16xf32>
          %bitcast_convert_type3A_360 = tpu.bitcast %max3A_359 : vector<16xf32> -> vector<16xi32>
          %shift_right_logical3A_361 = arith.constant 1 : i32
          %shift_right_logical3A_362 = vector.broadcast %shift_right_logical3A_361 : i32 to vector<16xi32>
          %shift_right_logical3A_363 = arith.shrui %bitcast_convert_type3A_360, %shift_right_logical3A_362 : vector<16xi32>
          %add3A_364 = arith.constant 532487669 : i32
          %add3A_365 = vector.broadcast %add3A_364 : i32 to vector<16xi32>
          %add3A_366 = arith.addi %shift_right_logical3A_363, %add3A_365 : vector<16xi32>
          %bitcast_convert_type3A_367 = tpu.bitcast %add3A_366 : vector<16xi32> -> vector<16xf32>
          %div3A = arith.divf %max3A_359, %bitcast_convert_type3A_367 : vector<16xf32>
          %add3A_368 = arith.addf %bitcast_convert_type3A_367, %div3A : vector<16xf32>
          %mul3A_369 = arith.constant 5.000000e-01 : f32
          %mul3A_370 = vector.broadcast %mul3A_369 : f32 to vector<16xf32>
          %mul3A_371 = arith.mulf %mul3A_370, %add3A_368 : vector<16xf32>
          %div3A_372 = arith.divf %max3A_359, %mul3A_371 : vector<16xf32>
          %add3A_373 = arith.addf %mul3A_371, %div3A_372 : vector<16xf32>
          %mul3A_374 = arith.constant 5.000000e-01 : f32
          %mul3A_375 = vector.broadcast %mul3A_374 : f32 to vector<16xf32>
          %mul3A_376 = arith.mulf %mul3A_375, %add3A_373 : vector<16xf32>
          %div3A_377 = arith.divf %max3A_359, %mul3A_376 : vector<16xf32>
          %add3A_378 = arith.addf %mul3A_376, %div3A_377 : vector<16xf32>
          %mul3A_379 = arith.constant 5.000000e-01 : f32
          %mul3A_380 = vector.broadcast %mul3A_379 : f32 to vector<16xf32>
          %mul3A_381 = arith.mulf %mul3A_380, %add3A_378 : vector<16xf32>
          %gt3A = arith.constant 0.000000e+00 : f32
          %gt3A_382 = vector.broadcast %gt3A : f32 to vector<16xf32>
          %gt3A_383 = arith.cmpf ogt, %max3A_359, %gt3A_382 : vector<16xf32>
          %jit3A_384 = arith.constant 0.000000e+00 : f32
          %broadcast_in_dim3A_385 = vector.broadcast %jit3A_384 : f32 to vector<16xf32>
          %select_n3A_386 = arith.select %gt3A_383, %mul3A_381, %broadcast_in_dim3A_385 : vector<16xi1>, vector<16xf32>
          %bitcast_convert_type3A_387 = tpu.bitcast %select_n3A_386 : vector<16xf32> -> vector<16xi32>
          %and3A_388 = arith.constant -2147483648 : i32
          %and3A_389 = vector.broadcast %and3A_388 : i32 to vector<16xi32>
          %and3A_390 = arith.andi %bitcast_convert_type3A_387, %and3A_389 : vector<16xi32>
          %and3A_391 = arith.constant 2147483647 : i32
          %and3A_392 = vector.broadcast %and3A_391 : i32 to vector<16xi32>
          %and3A_393 = arith.andi %bitcast_convert_type3A_387, %and3A_392 : vector<16xi32>
          %shift_right_logical3A_394 = arith.constant 13 : i32
          %shift_right_logical3A_395 = vector.broadcast %shift_right_logical3A_394 : i32 to vector<16xi32>
          %shift_right_logical3A_396 = arith.shrui %and3A_393, %shift_right_logical3A_395 : vector<16xi32>
          %and3A_397 = arith.constant 1 : i32
          %and3A_398 = vector.broadcast %and3A_397 : i32 to vector<16xi32>
          %and3A_399 = arith.andi %shift_right_logical3A_396, %and3A_398 : vector<16xi32>
          %add3A_400 = arith.constant 4095 : i32
          %add3A_401 = vector.broadcast %add3A_400 : i32 to vector<16xi32>
          %add3A_402 = arith.addi %and3A_393, %add3A_401 : vector<16xi32>
          %add3A_403 = arith.addi %add3A_402, %and3A_399 : vector<16xi32>
          %and3A_404 = arith.constant -8192 : i32
          %and3A_405 = vector.broadcast %and3A_404 : i32 to vector<16xi32>
          %and3A_406 = arith.andi %add3A_403, %and3A_405 : vector<16xi32>
          %or3A_407 = arith.ori %and3A_390, %and3A_406 : vector<16xi32>
          %bitcast_convert_type3A_408 = tpu.bitcast %or3A_407 : vector<16xi32> -> vector<16xf32>
          %abs3A_409 = math.absf %select_n3A_386 : vector<16xf32>
          %add3A_410 = arith.constant 5.000000e-01 : f32
          %add3A_411 = vector.broadcast %add3A_410 : f32 to vector<16xf32>
          %add3A_412 = arith.addf %abs3A_409, %add3A_411 : vector<16xf32>
          %sub3A_413 = arith.constant 5.000000e-01 : f32
          %sub3A_414 = vector.broadcast %sub3A_413 : f32 to vector<16xf32>
          %sub3A_415 = arith.subf %add3A_412, %sub3A_414 : vector<16xf32>
          %lt3A_416 = arith.constant 0.000000e+00 : f32
          %lt3A_417 = vector.broadcast %lt3A_416 : f32 to vector<16xf32>
          %lt3A_418 = arith.cmpf olt, %select_n3A_386, %lt3A_417 : vector<16xf32>
          %neg3A_419 = arith.constant 0.000000e+00 : f32
          %neg3A_420 = vector.broadcast %neg3A_419 : f32 to vector<16xf32>
          %neg3A_421 = arith.subf %neg3A_420, %sub3A_415 : vector<16xf32>
          %select_n3A_422 = arith.select %lt3A_418, %neg3A_421, %sub3A_415 : vector<16xi1>, vector<16xf32>
          %ge3A_423 = arith.constant 6.10351563E-5 : f32
          %ge3A_424 = vector.broadcast %ge3A_423 : f32 to vector<16xf32>
          %ge3A_425 = arith.cmpf oge, %abs3A_409, %ge3A_424 : vector<16xf32>
          %select_n3A_426 = arith.select %ge3A_425, %bitcast_convert_type3A_408, %select_n3A_422 : vector<16xi1>, vector<16xf32>
          %min3A_427 = arith.minimumf %get3A_357, %select_n3A_426 : vector<16xf32>
          %swap3A_428 = arith.index_cast %mul3A_338 : i32 to index
          %swap3A_429 = tpu.vector_load %arg11[%swap3A_428] {strides = array<i32>} : memref<1024xf32, #tpu.memory_space<vmem>>, vector<16xf32>,
          tpu.vector_store %arg11[%swap3A_428], %min3A_427 {strides = array<i32>} : memref<1024xf32, #tpu.memory_space<vmem>>, vector<16xf32>,
          %scan3A_430 = arith.constant 0 : i32
          scf.yield %scan3A_430 : i32
        }
        %scan3A_244 = arith.constant 64 : i32
        %eq3A_245 = vector.broadcast %scan3A_152 : i32 to vector<16xi32>
        %eq3A_246 = arith.cmpi eq, %iota3A, %eq3A_245 : vector<16xi32>
        %add3A_247 = vector.broadcast %reduce_sum3A_193 : f32 to vector<16xf32>
        %add3A_248 = arith.addf %broadcast_in_dim3A_1, %add3A_247 : vector<16xf32>
        %bitcast_convert_type3A_249 = tpu.bitcast %add3A_248 : vector<16xf32> -> vector<16xi32>
        %and3A_250 = arith.constant -2147483648 : i32
        %and3A_251 = vector.broadcast %and3A_250 : i32 to vector<16xi32>
        %and3A_252 = arith.andi %bitcast_convert_type3A_249, %and3A_251 : vector<16xi32>
        %and3A_253 = arith.constant 2147483647 : i32
        %and3A_254 = vector.broadcast %and3A_253 : i32 to vector<16xi32>
        %and3A_255 = arith.andi %bitcast_convert_type3A_249, %and3A_254 : vector<16xi32>
        %shift_right_logical3A_256 = arith.constant 13 : i32
        %shift_right_logical3A_257 = vector.broadcast %shift_right_logical3A_256 : i32 to vector<16xi32>
        %shift_right_logical3A_258 = arith.shrui %and3A_255, %shift_right_logical3A_257 : vector<16xi32>
        %and3A_259 = arith.constant 1 : i32
        %and3A_260 = vector.broadcast %and3A_259 : i32 to vector<16xi32>
        %and3A_261 = arith.andi %shift_right_logical3A_258, %and3A_260 : vector<16xi32>
        %add3A_262 = arith.constant 4095 : i32
        %add3A_263 = vector.broadcast %add3A_262 : i32 to vector<16xi32>
        %add3A_264 = arith.addi %and3A_255, %add3A_263 : vector<16xi32>
        %add3A_265 = arith.addi %add3A_264, %and3A_261 : vector<16xi32>
        %and3A_266 = arith.constant -8192 : i32
        %and3A_267 = vector.broadcast %and3A_266 : i32 to vector<16xi32>
        %and3A_268 = arith.andi %add3A_265, %and3A_267 : vector<16xi32>
        %or3A_269 = arith.ori %and3A_252, %and3A_268 : vector<16xi32>
        %bitcast_convert_type3A_270 = tpu.bitcast %or3A_269 : vector<16xi32> -> vector<16xf32>
        %abs3A_271 = math.absf %add3A_248 : vector<16xf32>
        %add3A_272 = arith.constant 5.000000e-01 : f32
        %add3A_273 = vector.broadcast %add3A_272 : f32 to vector<16xf32>
        %add3A_274 = arith.addf %abs3A_271, %add3A_273 : vector<16xf32>
        %sub3A_275 = arith.constant 5.000000e-01 : f32
        %sub3A_276 = vector.broadcast %sub3A_275 : f32 to vector<16xf32>
        %sub3A_277 = arith.subf %add3A_274, %sub3A_276 : vector<16xf32>
        %lt3A_278 = arith.constant 0.000000e+00 : f32
        %lt3A_279 = vector.broadcast %lt3A_278 : f32 to vector<16xf32>
        %lt3A_280 = arith.cmpf olt, %add3A_248, %lt3A_279 : vector<16xf32>
        %neg3A_281 = arith.constant 0.000000e+00 : f32
        %neg3A_282 = vector.broadcast %neg3A_281 : f32 to vector<16xf32>
        %neg3A_283 = arith.subf %neg3A_282, %sub3A_277 : vector<16xf32>
        %select_n3A_284 = arith.select %lt3A_280, %neg3A_283, %sub3A_277 : vector<16xi1>, vector<16xf32>
        %ge3A_285 = arith.constant 6.10351563E-5 : f32
        %ge3A_286 = vector.broadcast %ge3A_285 : f32 to vector<16xf32>
        %ge3A_287 = arith.cmpf oge, %abs3A_271, %ge3A_286 : vector<16xf32>
        %select_n3A_288 = arith.select %ge3A_287, %bitcast_convert_type3A_270, %select_n3A_284 : vector<16xi1>, vector<16xf32>
        %select_n3A_289 = arith.select %eq3A_246, %select_n3A_288, %scan3A_153 : vector<16xi1>, vector<16xf32>
        %eq3A_290 = vector.broadcast %scan3A_152 : i32 to vector<16xi32>
        %eq3A_291 = arith.cmpi eq, %iota3A, %eq3A_290 : vector<16xi32>
        %add3A_292 = vector.broadcast %reduce_sum3A_204 : f32 to vector<16xf32>
        %add3A_293 = arith.addf %broadcast_in_dim3A_1, %add3A_292 : vector<16xf32>
        %bitcast_convert_type3A_294 = tpu.bitcast %add3A_293 : vector<16xf32> -> vector<16xi32>
        %and3A_295 = arith.constant -2147483648 : i32
        %and3A_296 = vector.broadcast %and3A_295 : i32 to vector<16xi32>
        %and3A_297 = arith.andi %bitcast_convert_type3A_294, %and3A_296 : vector<16xi32>
        %and3A_298 = arith.constant 2147483647 : i32
        %and3A_299 = vector.broadcast %and3A_298 : i32 to vector<16xi32>
        %and3A_300 = arith.andi %bitcast_convert_type3A_294, %and3A_299 : vector<16xi32>
        %shift_right_logical3A_301 = arith.constant 13 : i32
        %shift_right_logical3A_302 = vector.broadcast %shift_right_logical3A_301 : i32 to vector<16xi32>
        %shift_right_logical3A_303 = arith.shrui %and3A_300, %shift_right_logical3A_302 : vector<16xi32>
        %and3A_304 = arith.constant 1 : i32
        %and3A_305 = vector.broadcast %and3A_304 : i32 to vector<16xi32>
        %and3A_306 = arith.andi %shift_right_logical3A_303, %and3A_305 : vector<16xi32>
        %add3A_307 = arith.constant 4095 : i32
        %add3A_308 = vector.broadcast %add3A_307 : i32 to vector<16xi32>
        %add3A_309 = arith.addi %and3A_300, %add3A_308 : vector<16xi32>
        %add3A_310 = arith.addi %add3A_309, %and3A_306 : vector<16xi32>
        %and3A_311 = arith.constant -8192 : i32
        %and3A_312 = vector.broadcast %and3A_311 : i32 to vector<16xi32>
        %and3A_313 = arith.andi %add3A_310, %and3A_312 : vector<16xi32>
        %or3A_314 = arith.ori %and3A_297, %and3A_313 : vector<16xi32>
        %bitcast_convert_type3A_315 = tpu.bitcast %or3A_314 : vector<16xi32> -> vector<16xf32>
        %abs3A_316 = math.absf %add3A_293 : vector<16xf32>
        %add3A_317 = arith.constant 5.000000e-01 : f32
        %add3A_318 = vector.broadcast %add3A_317 : f32 to vector<16xf32>
        %add3A_319 = arith.addf %abs3A_316, %add3A_318 : vector<16xf32>
        %sub3A_320 = arith.constant 5.000000e-01 : f32
        %sub3A_321 = vector.broadcast %sub3A_320 : f32 to vector<16xf32>
        %sub3A_322 = arith.subf %add3A_319, %sub3A_321 : vector<16xf32>
        %lt3A_323 = arith.constant 0.000000e+00 : f32
        %lt3A_324 = vector.broadcast %lt3A_323 : f32 to vector<16xf32>
        %lt3A_325 = arith.cmpf olt, %add3A_293, %lt3A_324 : vector<16xf32>
        %neg3A_326 = arith.constant 0.000000e+00 : f32
        %neg3A_327 = vector.broadcast %neg3A_326 : f32 to vector<16xf32>
        %neg3A_328 = arith.subf %neg3A_327, %sub3A_322 : vector<16xf32>
        %select_n3A_329 = arith.select %lt3A_325, %neg3A_328, %sub3A_322 : vector<16xi1>, vector<16xf32>
        %ge3A_330 = arith.constant 6.10351563E-5 : f32
        %ge3A_331 = vector.broadcast %ge3A_330 : f32 to vector<16xf32>
        %ge3A_332 = arith.cmpf oge, %abs3A_316, %ge3A_331 : vector<16xf32>
        %select_n3A_333 = arith.select %ge3A_332, %bitcast_convert_type3A_315, %select_n3A_329 : vector<16xi1>, vector<16xf32>
        %select_n3A_334 = arith.select %eq3A_291, %select_n3A_333, %scan3A_154 : vector<16xi1>, vector<16xf32>
        scf.yield %select_n3A_289, %select_n3A_334 : vector<16xf32>, vector<16xf32>
      }
      %scan3A_137 = arith.constant 15 : i32
      %scan3A_138 = arith.constant 0 : i32
      %scan3A_139 = arith.constant 10 : i32
      %scan3A_140 = arith.addi %scan3A_138, %scan3A_139 : i32
      %scan3A_141 = arith.constant 1 : i32
      %scan3A_142:2 = scf.for %scan3A_152 = %scan3A_138 to %scan3A_140 step %scan3A_141 iter_args(%scan3A_153 = %scan3A_136#0, %scan3A_154 = %scan3A_136#1) -> (vector<16xf32>, vector<16xf32>)  : i32 {
        %eq3A_155 = arith.constant 0 : i32
        %eq3A_156 = vector.broadcast %eq3A_155 : i32 to vector<16xi32>
        %eq3A_157 = arith.cmpi eq, %iota3A, %eq3A_156 : vector<16xi32>
        %jit3A = arith.constant 0.000000e+00 : f32
        %broadcast_in_dim3A_158 = vector.broadcast %jit3A : f32 to vector<16xf32>
        %select_n3A_159 = arith.select %eq3A_157, %scan3A_153, %broadcast_in_dim3A_158 : vector<16xi1>, vector<16xf32>
        %reduce_sum3A = arith.constant true
        %reduce_sum3A_160 = vector.broadcast %reduce_sum3A : i1 to vector<16xi1>
        %reduce_sum3A_161 = tpu.scan <sum>, %select_n3A_159 masked %reduce_sum3A_160 : vector<16xf32>, vector<16xi1> -> vector<16xf32>
        %reduce_sum3A_162 = vector.extract %reduce_sum3A_161[15] : f32 from vector<16xf32>
        %eq3A_163 = arith.constant 1 : i32
        %eq3A_164 = vector.broadcast %eq3A_163 : i32 to vector<16xi32>
        %eq3A_165 = arith.cmpi eq, %iota3A, %eq3A_164 : vector<16xi32>
        %jit3A_166 = arith.constant 0.000000e+00 : f32
        %broadcast_in_dim3A_167 = vector.broadcast %jit3A_166 : f32 to vector<16xf32>
        %select_n3A_168 = arith.select %eq3A_165, %scan3A_153, %broadcast_in_dim3A_167 : vector<16xi1>, vector<16xf32>
        %reduce_sum3A_169 = arith.constant true
        %reduce_sum3A_170 = vector.broadcast %reduce_sum3A_169 : i1 to vector<16xi1>
        %reduce_sum3A_171 = tpu.scan <sum>, %select_n3A_168 masked %reduce_sum3A_170 : vector<16xf32>, vector<16xi1> -> vector<16xf32>
        %reduce_sum3A_172 = vector.extract %reduce_sum3A_171[15] : f32 from vector<16xf32>
        %eq3A_173 = arith.constant 2 : i32
        %eq3A_174 = vector.broadcast %eq3A_173 : i32 to vector<16xi32>
        %eq3A_175 = arith.cmpi eq, %iota3A, %eq3A_174 : vector<16xi32>
        %jit3A_176 = arith.constant 0.000000e+00 : f32
        %broadcast_in_dim3A_177 = vector.broadcast %jit3A_176 : f32 to vector<16xf32>
        %select_n3A_178 = arith.select %eq3A_175, %scan3A_153, %broadcast_in_dim3A_177 : vector<16xi1>, vector<16xf32>
        %reduce_sum3A_179 = arith.constant true
        %reduce_sum3A_180 = vector.broadcast %reduce_sum3A_179 : i1 to vector<16xi1>
        %reduce_sum3A_181 = tpu.scan <sum>, %select_n3A_178 masked %reduce_sum3A_180 : vector<16xf32>, vector<16xi1> -> vector<16xf32>
        %reduce_sum3A_182 = vector.extract %reduce_sum3A_181[15] : f32 from vector<16xf32>
        %eq3A_183 = arith.constant 3 : i32
        %eq3A_184 = vector.broadcast %eq3A_183 : i32 to vector<16xi32>
        %eq3A_185 = arith.cmpi eq, %iota3A, %eq3A_184 : vector<16xi32>
        %jit3A_186 = arith.constant 0.000000e+00 : f32
        %broadcast_in_dim3A_187 = vector.broadcast %jit3A_186 : f32 to vector<16xf32>
        %select_n3A_188 = arith.select %eq3A_185, %scan3A_153, %broadcast_in_dim3A_187 : vector<16xi1>, vector<16xf32>
        %reduce_sum3A_189 = arith.constant true
        %reduce_sum3A_190 = vector.broadcast %reduce_sum3A_189 : i1 to vector<16xi1>
        %reduce_sum3A_191 = tpu.scan <sum>, %select_n3A_188 masked %reduce_sum3A_190 : vector<16xf32>, vector<16xi1> -> vector<16xf32>
        %reduce_sum3A_192 = vector.extract %reduce_sum3A_191[15] : f32 from vector<16xf32>
        %eq3A_193 = arith.constant 4 : i32
        %eq3A_194 = vector.broadcast %eq3A_193 : i32 to vector<16xi32>
        %eq3A_195 = arith.cmpi eq, %iota3A, %eq3A_194 : vector<16xi32>
        %jit3A_196 = arith.constant 0.000000e+00 : f32
        %broadcast_in_dim3A_197 = vector.broadcast %jit3A_196 : f32 to vector<16xf32>
        %select_n3A_198 = arith.select %eq3A_195, %scan3A_153, %broadcast_in_dim3A_197 : vector<16xi1>, vector<16xf32>
        %reduce_sum3A_199 = arith.constant true
        %reduce_sum3A_200 = vector.broadcast %reduce_sum3A_199 : i1 to vector<16xi1>
        %reduce_sum3A_201 = tpu.scan <sum>, %select_n3A_198 masked %reduce_sum3A_200 : vector<16xf32>, vector<16xi1> -> vector<16xf32>
        %reduce_sum3A_202 = vector.extract %reduce_sum3A_201[15] : f32 from vector<16xf32>
        %eq3A_203 = arith.constant 5 : i32
        %eq3A_204 = vector.broadcast %eq3A_203 : i32 to vector<16xi32>
        %eq3A_205 = arith.cmpi eq, %iota3A, %eq3A_204 : vector<16xi32>
        %jit3A_206 = arith.constant 0.000000e+00 : f32
        %broadcast_in_dim3A_207 = vector.broadcast %jit3A_206 : f32 to vector<16xf32>
        %select_n3A_208 = arith.select %eq3A_205, %scan3A_153, %broadcast_in_dim3A_207 : vector<16xi1>, vector<16xf32>
        %reduce_sum3A_209 = arith.constant true
        %reduce_sum3A_210 = vector.broadcast %reduce_sum3A_209 : i1 to vector<16xi1>
        %reduce_sum3A_211 = tpu.scan <sum>, %select_n3A_208 masked %reduce_sum3A_210 : vector<16xf32>, vector<16xi1> -> vector<16xf32>
        %reduce_sum3A_212 = vector.extract %reduce_sum3A_211[15] : f32 from vector<16xf32>
        %eq3A_213 = arith.constant 6 : i32
        %eq3A_214 = vector.broadcast %eq3A_213 : i32 to vector<16xi32>
        %eq3A_215 = arith.cmpi eq, %iota3A, %eq3A_214 : vector<16xi32>
        %jit3A_216 = arith.constant 0.000000e+00 : f32
        %broadcast_in_dim3A_217 = vector.broadcast %jit3A_216 : f32 to vector<16xf32>
        %select_n3A_218 = arith.select %eq3A_215, %scan3A_153, %broadcast_in_dim3A_217 : vector<16xi1>, vector<16xf32>
        %reduce_sum3A_219 = arith.constant true
        %reduce_sum3A_220 = vector.broadcast %reduce_sum3A_219 : i1 to vector<16xi1>
        %reduce_sum3A_221 = tpu.scan <sum>, %select_n3A_218 masked %reduce_sum3A_220 : vector<16xf32>, vector<16xi1> -> vector<16xf32>
        %reduce_sum3A_222 = vector.extract %reduce_sum3A_221[15] : f32 from vector<16xf32>
        %eq3A_223 = arith.constant 7 : i32
        %eq3A_224 = vector.broadcast %eq3A_223 : i32 to vector<16xi32>
        %eq3A_225 = arith.cmpi eq, %iota3A, %eq3A_224 : vector<16xi32>
        %jit3A_226 = arith.constant 0.000000e+00 : f32
        %broadcast_in_dim3A_227 = vector.broadcast %jit3A_226 : f32 to vector<16xf32>
        %select_n3A_228 = arith.select %eq3A_225, %scan3A_153, %broadcast_in_dim3A_227 : vector<16xi1>, vector<16xf32>
        %reduce_sum3A_229 = arith.constant true
        %reduce_sum3A_230 = vector.broadcast %reduce_sum3A_229 : i1 to vector<16xi1>
        %reduce_sum3A_231 = tpu.scan <sum>, %select_n3A_228 masked %reduce_sum3A_230 : vector<16xf32>, vector<16xi1> -> vector<16xf32>
        %reduce_sum3A_232 = vector.extract %reduce_sum3A_231[15] : f32 from vector<16xf32>
        %eq3A_233 = arith.constant 8 : i32
        %eq3A_234 = vector.broadcast %eq3A_233 : i32 to vector<16xi32>
        %eq3A_235 = arith.cmpi eq, %iota3A, %eq3A_234 : vector<16xi32>
        %jit3A_236 = arith.constant 0.000000e+00 : f32
        %broadcast_in_dim3A_237 = vector.broadcast %jit3A_236 : f32 to vector<16xf32>
        %select_n3A_238 = arith.select %eq3A_235, %scan3A_153, %broadcast_in_dim3A_237 : vector<16xi1>, vector<16xf32>
        %reduce_sum3A_239 = arith.constant true
        %reduce_sum3A_240 = vector.broadcast %reduce_sum3A_239 : i1 to vector<16xi1>
        %reduce_sum3A_241 = tpu.scan <sum>, %select_n3A_238 masked %reduce_sum3A_240 : vector<16xf32>, vector<16xi1> -> vector<16xf32>
        %reduce_sum3A_242 = vector.extract %reduce_sum3A_241[15] : f32 from vector<16xf32>
        %eq3A_243 = arith.constant 9 : i32
        %eq3A_244 = vector.broadcast %eq3A_243 : i32 to vector<16xi32>
        %eq3A_245 = arith.cmpi eq, %iota3A, %eq3A_244 : vector<16xi32>
        %jit3A_246 = arith.constant 0.000000e+00 : f32
        %broadcast_in_dim3A_247 = vector.broadcast %jit3A_246 : f32 to vector<16xf32>
        %select_n3A_248 = arith.select %eq3A_245, %scan3A_153, %broadcast_in_dim3A_247 : vector<16xi1>, vector<16xf32>
        %reduce_sum3A_249 = arith.constant true
        %reduce_sum3A_250 = vector.broadcast %reduce_sum3A_249 : i1 to vector<16xi1>
        %reduce_sum3A_251 = tpu.scan <sum>, %select_n3A_248 masked %reduce_sum3A_250 : vector<16xf32>, vector<16xi1> -> vector<16xf32>
        %reduce_sum3A_252 = vector.extract %reduce_sum3A_251[15] : f32 from vector<16xf32>
        %eq3A_253 = arith.constant 10 : i32
        %eq3A_254 = vector.broadcast %eq3A_253 : i32 to vector<16xi32>
        %eq3A_255 = arith.cmpi eq, %iota3A, %eq3A_254 : vector<16xi32>
        %jit3A_256 = arith.constant 0.000000e+00 : f32
        %broadcast_in_dim3A_257 = vector.broadcast %jit3A_256 : f32 to vector<16xf32>
        %select_n3A_258 = arith.select %eq3A_255, %scan3A_153, %broadcast_in_dim3A_257 : vector<16xi1>, vector<16xf32>
        %reduce_sum3A_259 = arith.constant true
        %reduce_sum3A_260 = vector.broadcast %reduce_sum3A_259 : i1 to vector<16xi1>
        %reduce_sum3A_261 = tpu.scan <sum>, %select_n3A_258 masked %reduce_sum3A_260 : vector<16xf32>, vector<16xi1> -> vector<16xf32>
        %reduce_sum3A_262 = vector.extract %reduce_sum3A_261[15] : f32 from vector<16xf32>
        %eq3A_263 = arith.constant 11 : i32
        %eq3A_264 = vector.broadcast %eq3A_263 : i32 to vector<16xi32>
        %eq3A_265 = arith.cmpi eq, %iota3A, %eq3A_264 : vector<16xi32>
        %jit3A_266 = arith.constant 0.000000e+00 : f32
        %broadcast_in_dim3A_267 = vector.broadcast %jit3A_266 : f32 to vector<16xf32>
        %select_n3A_268 = arith.select %eq3A_265, %scan3A_153, %broadcast_in_dim3A_267 : vector<16xi1>, vector<16xf32>
        %reduce_sum3A_269 = arith.constant true
        %reduce_sum3A_270 = vector.broadcast %reduce_sum3A_269 : i1 to vector<16xi1>
        %reduce_sum3A_271 = tpu.scan <sum>, %select_n3A_268 masked %reduce_sum3A_270 : vector<16xf32>, vector<16xi1> -> vector<16xf32>
        %reduce_sum3A_272 = vector.extract %reduce_sum3A_271[15] : f32 from vector<16xf32>
        %eq3A_273 = arith.constant 12 : i32
        %eq3A_274 = vector.broadcast %eq3A_273 : i32 to vector<16xi32>
        %eq3A_275 = arith.cmpi eq, %iota3A, %eq3A_274 : vector<16xi32>
        %jit3A_276 = arith.constant 0.000000e+00 : f32
        %broadcast_in_dim3A_277 = vector.broadcast %jit3A_276 : f32 to vector<16xf32>
        %select_n3A_278 = arith.select %eq3A_275, %scan3A_153, %broadcast_in_dim3A_277 : vector<16xi1>, vector<16xf32>
        %reduce_sum3A_279 = arith.constant true
        %reduce_sum3A_280 = vector.broadcast %reduce_sum3A_279 : i1 to vector<16xi1>
        %reduce_sum3A_281 = tpu.scan <sum>, %select_n3A_278 masked %reduce_sum3A_280 : vector<16xf32>, vector<16xi1> -> vector<16xf32>
        %reduce_sum3A_282 = vector.extract %reduce_sum3A_281[15] : f32 from vector<16xf32>
        %eq3A_283 = arith.constant 13 : i32
        %eq3A_284 = vector.broadcast %eq3A_283 : i32 to vector<16xi32>
        %eq3A_285 = arith.cmpi eq, %iota3A, %eq3A_284 : vector<16xi32>
        %jit3A_286 = arith.constant 0.000000e+00 : f32
        %broadcast_in_dim3A_287 = vector.broadcast %jit3A_286 : f32 to vector<16xf32>
        %select_n3A_288 = arith.select %eq3A_285, %scan3A_153, %broadcast_in_dim3A_287 : vector<16xi1>, vector<16xf32>
        %reduce_sum3A_289 = arith.constant true
        %reduce_sum3A_290 = vector.broadcast %reduce_sum3A_289 : i1 to vector<16xi1>
        %reduce_sum3A_291 = tpu.scan <sum>, %select_n3A_288 masked %reduce_sum3A_290 : vector<16xf32>, vector<16xi1> -> vector<16xf32>
        %reduce_sum3A_292 = vector.extract %reduce_sum3A_291[15] : f32 from vector<16xf32>
        %eq3A_293 = arith.constant 14 : i32
        %eq3A_294 = vector.broadcast %eq3A_293 : i32 to vector<16xi32>
        %eq3A_295 = arith.cmpi eq, %iota3A, %eq3A_294 : vector<16xi32>
        %jit3A_296 = arith.constant 0.000000e+00 : f32
        %broadcast_in_dim3A_297 = vector.broadcast %jit3A_296 : f32 to vector<16xf32>
        %select_n3A_298 = arith.select %eq3A_295, %scan3A_153, %broadcast_in_dim3A_297 : vector<16xi1>, vector<16xf32>
        %reduce_sum3A_299 = arith.constant true
        %reduce_sum3A_300 = vector.broadcast %reduce_sum3A_299 : i1 to vector<16xi1>
        %reduce_sum3A_301 = tpu.scan <sum>, %select_n3A_298 masked %reduce_sum3A_300 : vector<16xf32>, vector<16xi1> -> vector<16xf32>
        %reduce_sum3A_302 = vector.extract %reduce_sum3A_301[15] : f32 from vector<16xf32>
        %eq3A_303 = arith.constant 15 : i32
        %eq3A_304 = vector.broadcast %eq3A_303 : i32 to vector<16xi32>
        %eq3A_305 = arith.cmpi eq, %iota3A, %eq3A_304 : vector<16xi32>
        %jit3A_306 = arith.constant 0.000000e+00 : f32
        %broadcast_in_dim3A_307 = vector.broadcast %jit3A_306 : f32 to vector<16xf32>
        %select_n3A_308 = arith.select %eq3A_305, %scan3A_153, %broadcast_in_dim3A_307 : vector<16xi1>, vector<16xf32>
        %reduce_sum3A_309 = arith.constant true
        %reduce_sum3A_310 = vector.broadcast %reduce_sum3A_309 : i1 to vector<16xi1>
        %reduce_sum3A_311 = tpu.scan <sum>, %select_n3A_308 masked %reduce_sum3A_310 : vector<16xf32>, vector<16xi1> -> vector<16xf32>
        %reduce_sum3A_312 = vector.extract %reduce_sum3A_311[15] : f32 from vector<16xf32>
        %eq3A_313 = arith.constant 0 : i32
        %eq3A_314 = vector.broadcast %eq3A_313 : i32 to vector<16xi32>
        %eq3A_315 = arith.cmpi eq, %iota3A, %eq3A_314 : vector<16xi32>
        %jit3A_316 = arith.constant 0.000000e+00 : f32
        %broadcast_in_dim3A_317 = vector.broadcast %jit3A_316 : f32 to vector<16xf32>
        %select_n3A_318 = arith.select %eq3A_315, %scan3A_154, %broadcast_in_dim3A_317 : vector<16xi1>, vector<16xf32>
        %reduce_sum3A_319 = arith.constant true
        %reduce_sum3A_320 = vector.broadcast %reduce_sum3A_319 : i1 to vector<16xi1>
        %reduce_sum3A_321 = tpu.scan <sum>, %select_n3A_318 masked %reduce_sum3A_320 : vector<16xf32>, vector<16xi1> -> vector<16xf32>
        %reduce_sum3A_322 = vector.extract %reduce_sum3A_321[15] : f32 from vector<16xf32>
        %eq3A_323 = arith.constant 1 : i32
        %eq3A_324 = vector.broadcast %eq3A_323 : i32 to vector<16xi32>
        %eq3A_325 = arith.cmpi eq, %iota3A, %eq3A_324 : vector<16xi32>
        %jit3A_326 = arith.constant 0.000000e+00 : f32
        %broadcast_in_dim3A_327 = vector.broadcast %jit3A_326 : f32 to vector<16xf32>
        %select_n3A_328 = arith.select %eq3A_325, %scan3A_154, %broadcast_in_dim3A_327 : vector<16xi1>, vector<16xf32>
        %reduce_sum3A_329 = arith.constant true
        %reduce_sum3A_330 = vector.broadcast %reduce_sum3A_329 : i1 to vector<16xi1>
        %reduce_sum3A_331 = tpu.scan <sum>, %select_n3A_328 masked %reduce_sum3A_330 : vector<16xf32>, vector<16xi1> -> vector<16xf32>
        %reduce_sum3A_332 = vector.extract %reduce_sum3A_331[15] : f32 from vector<16xf32>
        %eq3A_333 = arith.constant 2 : i32
        %eq3A_334 = vector.broadcast %eq3A_333 : i32 to vector<16xi32>
        %eq3A_335 = arith.cmpi eq, %iota3A, %eq3A_334 : vector<16xi32>
        %jit3A_336 = arith.constant 0.000000e+00 : f32
        %broadcast_in_dim3A_337 = vector.broadcast %jit3A_336 : f32 to vector<16xf32>
        %select_n3A_338 = arith.select %eq3A_335, %scan3A_154, %broadcast_in_dim3A_337 : vector<16xi1>, vector<16xf32>
        %reduce_sum3A_339 = arith.constant true
        %reduce_sum3A_340 = vector.broadcast %reduce_sum3A_339 : i1 to vector<16xi1>
        %reduce_sum3A_341 = tpu.scan <sum>, %select_n3A_338 masked %reduce_sum3A_340 : vector<16xf32>, vector<16xi1> -> vector<16xf32>
        %reduce_sum3A_342 = vector.extract %reduce_sum3A_341[15] : f32 from vector<16xf32>
        %eq3A_343 = arith.constant 3 : i32
        %eq3A_344 = vector.broadcast %eq3A_343 : i32 to vector<16xi32>
        %eq3A_345 = arith.cmpi eq, %iota3A, %eq3A_344 : vector<16xi32>
        %jit3A_346 = arith.constant 0.000000e+00 : f32
        %broadcast_in_dim3A_347 = vector.broadcast %jit3A_346 : f32 to vector<16xf32>
        %select_n3A_348 = arith.select %eq3A_345, %scan3A_154, %broadcast_in_dim3A_347 : vector<16xi1>, vector<16xf32>
        %reduce_sum3A_349 = arith.constant true
        %reduce_sum3A_350 = vector.broadcast %reduce_sum3A_349 : i1 to vector<16xi1>
        %reduce_sum3A_351 = tpu.scan <sum>, %select_n3A_348 masked %reduce_sum3A_350 : vector<16xf32>, vector<16xi1> -> vector<16xf32>
        %reduce_sum3A_352 = vector.extract %reduce_sum3A_351[15] : f32 from vector<16xf32>
        %eq3A_353 = arith.constant 4 : i32
        %eq3A_354 = vector.broadcast %eq3A_353 : i32 to vector<16xi32>
        %eq3A_355 = arith.cmpi eq, %iota3A, %eq3A_354 : vector<16xi32>
        %jit3A_356 = arith.constant 0.000000e+00 : f32
        %broadcast_in_dim3A_357 = vector.broadcast %jit3A_356 : f32 to vector<16xf32>
        %select_n3A_358 = arith.select %eq3A_355, %scan3A_154, %broadcast_in_dim3A_357 : vector<16xi1>, vector<16xf32>
        %reduce_sum3A_359 = arith.constant true
        %reduce_sum3A_360 = vector.broadcast %reduce_sum3A_359 : i1 to vector<16xi1>
        %reduce_sum3A_361 = tpu.scan <sum>, %select_n3A_358 masked %reduce_sum3A_360 : vector<16xf32>, vector<16xi1> -> vector<16xf32>
        %reduce_sum3A_362 = vector.extract %reduce_sum3A_361[15] : f32 from vector<16xf32>
        %eq3A_363 = arith.constant 5 : i32
        %eq3A_364 = vector.broadcast %eq3A_363 : i32 to vector<16xi32>
        %eq3A_365 = arith.cmpi eq, %iota3A, %eq3A_364 : vector<16xi32>
        %jit3A_366 = arith.constant 0.000000e+00 : f32
        %broadcast_in_dim3A_367 = vector.broadcast %jit3A_366 : f32 to vector<16xf32>
        %select_n3A_368 = arith.select %eq3A_365, %scan3A_154, %broadcast_in_dim3A_367 : vector<16xi1>, vector<16xf32>
        %reduce_sum3A_369 = arith.constant true
        %reduce_sum3A_370 = vector.broadcast %reduce_sum3A_369 : i1 to vector<16xi1>
        %reduce_sum3A_371 = tpu.scan <sum>, %select_n3A_368 masked %reduce_sum3A_370 : vector<16xf32>, vector<16xi1> -> vector<16xf32>
        %reduce_sum3A_372 = vector.extract %reduce_sum3A_371[15] : f32 from vector<16xf32>
        %eq3A_373 = arith.constant 6 : i32
        %eq3A_374 = vector.broadcast %eq3A_373 : i32 to vector<16xi32>
        %eq3A_375 = arith.cmpi eq, %iota3A, %eq3A_374 : vector<16xi32>
        %jit3A_376 = arith.constant 0.000000e+00 : f32
        %broadcast_in_dim3A_377 = vector.broadcast %jit3A_376 : f32 to vector<16xf32>
        %select_n3A_378 = arith.select %eq3A_375, %scan3A_154, %broadcast_in_dim3A_377 : vector<16xi1>, vector<16xf32>
        %reduce_sum3A_379 = arith.constant true
        %reduce_sum3A_380 = vector.broadcast %reduce_sum3A_379 : i1 to vector<16xi1>
        %reduce_sum3A_381 = tpu.scan <sum>, %select_n3A_378 masked %reduce_sum3A_380 : vector<16xf32>, vector<16xi1> -> vector<16xf32>
        %reduce_sum3A_382 = vector.extract %reduce_sum3A_381[15] : f32 from vector<16xf32>
        %eq3A_383 = arith.constant 7 : i32
        %eq3A_384 = vector.broadcast %eq3A_383 : i32 to vector<16xi32>
        %eq3A_385 = arith.cmpi eq, %iota3A, %eq3A_384 : vector<16xi32>
        %jit3A_386 = arith.constant 0.000000e+00 : f32
        %broadcast_in_dim3A_387 = vector.broadcast %jit3A_386 : f32 to vector<16xf32>
        %select_n3A_388 = arith.select %eq3A_385, %scan3A_154, %broadcast_in_dim3A_387 : vector<16xi1>, vector<16xf32>
        %reduce_sum3A_389 = arith.constant true
        %reduce_sum3A_390 = vector.broadcast %reduce_sum3A_389 : i1 to vector<16xi1>
        %reduce_sum3A_391 = tpu.scan <sum>, %select_n3A_388 masked %reduce_sum3A_390 : vector<16xf32>, vector<16xi1> -> vector<16xf32>
        %reduce_sum3A_392 = vector.extract %reduce_sum3A_391[15] : f32 from vector<16xf32>
        %eq3A_393 = arith.constant 8 : i32
        %eq3A_394 = vector.broadcast %eq3A_393 : i32 to vector<16xi32>
        %eq3A_395 = arith.cmpi eq, %iota3A, %eq3A_394 : vector<16xi32>
        %jit3A_396 = arith.constant 0.000000e+00 : f32
        %broadcast_in_dim3A_397 = vector.broadcast %jit3A_396 : f32 to vector<16xf32>
        %select_n3A_398 = arith.select %eq3A_395, %scan3A_154, %broadcast_in_dim3A_397 : vector<16xi1>, vector<16xf32>
        %reduce_sum3A_399 = arith.constant true
        %reduce_sum3A_400 = vector.broadcast %reduce_sum3A_399 : i1 to vector<16xi1>
        %reduce_sum3A_401 = tpu.scan <sum>, %select_n3A_398 masked %reduce_sum3A_400 : vector<16xf32>, vector<16xi1> -> vector<16xf32>
        %reduce_sum3A_402 = vector.extract %reduce_sum3A_401[15] : f32 from vector<16xf32>
        %eq3A_403 = arith.constant 9 : i32
        %eq3A_404 = vector.broadcast %eq3A_403 : i32 to vector<16xi32>
        %eq3A_405 = arith.cmpi eq, %iota3A, %eq3A_404 : vector<16xi32>
        %jit3A_406 = arith.constant 0.000000e+00 : f32
        %broadcast_in_dim3A_407 = vector.broadcast %jit3A_406 : f32 to vector<16xf32>
        %select_n3A_408 = arith.select %eq3A_405, %scan3A_154, %broadcast_in_dim3A_407 : vector<16xi1>, vector<16xf32>
        %reduce_sum3A_409 = arith.constant true
        %reduce_sum3A_410 = vector.broadcast %reduce_sum3A_409 : i1 to vector<16xi1>
        %reduce_sum3A_411 = tpu.scan <sum>, %select_n3A_408 masked %reduce_sum3A_410 : vector<16xf32>, vector<16xi1> -> vector<16xf32>
        %reduce_sum3A_412 = vector.extract %reduce_sum3A_411[15] : f32 from vector<16xf32>
        %eq3A_413 = arith.constant 10 : i32
        %eq3A_414 = vector.broadcast %eq3A_413 : i32 to vector<16xi32>
        %eq3A_415 = arith.cmpi eq, %iota3A, %eq3A_414 : vector<16xi32>
        %jit3A_416 = arith.constant 0.000000e+00 : f32
        %broadcast_in_dim3A_417 = vector.broadcast %jit3A_416 : f32 to vector<16xf32>
        %select_n3A_418 = arith.select %eq3A_415, %scan3A_154, %broadcast_in_dim3A_417 : vector<16xi1>, vector<16xf32>
        %reduce_sum3A_419 = arith.constant true
        %reduce_sum3A_420 = vector.broadcast %reduce_sum3A_419 : i1 to vector<16xi1>
        %reduce_sum3A_421 = tpu.scan <sum>, %select_n3A_418 masked %reduce_sum3A_420 : vector<16xf32>, vector<16xi1> -> vector<16xf32>
        %reduce_sum3A_422 = vector.extract %reduce_sum3A_421[15] : f32 from vector<16xf32>
        %eq3A_423 = arith.constant 11 : i32
        %eq3A_424 = vector.broadcast %eq3A_423 : i32 to vector<16xi32>
        %eq3A_425 = arith.cmpi eq, %iota3A, %eq3A_424 : vector<16xi32>
        %jit3A_426 = arith.constant 0.000000e+00 : f32
        %broadcast_in_dim3A_427 = vector.broadcast %jit3A_426 : f32 to vector<16xf32>
        %select_n3A_428 = arith.select %eq3A_425, %scan3A_154, %broadcast_in_dim3A_427 : vector<16xi1>, vector<16xf32>
        %reduce_sum3A_429 = arith.constant true
        %reduce_sum3A_430 = vector.broadcast %reduce_sum3A_429 : i1 to vector<16xi1>
        %reduce_sum3A_431 = tpu.scan <sum>, %select_n3A_428 masked %reduce_sum3A_430 : vector<16xf32>, vector<16xi1> -> vector<16xf32>
        %reduce_sum3A_432 = vector.extract %reduce_sum3A_431[15] : f32 from vector<16xf32>
        %eq3A_433 = arith.constant 12 : i32
        %eq3A_434 = vector.broadcast %eq3A_433 : i32 to vector<16xi32>
        %eq3A_435 = arith.cmpi eq, %iota3A, %eq3A_434 : vector<16xi32>
        %jit3A_436 = arith.constant 0.000000e+00 : f32
        %broadcast_in_dim3A_437 = vector.broadcast %jit3A_436 : f32 to vector<16xf32>
        %select_n3A_438 = arith.select %eq3A_435, %scan3A_154, %broadcast_in_dim3A_437 : vector<16xi1>, vector<16xf32>
        %reduce_sum3A_439 = arith.constant true
        %reduce_sum3A_440 = vector.broadcast %reduce_sum3A_439 : i1 to vector<16xi1>
        %reduce_sum3A_441 = tpu.scan <sum>, %select_n3A_438 masked %reduce_sum3A_440 : vector<16xf32>, vector<16xi1> -> vector<16xf32>
        %reduce_sum3A_442 = vector.extract %reduce_sum3A_441[15] : f32 from vector<16xf32>
        %eq3A_443 = arith.constant 13 : i32
        %eq3A_444 = vector.broadcast %eq3A_443 : i32 to vector<16xi32>
        %eq3A_445 = arith.cmpi eq, %iota3A, %eq3A_444 : vector<16xi32>
        %jit3A_446 = arith.constant 0.000000e+00 : f32
        %broadcast_in_dim3A_447 = vector.broadcast %jit3A_446 : f32 to vector<16xf32>
        %select_n3A_448 = arith.select %eq3A_445, %scan3A_154, %broadcast_in_dim3A_447 : vector<16xi1>, vector<16xf32>
        %reduce_sum3A_449 = arith.constant true
        %reduce_sum3A_450 = vector.broadcast %reduce_sum3A_449 : i1 to vector<16xi1>
        %reduce_sum3A_451 = tpu.scan <sum>, %select_n3A_448 masked %reduce_sum3A_450 : vector<16xf32>, vector<16xi1> -> vector<16xf32>
        %reduce_sum3A_452 = vector.extract %reduce_sum3A_451[15] : f32 from vector<16xf32>
        %eq3A_453 = arith.constant 14 : i32
        %eq3A_454 = vector.broadcast %eq3A_453 : i32 to vector<16xi32>
        %eq3A_455 = arith.cmpi eq, %iota3A, %eq3A_454 : vector<16xi32>
        %jit3A_456 = arith.constant 0.000000e+00 : f32
        %broadcast_in_dim3A_457 = vector.broadcast %jit3A_456 : f32 to vector<16xf32>
        %select_n3A_458 = arith.select %eq3A_455, %scan3A_154, %broadcast_in_dim3A_457 : vector<16xi1>, vector<16xf32>
        %reduce_sum3A_459 = arith.constant true
        %reduce_sum3A_460 = vector.broadcast %reduce_sum3A_459 : i1 to vector<16xi1>
        %reduce_sum3A_461 = tpu.scan <sum>, %select_n3A_458 masked %reduce_sum3A_460 : vector<16xf32>, vector<16xi1> -> vector<16xf32>
        %reduce_sum3A_462 = vector.extract %reduce_sum3A_461[15] : f32 from vector<16xf32>
        %eq3A_463 = arith.constant 15 : i32
        %eq3A_464 = vector.broadcast %eq3A_463 : i32 to vector<16xi32>
        %eq3A_465 = arith.cmpi eq, %iota3A, %eq3A_464 : vector<16xi32>
        %jit3A_466 = arith.constant 0.000000e+00 : f32
        %broadcast_in_dim3A_467 = vector.broadcast %jit3A_466 : f32 to vector<16xf32>
        %select_n3A_468 = arith.select %eq3A_465, %scan3A_154, %broadcast_in_dim3A_467 : vector<16xi1>, vector<16xf32>
        %reduce_sum3A_469 = arith.constant true
        %reduce_sum3A_470 = vector.broadcast %reduce_sum3A_469 : i1 to vector<16xi1>
        %reduce_sum3A_471 = tpu.scan <sum>, %select_n3A_468 masked %reduce_sum3A_470 : vector<16xf32>, vector<16xi1> -> vector<16xf32>
        %reduce_sum3A_472 = vector.extract %reduce_sum3A_471[15] : f32 from vector<16xf32>
        %scan3A_473 = arith.constant 0 : i32
        %scan3A_474 = arith.constant 64 : i32
        %scan3A_475 = arith.addi %scan3A_473, %scan3A_474 : i32
        %scan3A_476 = arith.constant 1 : i32
        %scan3A_477:48 = scf.for %scan3A_997 = %scan3A_473 to %scan3A_475 step %scan3A_476 iter_args(%scan3A_998 = %broadcast_in_dim3A_1, %scan3A_999 = %broadcast_in_dim3A_1, %scan3A_1000 = %broadcast_in_dim3A_1, %scan3A_1001 = %broadcast_in_dim3A_1, %scan3A_1002 = %broadcast_in_dim3A_1, %scan3A_1003 = %broadcast_in_dim3A_1, %scan3A_1004 = %broadcast_in_dim3A_1, %scan3A_1005 = %broadcast_in_dim3A_1, %scan3A_1006 = %broadcast_in_dim3A_1, %scan3A_1007 = %broadcast_in_dim3A_1, %scan3A_1008 = %broadcast_in_dim3A_1, %scan3A_1009 = %broadcast_in_dim3A_1, %scan3A_1010 = %broadcast_in_dim3A_1, %scan3A_1011 = %broadcast_in_dim3A_1, %scan3A_1012 = %broadcast_in_dim3A_1, %scan3A_1013 = %broadcast_in_dim3A_1, %scan3A_1014 = %broadcast_in_dim3A_1, %scan3A_1015 = %broadcast_in_dim3A_1, %scan3A_1016 = %broadcast_in_dim3A_1, %scan3A_1017 = %broadcast_in_dim3A_1, %scan3A_1018 = %broadcast_in_dim3A_1, %scan3A_1019 = %broadcast_in_dim3A_1, %scan3A_1020 = %broadcast_in_dim3A_1, %scan3A_1021 = %broadcast_in_dim3A_1, %scan3A_1022 = %broadcast_in_dim3A_1, %scan3A_1023 = %broadcast_in_dim3A_1, %scan3A_1024 = %broadcast_in_dim3A_1, %scan3A_1025 = %broadcast_in_dim3A_1, %scan3A_1026 = %broadcast_in_dim3A_1, %scan3A_1027 = %broadcast_in_dim3A_1, %scan3A_1028 = %broadcast_in_dim3A_1, %scan3A_1029 = %broadcast_in_dim3A_1, %scan3A_1030 = %broadcast_in_dim3A_1, %scan3A_1031 = %broadcast_in_dim3A_1, %scan3A_1032 = %broadcast_in_dim3A_1, %scan3A_1033 = %broadcast_in_dim3A_1, %scan3A_1034 = %broadcast_in_dim3A_1, %scan3A_1035 = %broadcast_in_dim3A_1, %scan3A_1036 = %broadcast_in_dim3A_1, %scan3A_1037 = %broadcast_in_dim3A_1, %scan3A_1038 = %broadcast_in_dim3A_1, %scan3A_1039 = %broadcast_in_dim3A_1, %scan3A_1040 = %broadcast_in_dim3A_1, %scan3A_1041 = %broadcast_in_dim3A_1, %scan3A_1042 = %broadcast_in_dim3A_1, %scan3A_1043 = %broadcast_in_dim3A_1, %scan3A_1044 = %broadcast_in_dim3A_1, %scan3A_1045 = %broadcast_in_dim3A_1) -> (vector<16xf32>, vector<16xf32>, vector<16xf32>, vector<16xf32>, vector<16xf32>, vector<16xf32>, vector<16xf32>, vector<16xf32>, vector<16xf32>, vector<16xf32>, vector<16xf32>, vector<16xf32>, vector<16xf32>, vector<16xf32>, vector<16xf32>, vector<16xf32>, vector<16xf32>, vector<16xf32>, vector<16xf32>, vector<16xf32>, vector<16xf32>, vector<16xf32>, vector<16xf32>, vector<16xf32>, vector<16xf32>, vector<16xf32>, vector<16xf32>, vector<16xf32>, vector<16xf32>, vector<16xf32>, vector<16xf32>, vector<16xf32>, vector<16xf32>, vector<16xf32>, vector<16xf32>, vector<16xf32>, vector<16xf32>, vector<16xf32>, vector<16xf32>, vector<16xf32>, vector<16xf32>, vector<16xf32>, vector<16xf32>, vector<16xf32>, vector<16xf32>, vector<16xf32>, vector<16xf32>, vector<16xf32>)  : i32 {
          %mul3A_1046 = arith.constant 16 : i32
          %mul3A_1047 = arith.muli %scan3A_997, %mul3A_1046 : i32
          %get3A_1048 = arith.index_cast %mul3A_1047 : i32 to index
          %get3A_1049 = tpu.vector_load %arg6[%get3A_1048] {strides = array<i32>} : memref<1024xf32, #tpu.memory_space<vmem>>, vector<16xf32>,
          %get3A_1050 = arith.index_cast %mul3A_1047 : i32 to index
          %get3A_1051 = tpu.vector_load %arg7[%get3A_1050] {strides = array<i32>} : memref<1024xf32, #tpu.memory_space<vmem>>, vector<16xf32>,
          %sub3A_1052 = vector.broadcast %reduce_sum3A_162 : f32 to vector<16xf32>
          %sub3A_1053 = arith.subf %get3A_1049, %sub3A_1052 : vector<16xf32>
          %sub3A_1054 = vector.broadcast %reduce_sum3A_322 : f32 to vector<16xf32>
          %sub3A_1055 = arith.subf %get3A_1051, %sub3A_1054 : vector<16xf32>
          %mul3A_1056 = arith.mulf %sub3A_1053, %sub3A_1053 : vector<16xf32>
          %mul3A_1057 = arith.mulf %sub3A_1055, %sub3A_1055 : vector<16xf32>
          %add3A_1058 = arith.addf %mul3A_1056, %mul3A_1057 : vector<16xf32>
          %sub3A_1059 = vector.broadcast %reduce_sum3A_172 : f32 to vector<16xf32>
          %sub3A_1060 = arith.subf %get3A_1049, %sub3A_1059 : vector<16xf32>
          %sub3A_1061 = vector.broadcast %reduce_sum3A_332 : f32 to vector<16xf32>
          %sub3A_1062 = arith.subf %get3A_1051, %sub3A_1061 : vector<16xf32>
          %mul3A_1063 = arith.mulf %sub3A_1060, %sub3A_1060 : vector<16xf32>
          %mul3A_1064 = arith.mulf %sub3A_1062, %sub3A_1062 : vector<16xf32>
          %add3A_1065 = arith.addf %mul3A_1063, %mul3A_1064 : vector<16xf32>
          %lt3A_1066 = arith.cmpf olt, %add3A_1065, %add3A_1058 : vector<16xf32>
          %select_n3A_1067 = arith.select %lt3A_1066, %add3A_1065, %add3A_1058 : vector<16xi1>, vector<16xf32>
          %jit3A_1068 = arith.constant 1 : i32
          %broadcast_in_dim3A_1069 = vector.broadcast %jit3A_1068 : i32 to vector<16xi32>
          %select_n3A_1070 = arith.select %lt3A_1066, %broadcast_in_dim3A_1069, %broadcast_in_dim3A_3 : vector<16xi1>, vector<16xi32>
          %sub3A_1071 = vector.broadcast %reduce_sum3A_182 : f32 to vector<16xf32>
          %sub3A_1072 = arith.subf %get3A_1049, %sub3A_1071 : vector<16xf32>
          %sub3A_1073 = vector.broadcast %reduce_sum3A_342 : f32 to vector<16xf32>
          %sub3A_1074 = arith.subf %get3A_1051, %sub3A_1073 : vector<16xf32>
          %mul3A_1075 = arith.mulf %sub3A_1072, %sub3A_1072 : vector<16xf32>
          %mul3A_1076 = arith.mulf %sub3A_1074, %sub3A_1074 : vector<16xf32>
          %add3A_1077 = arith.addf %mul3A_1075, %mul3A_1076 : vector<16xf32>
          %lt3A_1078 = arith.cmpf olt, %add3A_1077, %select_n3A_1067 : vector<16xf32>
          %select_n3A_1079 = arith.select %lt3A_1078, %add3A_1077, %select_n3A_1067 : vector<16xi1>, vector<16xf32>
          %jit3A_1080 = arith.constant 2 : i32
          %broadcast_in_dim3A_1081 = vector.broadcast %jit3A_1080 : i32 to vector<16xi32>
          %select_n3A_1082 = arith.select %lt3A_1078, %broadcast_in_dim3A_1081, %select_n3A_1070 : vector<16xi1>, vector<16xi32>
          %sub3A_1083 = vector.broadcast %reduce_sum3A_192 : f32 to vector<16xf32>
          %sub3A_1084 = arith.subf %get3A_1049, %sub3A_1083 : vector<16xf32>
          %sub3A_1085 = vector.broadcast %reduce_sum3A_352 : f32 to vector<16xf32>
          %sub3A_1086 = arith.subf %get3A_1051, %sub3A_1085 : vector<16xf32>
          %mul3A_1087 = arith.mulf %sub3A_1084, %sub3A_1084 : vector<16xf32>
          %mul3A_1088 = arith.mulf %sub3A_1086, %sub3A_1086 : vector<16xf32>
          %add3A_1089 = arith.addf %mul3A_1087, %mul3A_1088 : vector<16xf32>
          %lt3A_1090 = arith.cmpf olt, %add3A_1089, %select_n3A_1079 : vector<16xf32>
          %select_n3A_1091 = arith.select %lt3A_1090, %add3A_1089, %select_n3A_1079 : vector<16xi1>, vector<16xf32>
          %jit3A_1092 = arith.constant 3 : i32
          %broadcast_in_dim3A_1093 = vector.broadcast %jit3A_1092 : i32 to vector<16xi32>
          %select_n3A_1094 = arith.select %lt3A_1090, %broadcast_in_dim3A_1093, %select_n3A_1082 : vector<16xi1>, vector<16xi32>
          %sub3A_1095 = vector.broadcast %reduce_sum3A_202 : f32 to vector<16xf32>
          %sub3A_1096 = arith.subf %get3A_1049, %sub3A_1095 : vector<16xf32>
          %sub3A_1097 = vector.broadcast %reduce_sum3A_362 : f32 to vector<16xf32>
          %sub3A_1098 = arith.subf %get3A_1051, %sub3A_1097 : vector<16xf32>
          %mul3A_1099 = arith.mulf %sub3A_1096, %sub3A_1096 : vector<16xf32>
          %mul3A_1100 = arith.mulf %sub3A_1098, %sub3A_1098 : vector<16xf32>
          %add3A_1101 = arith.addf %mul3A_1099, %mul3A_1100 : vector<16xf32>
          %lt3A_1102 = arith.cmpf olt, %add3A_1101, %select_n3A_1091 : vector<16xf32>
          %select_n3A_1103 = arith.select %lt3A_1102, %add3A_1101, %select_n3A_1091 : vector<16xi1>, vector<16xf32>
          %jit3A_1104 = arith.constant 4 : i32
          %broadcast_in_dim3A_1105 = vector.broadcast %jit3A_1104 : i32 to vector<16xi32>
          %select_n3A_1106 = arith.select %lt3A_1102, %broadcast_in_dim3A_1105, %select_n3A_1094 : vector<16xi1>, vector<16xi32>
          %sub3A_1107 = vector.broadcast %reduce_sum3A_212 : f32 to vector<16xf32>
          %sub3A_1108 = arith.subf %get3A_1049, %sub3A_1107 : vector<16xf32>
          %sub3A_1109 = vector.broadcast %reduce_sum3A_372 : f32 to vector<16xf32>
          %sub3A_1110 = arith.subf %get3A_1051, %sub3A_1109 : vector<16xf32>
          %mul3A_1111 = arith.mulf %sub3A_1108, %sub3A_1108 : vector<16xf32>
          %mul3A_1112 = arith.mulf %sub3A_1110, %sub3A_1110 : vector<16xf32>
          %add3A_1113 = arith.addf %mul3A_1111, %mul3A_1112 : vector<16xf32>
          %lt3A_1114 = arith.cmpf olt, %add3A_1113, %select_n3A_1103 : vector<16xf32>
          %select_n3A_1115 = arith.select %lt3A_1114, %add3A_1113, %select_n3A_1103 : vector<16xi1>, vector<16xf32>
          %jit3A_1116 = arith.constant 5 : i32
          %broadcast_in_dim3A_1117 = vector.broadcast %jit3A_1116 : i32 to vector<16xi32>
          %select_n3A_1118 = arith.select %lt3A_1114, %broadcast_in_dim3A_1117, %select_n3A_1106 : vector<16xi1>, vector<16xi32>
          %sub3A_1119 = vector.broadcast %reduce_sum3A_222 : f32 to vector<16xf32>
          %sub3A_1120 = arith.subf %get3A_1049, %sub3A_1119 : vector<16xf32>
          %sub3A_1121 = vector.broadcast %reduce_sum3A_382 : f32 to vector<16xf32>
          %sub3A_1122 = arith.subf %get3A_1051, %sub3A_1121 : vector<16xf32>
          %mul3A_1123 = arith.mulf %sub3A_1120, %sub3A_1120 : vector<16xf32>
          %mul3A_1124 = arith.mulf %sub3A_1122, %sub3A_1122 : vector<16xf32>
          %add3A_1125 = arith.addf %mul3A_1123, %mul3A_1124 : vector<16xf32>
          %lt3A_1126 = arith.cmpf olt, %add3A_1125, %select_n3A_1115 : vector<16xf32>
          %select_n3A_1127 = arith.select %lt3A_1126, %add3A_1125, %select_n3A_1115 : vector<16xi1>, vector<16xf32>
          %jit3A_1128 = arith.constant 6 : i32
          %broadcast_in_dim3A_1129 = vector.broadcast %jit3A_1128 : i32 to vector<16xi32>
          %select_n3A_1130 = arith.select %lt3A_1126, %broadcast_in_dim3A_1129, %select_n3A_1118 : vector<16xi1>, vector<16xi32>
          %sub3A_1131 = vector.broadcast %reduce_sum3A_232 : f32 to vector<16xf32>
          %sub3A_1132 = arith.subf %get3A_1049, %sub3A_1131 : vector<16xf32>
          %sub3A_1133 = vector.broadcast %reduce_sum3A_392 : f32 to vector<16xf32>
          %sub3A_1134 = arith.subf %get3A_1051, %sub3A_1133 : vector<16xf32>
          %mul3A_1135 = arith.mulf %sub3A_1132, %sub3A_1132 : vector<16xf32>
          %mul3A_1136 = arith.mulf %sub3A_1134, %sub3A_1134 : vector<16xf32>
          %add3A_1137 = arith.addf %mul3A_1135, %mul3A_1136 : vector<16xf32>
          %lt3A_1138 = arith.cmpf olt, %add3A_1137, %select_n3A_1127 : vector<16xf32>
          %select_n3A_1139 = arith.select %lt3A_1138, %add3A_1137, %select_n3A_1127 : vector<16xi1>, vector<16xf32>
          %jit3A_1140 = arith.constant 7 : i32
          %broadcast_in_dim3A_1141 = vector.broadcast %jit3A_1140 : i32 to vector<16xi32>
          %select_n3A_1142 = arith.select %lt3A_1138, %broadcast_in_dim3A_1141, %select_n3A_1130 : vector<16xi1>, vector<16xi32>
          %sub3A_1143 = vector.broadcast %reduce_sum3A_242 : f32 to vector<16xf32>
          %sub3A_1144 = arith.subf %get3A_1049, %sub3A_1143 : vector<16xf32>
          %sub3A_1145 = vector.broadcast %reduce_sum3A_402 : f32 to vector<16xf32>
          %sub3A_1146 = arith.subf %get3A_1051, %sub3A_1145 : vector<16xf32>
          %mul3A_1147 = arith.mulf %sub3A_1144, %sub3A_1144 : vector<16xf32>
          %mul3A_1148 = arith.mulf %sub3A_1146, %sub3A_1146 : vector<16xf32>
          %add3A_1149 = arith.addf %mul3A_1147, %mul3A_1148 : vector<16xf32>
          %lt3A_1150 = arith.cmpf olt, %add3A_1149, %select_n3A_1139 : vector<16xf32>
          %select_n3A_1151 = arith.select %lt3A_1150, %add3A_1149, %select_n3A_1139 : vector<16xi1>, vector<16xf32>
          %jit3A_1152 = arith.constant 8 : i32
          %broadcast_in_dim3A_1153 = vector.broadcast %jit3A_1152 : i32 to vector<16xi32>
          %select_n3A_1154 = arith.select %lt3A_1150, %broadcast_in_dim3A_1153, %select_n3A_1142 : vector<16xi1>, vector<16xi32>
          %sub3A_1155 = vector.broadcast %reduce_sum3A_252 : f32 to vector<16xf32>
          %sub3A_1156 = arith.subf %get3A_1049, %sub3A_1155 : vector<16xf32>
          %sub3A_1157 = vector.broadcast %reduce_sum3A_412 : f32 to vector<16xf32>
          %sub3A_1158 = arith.subf %get3A_1051, %sub3A_1157 : vector<16xf32>
          %mul3A_1159 = arith.mulf %sub3A_1156, %sub3A_1156 : vector<16xf32>
          %mul3A_1160 = arith.mulf %sub3A_1158, %sub3A_1158 : vector<16xf32>
          %add3A_1161 = arith.addf %mul3A_1159, %mul3A_1160 : vector<16xf32>
          %lt3A_1162 = arith.cmpf olt, %add3A_1161, %select_n3A_1151 : vector<16xf32>
          %select_n3A_1163 = arith.select %lt3A_1162, %add3A_1161, %select_n3A_1151 : vector<16xi1>, vector<16xf32>
          %jit3A_1164 = arith.constant 9 : i32
          %broadcast_in_dim3A_1165 = vector.broadcast %jit3A_1164 : i32 to vector<16xi32>
          %select_n3A_1166 = arith.select %lt3A_1162, %broadcast_in_dim3A_1165, %select_n3A_1154 : vector<16xi1>, vector<16xi32>
          %sub3A_1167 = vector.broadcast %reduce_sum3A_262 : f32 to vector<16xf32>
          %sub3A_1168 = arith.subf %get3A_1049, %sub3A_1167 : vector<16xf32>
          %sub3A_1169 = vector.broadcast %reduce_sum3A_422 : f32 to vector<16xf32>
          %sub3A_1170 = arith.subf %get3A_1051, %sub3A_1169 : vector<16xf32>
          %mul3A_1171 = arith.mulf %sub3A_1168, %sub3A_1168 : vector<16xf32>
          %mul3A_1172 = arith.mulf %sub3A_1170, %sub3A_1170 : vector<16xf32>
          %add3A_1173 = arith.addf %mul3A_1171, %mul3A_1172 : vector<16xf32>
          %lt3A_1174 = arith.cmpf olt, %add3A_1173, %select_n3A_1163 : vector<16xf32>
          %select_n3A_1175 = arith.select %lt3A_1174, %add3A_1173, %select_n3A_1163 : vector<16xi1>, vector<16xf32>
          %jit3A_1176 = arith.constant 10 : i32
          %broadcast_in_dim3A_1177 = vector.broadcast %jit3A_1176 : i32 to vector<16xi32>
          %select_n3A_1178 = arith.select %lt3A_1174, %broadcast_in_dim3A_1177, %select_n3A_1166 : vector<16xi1>, vector<16xi32>
          %sub3A_1179 = vector.broadcast %reduce_sum3A_272 : f32 to vector<16xf32>
          %sub3A_1180 = arith.subf %get3A_1049, %sub3A_1179 : vector<16xf32>
          %sub3A_1181 = vector.broadcast %reduce_sum3A_432 : f32 to vector<16xf32>
          %sub3A_1182 = arith.subf %get3A_1051, %sub3A_1181 : vector<16xf32>
          %mul3A_1183 = arith.mulf %sub3A_1180, %sub3A_1180 : vector<16xf32>
          %mul3A_1184 = arith.mulf %sub3A_1182, %sub3A_1182 : vector<16xf32>
          %add3A_1185 = arith.addf %mul3A_1183, %mul3A_1184 : vector<16xf32>
          %lt3A_1186 = arith.cmpf olt, %add3A_1185, %select_n3A_1175 : vector<16xf32>
          %select_n3A_1187 = arith.select %lt3A_1186, %add3A_1185, %select_n3A_1175 : vector<16xi1>, vector<16xf32>
          %jit3A_1188 = arith.constant 11 : i32
          %broadcast_in_dim3A_1189 = vector.broadcast %jit3A_1188 : i32 to vector<16xi32>
          %select_n3A_1190 = arith.select %lt3A_1186, %broadcast_in_dim3A_1189, %select_n3A_1178 : vector<16xi1>, vector<16xi32>
          %sub3A_1191 = vector.broadcast %reduce_sum3A_282 : f32 to vector<16xf32>
          %sub3A_1192 = arith.subf %get3A_1049, %sub3A_1191 : vector<16xf32>
          %sub3A_1193 = vector.broadcast %reduce_sum3A_442 : f32 to vector<16xf32>
          %sub3A_1194 = arith.subf %get3A_1051, %sub3A_1193 : vector<16xf32>
          %mul3A_1195 = arith.mulf %sub3A_1192, %sub3A_1192 : vector<16xf32>
          %mul3A_1196 = arith.mulf %sub3A_1194, %sub3A_1194 : vector<16xf32>
          %add3A_1197 = arith.addf %mul3A_1195, %mul3A_1196 : vector<16xf32>
          %lt3A_1198 = arith.cmpf olt, %add3A_1197, %select_n3A_1187 : vector<16xf32>
          %select_n3A_1199 = arith.select %lt3A_1198, %add3A_1197, %select_n3A_1187 : vector<16xi1>, vector<16xf32>
          %jit3A_1200 = arith.constant 12 : i32
          %broadcast_in_dim3A_1201 = vector.broadcast %jit3A_1200 : i32 to vector<16xi32>
          %select_n3A_1202 = arith.select %lt3A_1198, %broadcast_in_dim3A_1201, %select_n3A_1190 : vector<16xi1>, vector<16xi32>
          %sub3A_1203 = vector.broadcast %reduce_sum3A_292 : f32 to vector<16xf32>
          %sub3A_1204 = arith.subf %get3A_1049, %sub3A_1203 : vector<16xf32>
          %sub3A_1205 = vector.broadcast %reduce_sum3A_452 : f32 to vector<16xf32>
          %sub3A_1206 = arith.subf %get3A_1051, %sub3A_1205 : vector<16xf32>
          %mul3A_1207 = arith.mulf %sub3A_1204, %sub3A_1204 : vector<16xf32>
          %mul3A_1208 = arith.mulf %sub3A_1206, %sub3A_1206 : vector<16xf32>
          %add3A_1209 = arith.addf %mul3A_1207, %mul3A_1208 : vector<16xf32>
          %lt3A_1210 = arith.cmpf olt, %add3A_1209, %select_n3A_1199 : vector<16xf32>
          %select_n3A_1211 = arith.select %lt3A_1210, %add3A_1209, %select_n3A_1199 : vector<16xi1>, vector<16xf32>
          %jit3A_1212 = arith.constant 13 : i32
          %broadcast_in_dim3A_1213 = vector.broadcast %jit3A_1212 : i32 to vector<16xi32>
          %select_n3A_1214 = arith.select %lt3A_1210, %broadcast_in_dim3A_1213, %select_n3A_1202 : vector<16xi1>, vector<16xi32>
          %sub3A_1215 = vector.broadcast %reduce_sum3A_302 : f32 to vector<16xf32>
          %sub3A_1216 = arith.subf %get3A_1049, %sub3A_1215 : vector<16xf32>
          %sub3A_1217 = vector.broadcast %reduce_sum3A_462 : f32 to vector<16xf32>
          %sub3A_1218 = arith.subf %get3A_1051, %sub3A_1217 : vector<16xf32>
          %mul3A_1219 = arith.mulf %sub3A_1216, %sub3A_1216 : vector<16xf32>
          %mul3A_1220 = arith.mulf %sub3A_1218, %sub3A_1218 : vector<16xf32>
          %add3A_1221 = arith.addf %mul3A_1219, %mul3A_1220 : vector<16xf32>
          %lt3A_1222 = arith.cmpf olt, %add3A_1221, %select_n3A_1211 : vector<16xf32>
          %select_n3A_1223 = arith.select %lt3A_1222, %add3A_1221, %select_n3A_1211 : vector<16xi1>, vector<16xf32>
          %jit3A_1224 = arith.constant 14 : i32
          %broadcast_in_dim3A_1225 = vector.broadcast %jit3A_1224 : i32 to vector<16xi32>
          %select_n3A_1226 = arith.select %lt3A_1222, %broadcast_in_dim3A_1225, %select_n3A_1214 : vector<16xi1>, vector<16xi32>
          %sub3A_1227 = vector.broadcast %reduce_sum3A_312 : f32 to vector<16xf32>
          %sub3A_1228 = arith.subf %get3A_1049, %sub3A_1227 : vector<16xf32>
          %sub3A_1229 = vector.broadcast %reduce_sum3A_472 : f32 to vector<16xf32>
          %sub3A_1230 = arith.subf %get3A_1051, %sub3A_1229 : vector<16xf32>
          %mul3A_1231 = arith.mulf %sub3A_1228, %sub3A_1228 : vector<16xf32>
          %mul3A_1232 = arith.mulf %sub3A_1230, %sub3A_1230 : vector<16xf32>
          %add3A_1233 = arith.addf %mul3A_1231, %mul3A_1232 : vector<16xf32>
          %lt3A_1234 = arith.cmpf olt, %add3A_1233, %select_n3A_1223 : vector<16xf32>
          %select_n3A_1235 = arith.select %lt3A_1234, %add3A_1233, %select_n3A_1223 : vector<16xi1>, vector<16xf32>
          %jit3A_1236 = arith.constant 15 : i32
          %broadcast_in_dim3A_1237 = vector.broadcast %jit3A_1236 : i32 to vector<16xi32>
          %select_n3A_1238 = arith.select %lt3A_1234, %broadcast_in_dim3A_1237, %select_n3A_1226 : vector<16xi1>, vector<16xi32>
          %eq3A_1239 = arith.constant 0 : i32
          %eq3A_1240 = vector.broadcast %eq3A_1239 : i32 to vector<16xi32>
          %eq3A_1241 = arith.cmpi eq, %select_n3A_1238, %eq3A_1240 : vector<16xi32>
          %jit3A_1242 = arith.constant 0.000000e+00 : f32
          %broadcast_in_dim3A_1243 = vector.broadcast %jit3A_1242 : f32 to vector<16xf32>
          %select_n3A_1244 = arith.select %eq3A_1241, %get3A_1049, %broadcast_in_dim3A_1243 : vector<16xi1>, vector<16xf32>
          %add3A_1245 = arith.addf %scan3A_998, %select_n3A_1244 : vector<16xf32>
          %eq3A_1246 = arith.constant 1 : i32
          %eq3A_1247 = vector.broadcast %eq3A_1246 : i32 to vector<16xi32>
          %eq3A_1248 = arith.cmpi eq, %select_n3A_1238, %eq3A_1247 : vector<16xi32>
          %jit3A_1249 = arith.constant 0.000000e+00 : f32
          %broadcast_in_dim3A_1250 = vector.broadcast %jit3A_1249 : f32 to vector<16xf32>
          %select_n3A_1251 = arith.select %eq3A_1248, %get3A_1049, %broadcast_in_dim3A_1250 : vector<16xi1>, vector<16xf32>
          %add3A_1252 = arith.addf %scan3A_999, %select_n3A_1251 : vector<16xf32>
          %eq3A_1253 = arith.constant 2 : i32
          %eq3A_1254 = vector.broadcast %eq3A_1253 : i32 to vector<16xi32>
          %eq3A_1255 = arith.cmpi eq, %select_n3A_1238, %eq3A_1254 : vector<16xi32>
          %jit3A_1256 = arith.constant 0.000000e+00 : f32
          %broadcast_in_dim3A_1257 = vector.broadcast %jit3A_1256 : f32 to vector<16xf32>
          %select_n3A_1258 = arith.select %eq3A_1255, %get3A_1049, %broadcast_in_dim3A_1257 : vector<16xi1>, vector<16xf32>
          %add3A_1259 = arith.addf %scan3A_1000, %select_n3A_1258 : vector<16xf32>
          %eq3A_1260 = arith.constant 3 : i32
          %eq3A_1261 = vector.broadcast %eq3A_1260 : i32 to vector<16xi32>
          %eq3A_1262 = arith.cmpi eq, %select_n3A_1238, %eq3A_1261 : vector<16xi32>
          %jit3A_1263 = arith.constant 0.000000e+00 : f32
          %broadcast_in_dim3A_1264 = vector.broadcast %jit3A_1263 : f32 to vector<16xf32>
          %select_n3A_1265 = arith.select %eq3A_1262, %get3A_1049, %broadcast_in_dim3A_1264 : vector<16xi1>, vector<16xf32>
          %add3A_1266 = arith.addf %scan3A_1001, %select_n3A_1265 : vector<16xf32>
          %eq3A_1267 = arith.constant 4 : i32
          %eq3A_1268 = vector.broadcast %eq3A_1267 : i32 to vector<16xi32>
          %eq3A_1269 = arith.cmpi eq, %select_n3A_1238, %eq3A_1268 : vector<16xi32>
          %jit3A_1270 = arith.constant 0.000000e+00 : f32
          %broadcast_in_dim3A_1271 = vector.broadcast %jit3A_1270 : f32 to vector<16xf32>
          %select_n3A_1272 = arith.select %eq3A_1269, %get3A_1049, %broadcast_in_dim3A_1271 : vector<16xi1>, vector<16xf32>
          %add3A_1273 = arith.addf %scan3A_1002, %select_n3A_1272 : vector<16xf32>
          %eq3A_1274 = arith.constant 5 : i32
          %eq3A_1275 = vector.broadcast %eq3A_1274 : i32 to vector<16xi32>
          %eq3A_1276 = arith.cmpi eq, %select_n3A_1238, %eq3A_1275 : vector<16xi32>
          %jit3A_1277 = arith.constant 0.000000e+00 : f32
          %broadcast_in_dim3A_1278 = vector.broadcast %jit3A_1277 : f32 to vector<16xf32>
          %select_n3A_1279 = arith.select %eq3A_1276, %get3A_1049, %broadcast_in_dim3A_1278 : vector<16xi1>, vector<16xf32>
          %add3A_1280 = arith.addf %scan3A_1003, %select_n3A_1279 : vector<16xf32>
          %eq3A_1281 = arith.constant 6 : i32
          %eq3A_1282 = vector.broadcast %eq3A_1281 : i32 to vector<16xi32>
          %eq3A_1283 = arith.cmpi eq, %select_n3A_1238, %eq3A_1282 : vector<16xi32>
          %jit3A_1284 = arith.constant 0.000000e+00 : f32
          %broadcast_in_dim3A_1285 = vector.broadcast %jit3A_1284 : f32 to vector<16xf32>
          %select_n3A_1286 = arith.select %eq3A_1283, %get3A_1049, %broadcast_in_dim3A_1285 : vector<16xi1>, vector<16xf32>
          %add3A_1287 = arith.addf %scan3A_1004, %select_n3A_1286 : vector<16xf32>
          %eq3A_1288 = arith.constant 7 : i32
          %eq3A_1289 = vector.broadcast %eq3A_1288 : i32 to vector<16xi32>
          %eq3A_1290 = arith.cmpi eq, %select_n3A_1238, %eq3A_1289 : vector<16xi32>
          %jit3A_1291 = arith.constant 0.000000e+00 : f32
          %broadcast_in_dim3A_1292 = vector.broadcast %jit3A_1291 : f32 to vector<16xf32>
          %select_n3A_1293 = arith.select %eq3A_1290, %get3A_1049, %broadcast_in_dim3A_1292 : vector<16xi1>, vector<16xf32>
          %add3A_1294 = arith.addf %scan3A_1005, %select_n3A_1293 : vector<16xf32>
          %eq3A_1295 = arith.constant 8 : i32
          %eq3A_1296 = vector.broadcast %eq3A_1295 : i32 to vector<16xi32>
          %eq3A_1297 = arith.cmpi eq, %select_n3A_1238, %eq3A_1296 : vector<16xi32>
          %jit3A_1298 = arith.constant 0.000000e+00 : f32
          %broadcast_in_dim3A_1299 = vector.broadcast %jit3A_1298 : f32 to vector<16xf32>
          %select_n3A_1300 = arith.select %eq3A_1297, %get3A_1049, %broadcast_in_dim3A_1299 : vector<16xi1>, vector<16xf32>
          %add3A_1301 = arith.addf %scan3A_1006, %select_n3A_1300 : vector<16xf32>
          %eq3A_1302 = arith.constant 9 : i32
          %eq3A_1303 = vector.broadcast %eq3A_1302 : i32 to vector<16xi32>
          %eq3A_1304 = arith.cmpi eq, %select_n3A_1238, %eq3A_1303 : vector<16xi32>
          %jit3A_1305 = arith.constant 0.000000e+00 : f32
          %broadcast_in_dim3A_1306 = vector.broadcast %jit3A_1305 : f32 to vector<16xf32>
          %select_n3A_1307 = arith.select %eq3A_1304, %get3A_1049, %broadcast_in_dim3A_1306 : vector<16xi1>, vector<16xf32>
          %add3A_1308 = arith.addf %scan3A_1007, %select_n3A_1307 : vector<16xf32>
          %eq3A_1309 = arith.constant 10 : i32
          %eq3A_1310 = vector.broadcast %eq3A_1309 : i32 to vector<16xi32>
          %eq3A_1311 = arith.cmpi eq, %select_n3A_1238, %eq3A_1310 : vector<16xi32>
          %jit3A_1312 = arith.constant 0.000000e+00 : f32
          %broadcast_in_dim3A_1313 = vector.broadcast %jit3A_1312 : f32 to vector<16xf32>
          %select_n3A_1314 = arith.select %eq3A_1311, %get3A_1049, %broadcast_in_dim3A_1313 : vector<16xi1>, vector<16xf32>
          %add3A_1315 = arith.addf %scan3A_1008, %select_n3A_1314 : vector<16xf32>
          %eq3A_1316 = arith.constant 11 : i32
          %eq3A_1317 = vector.broadcast %eq3A_1316 : i32 to vector<16xi32>
          %eq3A_1318 = arith.cmpi eq, %select_n3A_1238, %eq3A_1317 : vector<16xi32>
          %jit3A_1319 = arith.constant 0.000000e+00 : f32
          %broadcast_in_dim3A_1320 = vector.broadcast %jit3A_1319 : f32 to vector<16xf32>
          %select_n3A_1321 = arith.select %eq3A_1318, %get3A_1049, %broadcast_in_dim3A_1320 : vector<16xi1>, vector<16xf32>
          %add3A_1322 = arith.addf %scan3A_1009, %select_n3A_1321 : vector<16xf32>
          %eq3A_1323 = arith.constant 12 : i32
          %eq3A_1324 = vector.broadcast %eq3A_1323 : i32 to vector<16xi32>
          %eq3A_1325 = arith.cmpi eq, %select_n3A_1238, %eq3A_1324 : vector<16xi32>
          %jit3A_1326 = arith.constant 0.000000e+00 : f32
          %broadcast_in_dim3A_1327 = vector.broadcast %jit3A_1326 : f32 to vector<16xf32>
          %select_n3A_1328 = arith.select %eq3A_1325, %get3A_1049, %broadcast_in_dim3A_1327 : vector<16xi1>, vector<16xf32>
          %add3A_1329 = arith.addf %scan3A_1010, %select_n3A_1328 : vector<16xf32>
          %eq3A_1330 = arith.constant 13 : i32
          %eq3A_1331 = vector.broadcast %eq3A_1330 : i32 to vector<16xi32>
          %eq3A_1332 = arith.cmpi eq, %select_n3A_1238, %eq3A_1331 : vector<16xi32>
          %jit3A_1333 = arith.constant 0.000000e+00 : f32
          %broadcast_in_dim3A_1334 = vector.broadcast %jit3A_1333 : f32 to vector<16xf32>
          %select_n3A_1335 = arith.select %eq3A_1332, %get3A_1049, %broadcast_in_dim3A_1334 : vector<16xi1>, vector<16xf32>
          %add3A_1336 = arith.addf %scan3A_1011, %select_n3A_1335 : vector<16xf32>
          %eq3A_1337 = arith.constant 14 : i32
          %eq3A_1338 = vector.broadcast %eq3A_1337 : i32 to vector<16xi32>
          %eq3A_1339 = arith.cmpi eq, %select_n3A_1238, %eq3A_1338 : vector<16xi32>
          %jit3A_1340 = arith.constant 0.000000e+00 : f32
          %broadcast_in_dim3A_1341 = vector.broadcast %jit3A_1340 : f32 to vector<16xf32>
          %select_n3A_1342 = arith.select %eq3A_1339, %get3A_1049, %broadcast_in_dim3A_1341 : vector<16xi1>, vector<16xf32>
          %add3A_1343 = arith.addf %scan3A_1012, %select_n3A_1342 : vector<16xf32>
          %eq3A_1344 = arith.constant 15 : i32
          %eq3A_1345 = vector.broadcast %eq3A_1344 : i32 to vector<16xi32>
          %eq3A_1346 = arith.cmpi eq, %select_n3A_1238, %eq3A_1345 : vector<16xi32>
          %jit3A_1347 = arith.constant 0.000000e+00 : f32
          %broadcast_in_dim3A_1348 = vector.broadcast %jit3A_1347 : f32 to vector<16xf32>
          %select_n3A_1349 = arith.select %eq3A_1346, %get3A_1049, %broadcast_in_dim3A_1348 : vector<16xi1>, vector<16xf32>
          %add3A_1350 = arith.addf %scan3A_1013, %select_n3A_1349 : vector<16xf32>
          %eq3A_1351 = arith.constant 0 : i32
          %eq3A_1352 = vector.broadcast %eq3A_1351 : i32 to vector<16xi32>
          %eq3A_1353 = arith.cmpi eq, %select_n3A_1238, %eq3A_1352 : vector<16xi32>
          %jit3A_1354 = arith.constant 0.000000e+00 : f32
          %broadcast_in_dim3A_1355 = vector.broadcast %jit3A_1354 : f32 to vector<16xf32>
          %select_n3A_1356 = arith.select %eq3A_1353, %get3A_1051, %broadcast_in_dim3A_1355 : vector<16xi1>, vector<16xf32>
          %add3A_1357 = arith.addf %scan3A_1014, %select_n3A_1356 : vector<16xf32>
          %eq3A_1358 = arith.constant 1 : i32
          %eq3A_1359 = vector.broadcast %eq3A_1358 : i32 to vector<16xi32>
          %eq3A_1360 = arith.cmpi eq, %select_n3A_1238, %eq3A_1359 : vector<16xi32>
          %jit3A_1361 = arith.constant 0.000000e+00 : f32
          %broadcast_in_dim3A_1362 = vector.broadcast %jit3A_1361 : f32 to vector<16xf32>
          %select_n3A_1363 = arith.select %eq3A_1360, %get3A_1051, %broadcast_in_dim3A_1362 : vector<16xi1>, vector<16xf32>
          %add3A_1364 = arith.addf %scan3A_1015, %select_n3A_1363 : vector<16xf32>
          %eq3A_1365 = arith.constant 2 : i32
          %eq3A_1366 = vector.broadcast %eq3A_1365 : i32 to vector<16xi32>
          %eq3A_1367 = arith.cmpi eq, %select_n3A_1238, %eq3A_1366 : vector<16xi32>
          %jit3A_1368 = arith.constant 0.000000e+00 : f32
          %broadcast_in_dim3A_1369 = vector.broadcast %jit3A_1368 : f32 to vector<16xf32>
          %select_n3A_1370 = arith.select %eq3A_1367, %get3A_1051, %broadcast_in_dim3A_1369 : vector<16xi1>, vector<16xf32>
          %add3A_1371 = arith.addf %scan3A_1016, %select_n3A_1370 : vector<16xf32>
          %eq3A_1372 = arith.constant 3 : i32
          %eq3A_1373 = vector.broadcast %eq3A_1372 : i32 to vector<16xi32>
          %eq3A_1374 = arith.cmpi eq, %select_n3A_1238, %eq3A_1373 : vector<16xi32>
          %jit3A_1375 = arith.constant 0.000000e+00 : f32
          %broadcast_in_dim3A_1376 = vector.broadcast %jit3A_1375 : f32 to vector<16xf32>
          %select_n3A_1377 = arith.select %eq3A_1374, %get3A_1051, %broadcast_in_dim3A_1376 : vector<16xi1>, vector<16xf32>
          %add3A_1378 = arith.addf %scan3A_1017, %select_n3A_1377 : vector<16xf32>
          %eq3A_1379 = arith.constant 4 : i32
          %eq3A_1380 = vector.broadcast %eq3A_1379 : i32 to vector<16xi32>
          %eq3A_1381 = arith.cmpi eq, %select_n3A_1238, %eq3A_1380 : vector<16xi32>
          %jit3A_1382 = arith.constant 0.000000e+00 : f32
          %broadcast_in_dim3A_1383 = vector.broadcast %jit3A_1382 : f32 to vector<16xf32>
          %select_n3A_1384 = arith.select %eq3A_1381, %get3A_1051, %broadcast_in_dim3A_1383 : vector<16xi1>, vector<16xf32>
          %add3A_1385 = arith.addf %scan3A_1018, %select_n3A_1384 : vector<16xf32>
          %eq3A_1386 = arith.constant 5 : i32
          %eq3A_1387 = vector.broadcast %eq3A_1386 : i32 to vector<16xi32>
          %eq3A_1388 = arith.cmpi eq, %select_n3A_1238, %eq3A_1387 : vector<16xi32>
          %jit3A_1389 = arith.constant 0.000000e+00 : f32
          %broadcast_in_dim3A_1390 = vector.broadcast %jit3A_1389 : f32 to vector<16xf32>
          %select_n3A_1391 = arith.select %eq3A_1388, %get3A_1051, %broadcast_in_dim3A_1390 : vector<16xi1>, vector<16xf32>
          %add3A_1392 = arith.addf %scan3A_1019, %select_n3A_1391 : vector<16xf32>
          %eq3A_1393 = arith.constant 6 : i32
          %eq3A_1394 = vector.broadcast %eq3A_1393 : i32 to vector<16xi32>
          %eq3A_1395 = arith.cmpi eq, %select_n3A_1238, %eq3A_1394 : vector<16xi32>
          %jit3A_1396 = arith.constant 0.000000e+00 : f32
          %broadcast_in_dim3A_1397 = vector.broadcast %jit3A_1396 : f32 to vector<16xf32>
          %select_n3A_1398 = arith.select %eq3A_1395, %get3A_1051, %broadcast_in_dim3A_1397 : vector<16xi1>, vector<16xf32>
          %add3A_1399 = arith.addf %scan3A_1020, %select_n3A_1398 : vector<16xf32>
          %eq3A_1400 = arith.constant 7 : i32
          %eq3A_1401 = vector.broadcast %eq3A_1400 : i32 to vector<16xi32>
          %eq3A_1402 = arith.cmpi eq, %select_n3A_1238, %eq3A_1401 : vector<16xi32>
          %jit3A_1403 = arith.constant 0.000000e+00 : f32
          %broadcast_in_dim3A_1404 = vector.broadcast %jit3A_1403 : f32 to vector<16xf32>
          %select_n3A_1405 = arith.select %eq3A_1402, %get3A_1051, %broadcast_in_dim3A_1404 : vector<16xi1>, vector<16xf32>
          %add3A_1406 = arith.addf %scan3A_1021, %select_n3A_1405 : vector<16xf32>
          %eq3A_1407 = arith.constant 8 : i32
          %eq3A_1408 = vector.broadcast %eq3A_1407 : i32 to vector<16xi32>
          %eq3A_1409 = arith.cmpi eq, %select_n3A_1238, %eq3A_1408 : vector<16xi32>
          %jit3A_1410 = arith.constant 0.000000e+00 : f32
          %broadcast_in_dim3A_1411 = vector.broadcast %jit3A_1410 : f32 to vector<16xf32>
          %select_n3A_1412 = arith.select %eq3A_1409, %get3A_1051, %broadcast_in_dim3A_1411 : vector<16xi1>, vector<16xf32>
          %add3A_1413 = arith.addf %scan3A_1022, %select_n3A_1412 : vector<16xf32>
          %eq3A_1414 = arith.constant 9 : i32
          %eq3A_1415 = vector.broadcast %eq3A_1414 : i32 to vector<16xi32>
          %eq3A_1416 = arith.cmpi eq, %select_n3A_1238, %eq3A_1415 : vector<16xi32>
          %jit3A_1417 = arith.constant 0.000000e+00 : f32
          %broadcast_in_dim3A_1418 = vector.broadcast %jit3A_1417 : f32 to vector<16xf32>
          %select_n3A_1419 = arith.select %eq3A_1416, %get3A_1051, %broadcast_in_dim3A_1418 : vector<16xi1>, vector<16xf32>
          %add3A_1420 = arith.addf %scan3A_1023, %select_n3A_1419 : vector<16xf32>
          %eq3A_1421 = arith.constant 10 : i32
          %eq3A_1422 = vector.broadcast %eq3A_1421 : i32 to vector<16xi32>
          %eq3A_1423 = arith.cmpi eq, %select_n3A_1238, %eq3A_1422 : vector<16xi32>
          %jit3A_1424 = arith.constant 0.000000e+00 : f32
          %broadcast_in_dim3A_1425 = vector.broadcast %jit3A_1424 : f32 to vector<16xf32>
          %select_n3A_1426 = arith.select %eq3A_1423, %get3A_1051, %broadcast_in_dim3A_1425 : vector<16xi1>, vector<16xf32>
          %add3A_1427 = arith.addf %scan3A_1024, %select_n3A_1426 : vector<16xf32>
          %eq3A_1428 = arith.constant 11 : i32
          %eq3A_1429 = vector.broadcast %eq3A_1428 : i32 to vector<16xi32>
          %eq3A_1430 = arith.cmpi eq, %select_n3A_1238, %eq3A_1429 : vector<16xi32>
          %jit3A_1431 = arith.constant 0.000000e+00 : f32
          %broadcast_in_dim3A_1432 = vector.broadcast %jit3A_1431 : f32 to vector<16xf32>
          %select_n3A_1433 = arith.select %eq3A_1430, %get3A_1051, %broadcast_in_dim3A_1432 : vector<16xi1>, vector<16xf32>
          %add3A_1434 = arith.addf %scan3A_1025, %select_n3A_1433 : vector<16xf32>
          %eq3A_1435 = arith.constant 12 : i32
          %eq3A_1436 = vector.broadcast %eq3A_1435 : i32 to vector<16xi32>
          %eq3A_1437 = arith.cmpi eq, %select_n3A_1238, %eq3A_1436 : vector<16xi32>
          %jit3A_1438 = arith.constant 0.000000e+00 : f32
          %broadcast_in_dim3A_1439 = vector.broadcast %jit3A_1438 : f32 to vector<16xf32>
          %select_n3A_1440 = arith.select %eq3A_1437, %get3A_1051, %broadcast_in_dim3A_1439 : vector<16xi1>, vector<16xf32>
          %add3A_1441 = arith.addf %scan3A_1026, %select_n3A_1440 : vector<16xf32>
          %eq3A_1442 = arith.constant 13 : i32
          %eq3A_1443 = vector.broadcast %eq3A_1442 : i32 to vector<16xi32>
          %eq3A_1444 = arith.cmpi eq, %select_n3A_1238, %eq3A_1443 : vector<16xi32>
          %jit3A_1445 = arith.constant 0.000000e+00 : f32
          %broadcast_in_dim3A_1446 = vector.broadcast %jit3A_1445 : f32 to vector<16xf32>
          %select_n3A_1447 = arith.select %eq3A_1444, %get3A_1051, %broadcast_in_dim3A_1446 : vector<16xi1>, vector<16xf32>
          %add3A_1448 = arith.addf %scan3A_1027, %select_n3A_1447 : vector<16xf32>
          %eq3A_1449 = arith.constant 14 : i32
          %eq3A_1450 = vector.broadcast %eq3A_1449 : i32 to vector<16xi32>
          %eq3A_1451 = arith.cmpi eq, %select_n3A_1238, %eq3A_1450 : vector<16xi32>
          %jit3A_1452 = arith.constant 0.000000e+00 : f32
          %broadcast_in_dim3A_1453 = vector.broadcast %jit3A_1452 : f32 to vector<16xf32>
          %select_n3A_1454 = arith.select %eq3A_1451, %get3A_1051, %broadcast_in_dim3A_1453 : vector<16xi1>, vector<16xf32>
          %add3A_1455 = arith.addf %scan3A_1028, %select_n3A_1454 : vector<16xf32>
          %eq3A_1456 = arith.constant 15 : i32
          %eq3A_1457 = vector.broadcast %eq3A_1456 : i32 to vector<16xi32>
          %eq3A_1458 = arith.cmpi eq, %select_n3A_1238, %eq3A_1457 : vector<16xi32>
          %jit3A_1459 = arith.constant 0.000000e+00 : f32
          %broadcast_in_dim3A_1460 = vector.broadcast %jit3A_1459 : f32 to vector<16xf32>
          %select_n3A_1461 = arith.select %eq3A_1458, %get3A_1051, %broadcast_in_dim3A_1460 : vector<16xi1>, vector<16xf32>
          %add3A_1462 = arith.addf %scan3A_1029, %select_n3A_1461 : vector<16xf32>
          %eq3A_1463 = arith.constant 0 : i32
          %eq3A_1464 = vector.broadcast %eq3A_1463 : i32 to vector<16xi32>
          %eq3A_1465 = arith.cmpi eq, %select_n3A_1238, %eq3A_1464 : vector<16xi32>
          %jit3A_1466 = arith.constant 1.000000e+00 : f32
          %jit3A_1467 = arith.constant 0.000000e+00 : f32
          %broadcast_in_dim3A_1468 = vector.broadcast %jit3A_1466 : f32 to vector<16xf32>
          %broadcast_in_dim3A_1469 = vector.broadcast %jit3A_1467 : f32 to vector<16xf32>
          %select_n3A_1470 = arith.select %eq3A_1465, %broadcast_in_dim3A_1468, %broadcast_in_dim3A_1469 : vector<16xi1>, vector<16xf32>
          %add3A_1471 = arith.addf %scan3A_1030, %select_n3A_1470 : vector<16xf32>
          %eq3A_1472 = arith.constant 1 : i32
          %eq3A_1473 = vector.broadcast %eq3A_1472 : i32 to vector<16xi32>
          %eq3A_1474 = arith.cmpi eq, %select_n3A_1238, %eq3A_1473 : vector<16xi32>
          %jit3A_1475 = arith.constant 1.000000e+00 : f32
          %jit3A_1476 = arith.constant 0.000000e+00 : f32
          %broadcast_in_dim3A_1477 = vector.broadcast %jit3A_1475 : f32 to vector<16xf32>
          %broadcast_in_dim3A_1478 = vector.broadcast %jit3A_1476 : f32 to vector<16xf32>
          %select_n3A_1479 = arith.select %eq3A_1474, %broadcast_in_dim3A_1477, %broadcast_in_dim3A_1478 : vector<16xi1>, vector<16xf32>
          %add3A_1480 = arith.addf %scan3A_1031, %select_n3A_1479 : vector<16xf32>
          %eq3A_1481 = arith.constant 2 : i32
          %eq3A_1482 = vector.broadcast %eq3A_1481 : i32 to vector<16xi32>
          %eq3A_1483 = arith.cmpi eq, %select_n3A_1238, %eq3A_1482 : vector<16xi32>
          %jit3A_1484 = arith.constant 1.000000e+00 : f32
          %jit3A_1485 = arith.constant 0.000000e+00 : f32
          %broadcast_in_dim3A_1486 = vector.broadcast %jit3A_1484 : f32 to vector<16xf32>
          %broadcast_in_dim3A_1487 = vector.broadcast %jit3A_1485 : f32 to vector<16xf32>
          %select_n3A_1488 = arith.select %eq3A_1483, %broadcast_in_dim3A_1486, %broadcast_in_dim3A_1487 : vector<16xi1>, vector<16xf32>
          %add3A_1489 = arith.addf %scan3A_1032, %select_n3A_1488 : vector<16xf32>
          %eq3A_1490 = arith.constant 3 : i32
          %eq3A_1491 = vector.broadcast %eq3A_1490 : i32 to vector<16xi32>
          %eq3A_1492 = arith.cmpi eq, %select_n3A_1238, %eq3A_1491 : vector<16xi32>
          %jit3A_1493 = arith.constant 1.000000e+00 : f32
          %jit3A_1494 = arith.constant 0.000000e+00 : f32
          %broadcast_in_dim3A_1495 = vector.broadcast %jit3A_1493 : f32 to vector<16xf32>
          %broadcast_in_dim3A_1496 = vector.broadcast %jit3A_1494 : f32 to vector<16xf32>
          %select_n3A_1497 = arith.select %eq3A_1492, %broadcast_in_dim3A_1495, %broadcast_in_dim3A_1496 : vector<16xi1>, vector<16xf32>
          %add3A_1498 = arith.addf %scan3A_1033, %select_n3A_1497 : vector<16xf32>
          %eq3A_1499 = arith.constant 4 : i32
          %eq3A_1500 = vector.broadcast %eq3A_1499 : i32 to vector<16xi32>
          %eq3A_1501 = arith.cmpi eq, %select_n3A_1238, %eq3A_1500 : vector<16xi32>
          %jit3A_1502 = arith.constant 1.000000e+00 : f32
          %jit3A_1503 = arith.constant 0.000000e+00 : f32
          %broadcast_in_dim3A_1504 = vector.broadcast %jit3A_1502 : f32 to vector<16xf32>
          %broadcast_in_dim3A_1505 = vector.broadcast %jit3A_1503 : f32 to vector<16xf32>
          %select_n3A_1506 = arith.select %eq3A_1501, %broadcast_in_dim3A_1504, %broadcast_in_dim3A_1505 : vector<16xi1>, vector<16xf32>
          %add3A_1507 = arith.addf %scan3A_1034, %select_n3A_1506 : vector<16xf32>
          %eq3A_1508 = arith.constant 5 : i32
          %eq3A_1509 = vector.broadcast %eq3A_1508 : i32 to vector<16xi32>
          %eq3A_1510 = arith.cmpi eq, %select_n3A_1238, %eq3A_1509 : vector<16xi32>
          %jit3A_1511 = arith.constant 1.000000e+00 : f32
          %jit3A_1512 = arith.constant 0.000000e+00 : f32
          %broadcast_in_dim3A_1513 = vector.broadcast %jit3A_1511 : f32 to vector<16xf32>
          %broadcast_in_dim3A_1514 = vector.broadcast %jit3A_1512 : f32 to vector<16xf32>
          %select_n3A_1515 = arith.select %eq3A_1510, %broadcast_in_dim3A_1513, %broadcast_in_dim3A_1514 : vector<16xi1>, vector<16xf32>
          %add3A_1516 = arith.addf %scan3A_1035, %select_n3A_1515 : vector<16xf32>
          %eq3A_1517 = arith.constant 6 : i32
          %eq3A_1518 = vector.broadcast %eq3A_1517 : i32 to vector<16xi32>
          %eq3A_1519 = arith.cmpi eq, %select_n3A_1238, %eq3A_1518 : vector<16xi32>
          %jit3A_1520 = arith.constant 1.000000e+00 : f32
          %jit3A_1521 = arith.constant 0.000000e+00 : f32
          %broadcast_in_dim3A_1522 = vector.broadcast %jit3A_1520 : f32 to vector<16xf32>
          %broadcast_in_dim3A_1523 = vector.broadcast %jit3A_1521 : f32 to vector<16xf32>
          %select_n3A_1524 = arith.select %eq3A_1519, %broadcast_in_dim3A_1522, %broadcast_in_dim3A_1523 : vector<16xi1>, vector<16xf32>
          %add3A_1525 = arith.addf %scan3A_1036, %select_n3A_1524 : vector<16xf32>
          %eq3A_1526 = arith.constant 7 : i32
          %eq3A_1527 = vector.broadcast %eq3A_1526 : i32 to vector<16xi32>
          %eq3A_1528 = arith.cmpi eq, %select_n3A_1238, %eq3A_1527 : vector<16xi32>
          %jit3A_1529 = arith.constant 1.000000e+00 : f32
          %jit3A_1530 = arith.constant 0.000000e+00 : f32
          %broadcast_in_dim3A_1531 = vector.broadcast %jit3A_1529 : f32 to vector<16xf32>
          %broadcast_in_dim3A_1532 = vector.broadcast %jit3A_1530 : f32 to vector<16xf32>
          %select_n3A_1533 = arith.select %eq3A_1528, %broadcast_in_dim3A_1531, %broadcast_in_dim3A_1532 : vector<16xi1>, vector<16xf32>
          %add3A_1534 = arith.addf %scan3A_1037, %select_n3A_1533 : vector<16xf32>
          %eq3A_1535 = arith.constant 8 : i32
          %eq3A_1536 = vector.broadcast %eq3A_1535 : i32 to vector<16xi32>
          %eq3A_1537 = arith.cmpi eq, %select_n3A_1238, %eq3A_1536 : vector<16xi32>
          %jit3A_1538 = arith.constant 1.000000e+00 : f32
          %jit3A_1539 = arith.constant 0.000000e+00 : f32
          %broadcast_in_dim3A_1540 = vector.broadcast %jit3A_1538 : f32 to vector<16xf32>
          %broadcast_in_dim3A_1541 = vector.broadcast %jit3A_1539 : f32 to vector<16xf32>
          %select_n3A_1542 = arith.select %eq3A_1537, %broadcast_in_dim3A_1540, %broadcast_in_dim3A_1541 : vector<16xi1>, vector<16xf32>
          %add3A_1543 = arith.addf %scan3A_1038, %select_n3A_1542 : vector<16xf32>
          %eq3A_1544 = arith.constant 9 : i32
          %eq3A_1545 = vector.broadcast %eq3A_1544 : i32 to vector<16xi32>
          %eq3A_1546 = arith.cmpi eq, %select_n3A_1238, %eq3A_1545 : vector<16xi32>
          %jit3A_1547 = arith.constant 1.000000e+00 : f32
          %jit3A_1548 = arith.constant 0.000000e+00 : f32
          %broadcast_in_dim3A_1549 = vector.broadcast %jit3A_1547 : f32 to vector<16xf32>
          %broadcast_in_dim3A_1550 = vector.broadcast %jit3A_1548 : f32 to vector<16xf32>
          %select_n3A_1551 = arith.select %eq3A_1546, %broadcast_in_dim3A_1549, %broadcast_in_dim3A_1550 : vector<16xi1>, vector<16xf32>
          %add3A_1552 = arith.addf %scan3A_1039, %select_n3A_1551 : vector<16xf32>
          %eq3A_1553 = arith.constant 10 : i32
          %eq3A_1554 = vector.broadcast %eq3A_1553 : i32 to vector<16xi32>
          %eq3A_1555 = arith.cmpi eq, %select_n3A_1238, %eq3A_1554 : vector<16xi32>
          %jit3A_1556 = arith.constant 1.000000e+00 : f32
          %jit3A_1557 = arith.constant 0.000000e+00 : f32
          %broadcast_in_dim3A_1558 = vector.broadcast %jit3A_1556 : f32 to vector<16xf32>
          %broadcast_in_dim3A_1559 = vector.broadcast %jit3A_1557 : f32 to vector<16xf32>
          %select_n3A_1560 = arith.select %eq3A_1555, %broadcast_in_dim3A_1558, %broadcast_in_dim3A_1559 : vector<16xi1>, vector<16xf32>
          %add3A_1561 = arith.addf %scan3A_1040, %select_n3A_1560 : vector<16xf32>
          %eq3A_1562 = arith.constant 11 : i32
          %eq3A_1563 = vector.broadcast %eq3A_1562 : i32 to vector<16xi32>
          %eq3A_1564 = arith.cmpi eq, %select_n3A_1238, %eq3A_1563 : vector<16xi32>
          %jit3A_1565 = arith.constant 1.000000e+00 : f32
          %jit3A_1566 = arith.constant 0.000000e+00 : f32
          %broadcast_in_dim3A_1567 = vector.broadcast %jit3A_1565 : f32 to vector<16xf32>
          %broadcast_in_dim3A_1568 = vector.broadcast %jit3A_1566 : f32 to vector<16xf32>
          %select_n3A_1569 = arith.select %eq3A_1564, %broadcast_in_dim3A_1567, %broadcast_in_dim3A_1568 : vector<16xi1>, vector<16xf32>
          %add3A_1570 = arith.addf %scan3A_1041, %select_n3A_1569 : vector<16xf32>
          %eq3A_1571 = arith.constant 12 : i32
          %eq3A_1572 = vector.broadcast %eq3A_1571 : i32 to vector<16xi32>
          %eq3A_1573 = arith.cmpi eq, %select_n3A_1238, %eq3A_1572 : vector<16xi32>
          %jit3A_1574 = arith.constant 1.000000e+00 : f32
          %jit3A_1575 = arith.constant 0.000000e+00 : f32
          %broadcast_in_dim3A_1576 = vector.broadcast %jit3A_1574 : f32 to vector<16xf32>
          %broadcast_in_dim3A_1577 = vector.broadcast %jit3A_1575 : f32 to vector<16xf32>
          %select_n3A_1578 = arith.select %eq3A_1573, %broadcast_in_dim3A_1576, %broadcast_in_dim3A_1577 : vector<16xi1>, vector<16xf32>
          %add3A_1579 = arith.addf %scan3A_1042, %select_n3A_1578 : vector<16xf32>
          %eq3A_1580 = arith.constant 13 : i32
          %eq3A_1581 = vector.broadcast %eq3A_1580 : i32 to vector<16xi32>
          %eq3A_1582 = arith.cmpi eq, %select_n3A_1238, %eq3A_1581 : vector<16xi32>
          %jit3A_1583 = arith.constant 1.000000e+00 : f32
          %jit3A_1584 = arith.constant 0.000000e+00 : f32
          %broadcast_in_dim3A_1585 = vector.broadcast %jit3A_1583 : f32 to vector<16xf32>
          %broadcast_in_dim3A_1586 = vector.broadcast %jit3A_1584 : f32 to vector<16xf32>
          %select_n3A_1587 = arith.select %eq3A_1582, %broadcast_in_dim3A_1585, %broadcast_in_dim3A_1586 : vector<16xi1>, vector<16xf32>
          %add3A_1588 = arith.addf %scan3A_1043, %select_n3A_1587 : vector<16xf32>
          %eq3A_1589 = arith.constant 14 : i32
          %eq3A_1590 = vector.broadcast %eq3A_1589 : i32 to vector<16xi32>
          %eq3A_1591 = arith.cmpi eq, %select_n3A_1238, %eq3A_1590 : vector<16xi32>
          %jit3A_1592 = arith.constant 1.000000e+00 : f32
          %jit3A_1593 = arith.constant 0.000000e+00 : f32
          %broadcast_in_dim3A_1594 = vector.broadcast %jit3A_1592 : f32 to vector<16xf32>
          %broadcast_in_dim3A_1595 = vector.broadcast %jit3A_1593 : f32 to vector<16xf32>
          %select_n3A_1596 = arith.select %eq3A_1591, %broadcast_in_dim3A_1594, %broadcast_in_dim3A_1595 : vector<16xi1>, vector<16xf32>
          %add3A_1597 = arith.addf %scan3A_1044, %select_n3A_1596 : vector<16xf32>
          %eq3A_1598 = arith.constant 15 : i32
          %eq3A_1599 = vector.broadcast %eq3A_1598 : i32 to vector<16xi32>
          %eq3A_1600 = arith.cmpi eq, %select_n3A_1238, %eq3A_1599 : vector<16xi32>
          %jit3A_1601 = arith.constant 1.000000e+00 : f32
          %jit3A_1602 = arith.constant 0.000000e+00 : f32
          %broadcast_in_dim3A_1603 = vector.broadcast %jit3A_1601 : f32 to vector<16xf32>
          %broadcast_in_dim3A_1604 = vector.broadcast %jit3A_1602 : f32 to vector<16xf32>
          %select_n3A_1605 = arith.select %eq3A_1600, %broadcast_in_dim3A_1603, %broadcast_in_dim3A_1604 : vector<16xi1>, vector<16xf32>
          %add3A_1606 = arith.addf %scan3A_1045, %select_n3A_1605 : vector<16xf32>
          scf.yield %add3A_1245, %add3A_1252, %add3A_1259, %add3A_1266, %add3A_1273, %add3A_1280, %add3A_1287, %add3A_1294, %add3A_1301, %add3A_1308, %add3A_1315, %add3A_1322, %add3A_1329, %add3A_1336, %add3A_1343, %add3A_1350, %add3A_1357, %add3A_1364, %add3A_1371, %add3A_1378, %add3A_1385, %add3A_1392, %add3A_1399, %add3A_1406, %add3A_1413, %add3A_1420, %add3A_1427, %add3A_1434, %add3A_1441, %add3A_1448, %add3A_1455, %add3A_1462, %add3A_1471, %add3A_1480, %add3A_1489, %add3A_1498, %add3A_1507, %add3A_1516, %add3A_1525, %add3A_1534, %add3A_1543, %add3A_1552, %add3A_1561, %add3A_1570, %add3A_1579, %add3A_1588, %add3A_1597, %add3A_1606 : vector<16xf32>, vector<16xf32>, vector<16xf32>, vector<16xf32>, vector<16xf32>, vector<16xf32>, vector<16xf32>, vector<16xf32>, vector<16xf32>, vector<16xf32>, vector<16xf32>, vector<16xf32>, vector<16xf32>, vector<16xf32>, vector<16xf32>, vector<16xf32>, vector<16xf32>, vector<16xf32>, vector<16xf32>, vector<16xf32>, vector<16xf32>, vector<16xf32>, vector<16xf32>, vector<16xf32>, vector<16xf32>, vector<16xf32>, vector<16xf32>, vector<16xf32>, vector<16xf32>, vector<16xf32>, vector<16xf32>, vector<16xf32>, vector<16xf32>, vector<16xf32>, vector<16xf32>, vector<16xf32>, vector<16xf32>, vector<16xf32>, vector<16xf32>, vector<16xf32>, vector<16xf32>, vector<16xf32>, vector<16xf32>, vector<16xf32>, vector<16xf32>, vector<16xf32>, vector<16xf32>, vector<16xf32>
        }
        %scan3A_478 = arith.constant 64 : i32
        %eq3A_479 = arith.constant 0 : i32
        %eq3A_480 = vector.broadcast %eq3A_479 : i32 to vector<16xi32>
        %eq3A_481 = arith.cmpi eq, %iota3A, %eq3A_480 : vector<16xi32>
        %reduce_sum3A_482 = arith.constant true
        %reduce_sum3A_483 = vector.broadcast %reduce_sum3A_482 : i1 to vector<16xi1>
        %reduce_sum3A_484 = tpu.scan <sum>, %scan3A_477#0 masked %reduce_sum3A_483 : vector<16xf32>, vector<16xi1> -> vector<16xf32>
        %reduce_sum3A_485 = vector.extract %reduce_sum3A_484[15] : f32 from vector<16xf32>
        %broadcast_in_dim3A_486 = vector.broadcast %reduce_sum3A_485 : f32 to vector<16xf32>
        %select_n3A_487 = arith.select %eq3A_481, %broadcast_in_dim3A_486, %broadcast_in_dim3A_1 : vector<16xi1>, vector<16xf32>
        %eq3A_488 = arith.constant 0 : i32
        %eq3A_489 = vector.broadcast %eq3A_488 : i32 to vector<16xi32>
        %eq3A_490 = arith.cmpi eq, %iota3A, %eq3A_489 : vector<16xi32>
        %reduce_sum3A_491 = arith.constant true
        %reduce_sum3A_492 = vector.broadcast %reduce_sum3A_491 : i1 to vector<16xi1>
        %reduce_sum3A_493 = tpu.scan <sum>, %scan3A_477#16 masked %reduce_sum3A_492 : vector<16xf32>, vector<16xi1> -> vector<16xf32>
        %reduce_sum3A_494 = vector.extract %reduce_sum3A_493[15] : f32 from vector<16xf32>
        %broadcast_in_dim3A_495 = vector.broadcast %reduce_sum3A_494 : f32 to vector<16xf32>
        %select_n3A_496 = arith.select %eq3A_490, %broadcast_in_dim3A_495, %broadcast_in_dim3A_1 : vector<16xi1>, vector<16xf32>
        %eq3A_497 = arith.constant 0 : i32
        %eq3A_498 = vector.broadcast %eq3A_497 : i32 to vector<16xi32>
        %eq3A_499 = arith.cmpi eq, %iota3A, %eq3A_498 : vector<16xi32>
        %reduce_sum3A_500 = arith.constant true
        %reduce_sum3A_501 = vector.broadcast %reduce_sum3A_500 : i1 to vector<16xi1>
        %reduce_sum3A_502 = tpu.scan <sum>, %scan3A_477#32 masked %reduce_sum3A_501 : vector<16xf32>, vector<16xi1> -> vector<16xf32>
        %reduce_sum3A_503 = vector.extract %reduce_sum3A_502[15] : f32 from vector<16xf32>
        %broadcast_in_dim3A_504 = vector.broadcast %reduce_sum3A_503 : f32 to vector<16xf32>
        %select_n3A_505 = arith.select %eq3A_499, %broadcast_in_dim3A_504, %broadcast_in_dim3A_1 : vector<16xi1>, vector<16xf32>
        %eq3A_506 = arith.constant 1 : i32
        %eq3A_507 = vector.broadcast %eq3A_506 : i32 to vector<16xi32>
        %eq3A_508 = arith.cmpi eq, %iota3A, %eq3A_507 : vector<16xi32>
        %reduce_sum3A_509 = arith.constant true
        %reduce_sum3A_510 = vector.broadcast %reduce_sum3A_509 : i1 to vector<16xi1>
        %reduce_sum3A_511 = tpu.scan <sum>, %scan3A_477#1 masked %reduce_sum3A_510 : vector<16xf32>, vector<16xi1> -> vector<16xf32>
        %reduce_sum3A_512 = vector.extract %reduce_sum3A_511[15] : f32 from vector<16xf32>
        %broadcast_in_dim3A_513 = vector.broadcast %reduce_sum3A_512 : f32 to vector<16xf32>
        %select_n3A_514 = arith.select %eq3A_508, %broadcast_in_dim3A_513, %select_n3A_487 : vector<16xi1>, vector<16xf32>
        %eq3A_515 = arith.constant 1 : i32
        %eq3A_516 = vector.broadcast %eq3A_515 : i32 to vector<16xi32>
        %eq3A_517 = arith.cmpi eq, %iota3A, %eq3A_516 : vector<16xi32>
        %reduce_sum3A_518 = arith.constant true
        %reduce_sum3A_519 = vector.broadcast %reduce_sum3A_518 : i1 to vector<16xi1>
        %reduce_sum3A_520 = tpu.scan <sum>, %scan3A_477#17 masked %reduce_sum3A_519 : vector<16xf32>, vector<16xi1> -> vector<16xf32>
        %reduce_sum3A_521 = vector.extract %reduce_sum3A_520[15] : f32 from vector<16xf32>
        %broadcast_in_dim3A_522 = vector.broadcast %reduce_sum3A_521 : f32 to vector<16xf32>
        %select_n3A_523 = arith.select %eq3A_517, %broadcast_in_dim3A_522, %select_n3A_496 : vector<16xi1>, vector<16xf32>
        %eq3A_524 = arith.constant 1 : i32
        %eq3A_525 = vector.broadcast %eq3A_524 : i32 to vector<16xi32>
        %eq3A_526 = arith.cmpi eq, %iota3A, %eq3A_525 : vector<16xi32>
        %reduce_sum3A_527 = arith.constant true
        %reduce_sum3A_528 = vector.broadcast %reduce_sum3A_527 : i1 to vector<16xi1>
        %reduce_sum3A_529 = tpu.scan <sum>, %scan3A_477#33 masked %reduce_sum3A_528 : vector<16xf32>, vector<16xi1> -> vector<16xf32>
        %reduce_sum3A_530 = vector.extract %reduce_sum3A_529[15] : f32 from vector<16xf32>
        %broadcast_in_dim3A_531 = vector.broadcast %reduce_sum3A_530 : f32 to vector<16xf32>
        %select_n3A_532 = arith.select %eq3A_526, %broadcast_in_dim3A_531, %select_n3A_505 : vector<16xi1>, vector<16xf32>
        %eq3A_533 = arith.constant 2 : i32
        %eq3A_534 = vector.broadcast %eq3A_533 : i32 to vector<16xi32>
        %eq3A_535 = arith.cmpi eq, %iota3A, %eq3A_534 : vector<16xi32>
        %reduce_sum3A_536 = arith.constant true
        %reduce_sum3A_537 = vector.broadcast %reduce_sum3A_536 : i1 to vector<16xi1>
        %reduce_sum3A_538 = tpu.scan <sum>, %scan3A_477#2 masked %reduce_sum3A_537 : vector<16xf32>, vector<16xi1> -> vector<16xf32>
        %reduce_sum3A_539 = vector.extract %reduce_sum3A_538[15] : f32 from vector<16xf32>
        %broadcast_in_dim3A_540 = vector.broadcast %reduce_sum3A_539 : f32 to vector<16xf32>
        %select_n3A_541 = arith.select %eq3A_535, %broadcast_in_dim3A_540, %select_n3A_514 : vector<16xi1>, vector<16xf32>
        %eq3A_542 = arith.constant 2 : i32
        %eq3A_543 = vector.broadcast %eq3A_542 : i32 to vector<16xi32>
        %eq3A_544 = arith.cmpi eq, %iota3A, %eq3A_543 : vector<16xi32>
        %reduce_sum3A_545 = arith.constant true
        %reduce_sum3A_546 = vector.broadcast %reduce_sum3A_545 : i1 to vector<16xi1>
        %reduce_sum3A_547 = tpu.scan <sum>, %scan3A_477#18 masked %reduce_sum3A_546 : vector<16xf32>, vector<16xi1> -> vector<16xf32>
        %reduce_sum3A_548 = vector.extract %reduce_sum3A_547[15] : f32 from vector<16xf32>
        %broadcast_in_dim3A_549 = vector.broadcast %reduce_sum3A_548 : f32 to vector<16xf32>
        %select_n3A_550 = arith.select %eq3A_544, %broadcast_in_dim3A_549, %select_n3A_523 : vector<16xi1>, vector<16xf32>
        %eq3A_551 = arith.constant 2 : i32
        %eq3A_552 = vector.broadcast %eq3A_551 : i32 to vector<16xi32>
        %eq3A_553 = arith.cmpi eq, %iota3A, %eq3A_552 : vector<16xi32>
        %reduce_sum3A_554 = arith.constant true
        %reduce_sum3A_555 = vector.broadcast %reduce_sum3A_554 : i1 to vector<16xi1>
        %reduce_sum3A_556 = tpu.scan <sum>, %scan3A_477#34 masked %reduce_sum3A_555 : vector<16xf32>, vector<16xi1> -> vector<16xf32>
        %reduce_sum3A_557 = vector.extract %reduce_sum3A_556[15] : f32 from vector<16xf32>
        %broadcast_in_dim3A_558 = vector.broadcast %reduce_sum3A_557 : f32 to vector<16xf32>
        %select_n3A_559 = arith.select %eq3A_553, %broadcast_in_dim3A_558, %select_n3A_532 : vector<16xi1>, vector<16xf32>
        %eq3A_560 = arith.constant 3 : i32
        %eq3A_561 = vector.broadcast %eq3A_560 : i32 to vector<16xi32>
        %eq3A_562 = arith.cmpi eq, %iota3A, %eq3A_561 : vector<16xi32>
        %reduce_sum3A_563 = arith.constant true
        %reduce_sum3A_564 = vector.broadcast %reduce_sum3A_563 : i1 to vector<16xi1>
        %reduce_sum3A_565 = tpu.scan <sum>, %scan3A_477#3 masked %reduce_sum3A_564 : vector<16xf32>, vector<16xi1> -> vector<16xf32>
        %reduce_sum3A_566 = vector.extract %reduce_sum3A_565[15] : f32 from vector<16xf32>
        %broadcast_in_dim3A_567 = vector.broadcast %reduce_sum3A_566 : f32 to vector<16xf32>
        %select_n3A_568 = arith.select %eq3A_562, %broadcast_in_dim3A_567, %select_n3A_541 : vector<16xi1>, vector<16xf32>
        %eq3A_569 = arith.constant 3 : i32
        %eq3A_570 = vector.broadcast %eq3A_569 : i32 to vector<16xi32>
        %eq3A_571 = arith.cmpi eq, %iota3A, %eq3A_570 : vector<16xi32>
        %reduce_sum3A_572 = arith.constant true
        %reduce_sum3A_573 = vector.broadcast %reduce_sum3A_572 : i1 to vector<16xi1>
        %reduce_sum3A_574 = tpu.scan <sum>, %scan3A_477#19 masked %reduce_sum3A_573 : vector<16xf32>, vector<16xi1> -> vector<16xf32>
        %reduce_sum3A_575 = vector.extract %reduce_sum3A_574[15] : f32 from vector<16xf32>
        %broadcast_in_dim3A_576 = vector.broadcast %reduce_sum3A_575 : f32 to vector<16xf32>
        %select_n3A_577 = arith.select %eq3A_571, %broadcast_in_dim3A_576, %select_n3A_550 : vector<16xi1>, vector<16xf32>
        %eq3A_578 = arith.constant 3 : i32
        %eq3A_579 = vector.broadcast %eq3A_578 : i32 to vector<16xi32>
        %eq3A_580 = arith.cmpi eq, %iota3A, %eq3A_579 : vector<16xi32>
        %reduce_sum3A_581 = arith.constant true
        %reduce_sum3A_582 = vector.broadcast %reduce_sum3A_581 : i1 to vector<16xi1>
        %reduce_sum3A_583 = tpu.scan <sum>, %scan3A_477#35 masked %reduce_sum3A_582 : vector<16xf32>, vector<16xi1> -> vector<16xf32>
        %reduce_sum3A_584 = vector.extract %reduce_sum3A_583[15] : f32 from vector<16xf32>
        %broadcast_in_dim3A_585 = vector.broadcast %reduce_sum3A_584 : f32 to vector<16xf32>
        %select_n3A_586 = arith.select %eq3A_580, %broadcast_in_dim3A_585, %select_n3A_559 : vector<16xi1>, vector<16xf32>
        %eq3A_587 = arith.constant 4 : i32
        %eq3A_588 = vector.broadcast %eq3A_587 : i32 to vector<16xi32>
        %eq3A_589 = arith.cmpi eq, %iota3A, %eq3A_588 : vector<16xi32>
        %reduce_sum3A_590 = arith.constant true
        %reduce_sum3A_591 = vector.broadcast %reduce_sum3A_590 : i1 to vector<16xi1>
        %reduce_sum3A_592 = tpu.scan <sum>, %scan3A_477#4 masked %reduce_sum3A_591 : vector<16xf32>, vector<16xi1> -> vector<16xf32>
        %reduce_sum3A_593 = vector.extract %reduce_sum3A_592[15] : f32 from vector<16xf32>
        %broadcast_in_dim3A_594 = vector.broadcast %reduce_sum3A_593 : f32 to vector<16xf32>
        %select_n3A_595 = arith.select %eq3A_589, %broadcast_in_dim3A_594, %select_n3A_568 : vector<16xi1>, vector<16xf32>
        %eq3A_596 = arith.constant 4 : i32
        %eq3A_597 = vector.broadcast %eq3A_596 : i32 to vector<16xi32>
        %eq3A_598 = arith.cmpi eq, %iota3A, %eq3A_597 : vector<16xi32>
        %reduce_sum3A_599 = arith.constant true
        %reduce_sum3A_600 = vector.broadcast %reduce_sum3A_599 : i1 to vector<16xi1>
        %reduce_sum3A_601 = tpu.scan <sum>, %scan3A_477#20 masked %reduce_sum3A_600 : vector<16xf32>, vector<16xi1> -> vector<16xf32>
        %reduce_sum3A_602 = vector.extract %reduce_sum3A_601[15] : f32 from vector<16xf32>
        %broadcast_in_dim3A_603 = vector.broadcast %reduce_sum3A_602 : f32 to vector<16xf32>
        %select_n3A_604 = arith.select %eq3A_598, %broadcast_in_dim3A_603, %select_n3A_577 : vector<16xi1>, vector<16xf32>
        %eq3A_605 = arith.constant 4 : i32
        %eq3A_606 = vector.broadcast %eq3A_605 : i32 to vector<16xi32>
        %eq3A_607 = arith.cmpi eq, %iota3A, %eq3A_606 : vector<16xi32>
        %reduce_sum3A_608 = arith.constant true
        %reduce_sum3A_609 = vector.broadcast %reduce_sum3A_608 : i1 to vector<16xi1>
        %reduce_sum3A_610 = tpu.scan <sum>, %scan3A_477#36 masked %reduce_sum3A_609 : vector<16xf32>, vector<16xi1> -> vector<16xf32>
        %reduce_sum3A_611 = vector.extract %reduce_sum3A_610[15] : f32 from vector<16xf32>
        %broadcast_in_dim3A_612 = vector.broadcast %reduce_sum3A_611 : f32 to vector<16xf32>
        %select_n3A_613 = arith.select %eq3A_607, %broadcast_in_dim3A_612, %select_n3A_586 : vector<16xi1>, vector<16xf32>
        %eq3A_614 = arith.constant 5 : i32
        %eq3A_615 = vector.broadcast %eq3A_614 : i32 to vector<16xi32>
        %eq3A_616 = arith.cmpi eq, %iota3A, %eq3A_615 : vector<16xi32>
        %reduce_sum3A_617 = arith.constant true
        %reduce_sum3A_618 = vector.broadcast %reduce_sum3A_617 : i1 to vector<16xi1>
        %reduce_sum3A_619 = tpu.scan <sum>, %scan3A_477#5 masked %reduce_sum3A_618 : vector<16xf32>, vector<16xi1> -> vector<16xf32>
        %reduce_sum3A_620 = vector.extract %reduce_sum3A_619[15] : f32 from vector<16xf32>
        %broadcast_in_dim3A_621 = vector.broadcast %reduce_sum3A_620 : f32 to vector<16xf32>
        %select_n3A_622 = arith.select %eq3A_616, %broadcast_in_dim3A_621, %select_n3A_595 : vector<16xi1>, vector<16xf32>
        %eq3A_623 = arith.constant 5 : i32
        %eq3A_624 = vector.broadcast %eq3A_623 : i32 to vector<16xi32>
        %eq3A_625 = arith.cmpi eq, %iota3A, %eq3A_624 : vector<16xi32>
        %reduce_sum3A_626 = arith.constant true
        %reduce_sum3A_627 = vector.broadcast %reduce_sum3A_626 : i1 to vector<16xi1>
        %reduce_sum3A_628 = tpu.scan <sum>, %scan3A_477#21 masked %reduce_sum3A_627 : vector<16xf32>, vector<16xi1> -> vector<16xf32>
        %reduce_sum3A_629 = vector.extract %reduce_sum3A_628[15] : f32 from vector<16xf32>
        %broadcast_in_dim3A_630 = vector.broadcast %reduce_sum3A_629 : f32 to vector<16xf32>
        %select_n3A_631 = arith.select %eq3A_625, %broadcast_in_dim3A_630, %select_n3A_604 : vector<16xi1>, vector<16xf32>
        %eq3A_632 = arith.constant 5 : i32
        %eq3A_633 = vector.broadcast %eq3A_632 : i32 to vector<16xi32>
        %eq3A_634 = arith.cmpi eq, %iota3A, %eq3A_633 : vector<16xi32>
        %reduce_sum3A_635 = arith.constant true
        %reduce_sum3A_636 = vector.broadcast %reduce_sum3A_635 : i1 to vector<16xi1>
        %reduce_sum3A_637 = tpu.scan <sum>, %scan3A_477#37 masked %reduce_sum3A_636 : vector<16xf32>, vector<16xi1> -> vector<16xf32>
        %reduce_sum3A_638 = vector.extract %reduce_sum3A_637[15] : f32 from vector<16xf32>
        %broadcast_in_dim3A_639 = vector.broadcast %reduce_sum3A_638 : f32 to vector<16xf32>
        %select_n3A_640 = arith.select %eq3A_634, %broadcast_in_dim3A_639, %select_n3A_613 : vector<16xi1>, vector<16xf32>
        %eq3A_641 = arith.constant 6 : i32
        %eq3A_642 = vector.broadcast %eq3A_641 : i32 to vector<16xi32>
        %eq3A_643 = arith.cmpi eq, %iota3A, %eq3A_642 : vector<16xi32>
        %reduce_sum3A_644 = arith.constant true
        %reduce_sum3A_645 = vector.broadcast %reduce_sum3A_644 : i1 to vector<16xi1>
        %reduce_sum3A_646 = tpu.scan <sum>, %scan3A_477#6 masked %reduce_sum3A_645 : vector<16xf32>, vector<16xi1> -> vector<16xf32>
        %reduce_sum3A_647 = vector.extract %reduce_sum3A_646[15] : f32 from vector<16xf32>
        %broadcast_in_dim3A_648 = vector.broadcast %reduce_sum3A_647 : f32 to vector<16xf32>
        %select_n3A_649 = arith.select %eq3A_643, %broadcast_in_dim3A_648, %select_n3A_622 : vector<16xi1>, vector<16xf32>
        %eq3A_650 = arith.constant 6 : i32
        %eq3A_651 = vector.broadcast %eq3A_650 : i32 to vector<16xi32>
        %eq3A_652 = arith.cmpi eq, %iota3A, %eq3A_651 : vector<16xi32>
        %reduce_sum3A_653 = arith.constant true
        %reduce_sum3A_654 = vector.broadcast %reduce_sum3A_653 : i1 to vector<16xi1>
        %reduce_sum3A_655 = tpu.scan <sum>, %scan3A_477#22 masked %reduce_sum3A_654 : vector<16xf32>, vector<16xi1> -> vector<16xf32>
        %reduce_sum3A_656 = vector.extract %reduce_sum3A_655[15] : f32 from vector<16xf32>
        %broadcast_in_dim3A_657 = vector.broadcast %reduce_sum3A_656 : f32 to vector<16xf32>
        %select_n3A_658 = arith.select %eq3A_652, %broadcast_in_dim3A_657, %select_n3A_631 : vector<16xi1>, vector<16xf32>
        %eq3A_659 = arith.constant 6 : i32
        %eq3A_660 = vector.broadcast %eq3A_659 : i32 to vector<16xi32>
        %eq3A_661 = arith.cmpi eq, %iota3A, %eq3A_660 : vector<16xi32>
        %reduce_sum3A_662 = arith.constant true
        %reduce_sum3A_663 = vector.broadcast %reduce_sum3A_662 : i1 to vector<16xi1>
        %reduce_sum3A_664 = tpu.scan <sum>, %scan3A_477#38 masked %reduce_sum3A_663 : vector<16xf32>, vector<16xi1> -> vector<16xf32>
        %reduce_sum3A_665 = vector.extract %reduce_sum3A_664[15] : f32 from vector<16xf32>
        %broadcast_in_dim3A_666 = vector.broadcast %reduce_sum3A_665 : f32 to vector<16xf32>
        %select_n3A_667 = arith.select %eq3A_661, %broadcast_in_dim3A_666, %select_n3A_640 : vector<16xi1>, vector<16xf32>
        %eq3A_668 = arith.constant 7 : i32
        %eq3A_669 = vector.broadcast %eq3A_668 : i32 to vector<16xi32>
        %eq3A_670 = arith.cmpi eq, %iota3A, %eq3A_669 : vector<16xi32>
        %reduce_sum3A_671 = arith.constant true
        %reduce_sum3A_672 = vector.broadcast %reduce_sum3A_671 : i1 to vector<16xi1>
        %reduce_sum3A_673 = tpu.scan <sum>, %scan3A_477#7 masked %reduce_sum3A_672 : vector<16xf32>, vector<16xi1> -> vector<16xf32>
        %reduce_sum3A_674 = vector.extract %reduce_sum3A_673[15] : f32 from vector<16xf32>
        %broadcast_in_dim3A_675 = vector.broadcast %reduce_sum3A_674 : f32 to vector<16xf32>
        %select_n3A_676 = arith.select %eq3A_670, %broadcast_in_dim3A_675, %select_n3A_649 : vector<16xi1>, vector<16xf32>
        %eq3A_677 = arith.constant 7 : i32
        %eq3A_678 = vector.broadcast %eq3A_677 : i32 to vector<16xi32>
        %eq3A_679 = arith.cmpi eq, %iota3A, %eq3A_678 : vector<16xi32>
        %reduce_sum3A_680 = arith.constant true
        %reduce_sum3A_681 = vector.broadcast %reduce_sum3A_680 : i1 to vector<16xi1>
        %reduce_sum3A_682 = tpu.scan <sum>, %scan3A_477#23 masked %reduce_sum3A_681 : vector<16xf32>, vector<16xi1> -> vector<16xf32>
        %reduce_sum3A_683 = vector.extract %reduce_sum3A_682[15] : f32 from vector<16xf32>
        %broadcast_in_dim3A_684 = vector.broadcast %reduce_sum3A_683 : f32 to vector<16xf32>
        %select_n3A_685 = arith.select %eq3A_679, %broadcast_in_dim3A_684, %select_n3A_658 : vector<16xi1>, vector<16xf32>
        %eq3A_686 = arith.constant 7 : i32
        %eq3A_687 = vector.broadcast %eq3A_686 : i32 to vector<16xi32>
        %eq3A_688 = arith.cmpi eq, %iota3A, %eq3A_687 : vector<16xi32>
        %reduce_sum3A_689 = arith.constant true
        %reduce_sum3A_690 = vector.broadcast %reduce_sum3A_689 : i1 to vector<16xi1>
        %reduce_sum3A_691 = tpu.scan <sum>, %scan3A_477#39 masked %reduce_sum3A_690 : vector<16xf32>, vector<16xi1> -> vector<16xf32>
        %reduce_sum3A_692 = vector.extract %reduce_sum3A_691[15] : f32 from vector<16xf32>
        %broadcast_in_dim3A_693 = vector.broadcast %reduce_sum3A_692 : f32 to vector<16xf32>
        %select_n3A_694 = arith.select %eq3A_688, %broadcast_in_dim3A_693, %select_n3A_667 : vector<16xi1>, vector<16xf32>
        %eq3A_695 = arith.constant 8 : i32
        %eq3A_696 = vector.broadcast %eq3A_695 : i32 to vector<16xi32>
        %eq3A_697 = arith.cmpi eq, %iota3A, %eq3A_696 : vector<16xi32>
        %reduce_sum3A_698 = arith.constant true
        %reduce_sum3A_699 = vector.broadcast %reduce_sum3A_698 : i1 to vector<16xi1>
        %reduce_sum3A_700 = tpu.scan <sum>, %scan3A_477#8 masked %reduce_sum3A_699 : vector<16xf32>, vector<16xi1> -> vector<16xf32>
        %reduce_sum3A_701 = vector.extract %reduce_sum3A_700[15] : f32 from vector<16xf32>
        %broadcast_in_dim3A_702 = vector.broadcast %reduce_sum3A_701 : f32 to vector<16xf32>
        %select_n3A_703 = arith.select %eq3A_697, %broadcast_in_dim3A_702, %select_n3A_676 : vector<16xi1>, vector<16xf32>
        %eq3A_704 = arith.constant 8 : i32
        %eq3A_705 = vector.broadcast %eq3A_704 : i32 to vector<16xi32>
        %eq3A_706 = arith.cmpi eq, %iota3A, %eq3A_705 : vector<16xi32>
        %reduce_sum3A_707 = arith.constant true
        %reduce_sum3A_708 = vector.broadcast %reduce_sum3A_707 : i1 to vector<16xi1>
        %reduce_sum3A_709 = tpu.scan <sum>, %scan3A_477#24 masked %reduce_sum3A_708 : vector<16xf32>, vector<16xi1> -> vector<16xf32>
        %reduce_sum3A_710 = vector.extract %reduce_sum3A_709[15] : f32 from vector<16xf32>
        %broadcast_in_dim3A_711 = vector.broadcast %reduce_sum3A_710 : f32 to vector<16xf32>
        %select_n3A_712 = arith.select %eq3A_706, %broadcast_in_dim3A_711, %select_n3A_685 : vector<16xi1>, vector<16xf32>
        %eq3A_713 = arith.constant 8 : i32
        %eq3A_714 = vector.broadcast %eq3A_713 : i32 to vector<16xi32>
        %eq3A_715 = arith.cmpi eq, %iota3A, %eq3A_714 : vector<16xi32>
        %reduce_sum3A_716 = arith.constant true
        %reduce_sum3A_717 = vector.broadcast %reduce_sum3A_716 : i1 to vector<16xi1>
        %reduce_sum3A_718 = tpu.scan <sum>, %scan3A_477#40 masked %reduce_sum3A_717 : vector<16xf32>, vector<16xi1> -> vector<16xf32>
        %reduce_sum3A_719 = vector.extract %reduce_sum3A_718[15] : f32 from vector<16xf32>
        %broadcast_in_dim3A_720 = vector.broadcast %reduce_sum3A_719 : f32 to vector<16xf32>
        %select_n3A_721 = arith.select %eq3A_715, %broadcast_in_dim3A_720, %select_n3A_694 : vector<16xi1>, vector<16xf32>
        %eq3A_722 = arith.constant 9 : i32
        %eq3A_723 = vector.broadcast %eq3A_722 : i32 to vector<16xi32>
        %eq3A_724 = arith.cmpi eq, %iota3A, %eq3A_723 : vector<16xi32>
        %reduce_sum3A_725 = arith.constant true
        %reduce_sum3A_726 = vector.broadcast %reduce_sum3A_725 : i1 to vector<16xi1>
        %reduce_sum3A_727 = tpu.scan <sum>, %scan3A_477#9 masked %reduce_sum3A_726 : vector<16xf32>, vector<16xi1> -> vector<16xf32>
        %reduce_sum3A_728 = vector.extract %reduce_sum3A_727[15] : f32 from vector<16xf32>
        %broadcast_in_dim3A_729 = vector.broadcast %reduce_sum3A_728 : f32 to vector<16xf32>
        %select_n3A_730 = arith.select %eq3A_724, %broadcast_in_dim3A_729, %select_n3A_703 : vector<16xi1>, vector<16xf32>
        %eq3A_731 = arith.constant 9 : i32
        %eq3A_732 = vector.broadcast %eq3A_731 : i32 to vector<16xi32>
        %eq3A_733 = arith.cmpi eq, %iota3A, %eq3A_732 : vector<16xi32>
        %reduce_sum3A_734 = arith.constant true
        %reduce_sum3A_735 = vector.broadcast %reduce_sum3A_734 : i1 to vector<16xi1>
        %reduce_sum3A_736 = tpu.scan <sum>, %scan3A_477#25 masked %reduce_sum3A_735 : vector<16xf32>, vector<16xi1> -> vector<16xf32>
        %reduce_sum3A_737 = vector.extract %reduce_sum3A_736[15] : f32 from vector<16xf32>
        %broadcast_in_dim3A_738 = vector.broadcast %reduce_sum3A_737 : f32 to vector<16xf32>
        %select_n3A_739 = arith.select %eq3A_733, %broadcast_in_dim3A_738, %select_n3A_712 : vector<16xi1>, vector<16xf32>
        %eq3A_740 = arith.constant 9 : i32
        %eq3A_741 = vector.broadcast %eq3A_740 : i32 to vector<16xi32>
        %eq3A_742 = arith.cmpi eq, %iota3A, %eq3A_741 : vector<16xi32>
        %reduce_sum3A_743 = arith.constant true
        %reduce_sum3A_744 = vector.broadcast %reduce_sum3A_743 : i1 to vector<16xi1>
        %reduce_sum3A_745 = tpu.scan <sum>, %scan3A_477#41 masked %reduce_sum3A_744 : vector<16xf32>, vector<16xi1> -> vector<16xf32>
        %reduce_sum3A_746 = vector.extract %reduce_sum3A_745[15] : f32 from vector<16xf32>
        %broadcast_in_dim3A_747 = vector.broadcast %reduce_sum3A_746 : f32 to vector<16xf32>
        %select_n3A_748 = arith.select %eq3A_742, %broadcast_in_dim3A_747, %select_n3A_721 : vector<16xi1>, vector<16xf32>
        %eq3A_749 = arith.constant 10 : i32
        %eq3A_750 = vector.broadcast %eq3A_749 : i32 to vector<16xi32>
        %eq3A_751 = arith.cmpi eq, %iota3A, %eq3A_750 : vector<16xi32>
        %reduce_sum3A_752 = arith.constant true
        %reduce_sum3A_753 = vector.broadcast %reduce_sum3A_752 : i1 to vector<16xi1>
        %reduce_sum3A_754 = tpu.scan <sum>, %scan3A_477#10 masked %reduce_sum3A_753 : vector<16xf32>, vector<16xi1> -> vector<16xf32>
        %reduce_sum3A_755 = vector.extract %reduce_sum3A_754[15] : f32 from vector<16xf32>
        %broadcast_in_dim3A_756 = vector.broadcast %reduce_sum3A_755 : f32 to vector<16xf32>
        %select_n3A_757 = arith.select %eq3A_751, %broadcast_in_dim3A_756, %select_n3A_730 : vector<16xi1>, vector<16xf32>
        %eq3A_758 = arith.constant 10 : i32
        %eq3A_759 = vector.broadcast %eq3A_758 : i32 to vector<16xi32>
        %eq3A_760 = arith.cmpi eq, %iota3A, %eq3A_759 : vector<16xi32>
        %reduce_sum3A_761 = arith.constant true
        %reduce_sum3A_762 = vector.broadcast %reduce_sum3A_761 : i1 to vector<16xi1>
        %reduce_sum3A_763 = tpu.scan <sum>, %scan3A_477#26 masked %reduce_sum3A_762 : vector<16xf32>, vector<16xi1> -> vector<16xf32>
        %reduce_sum3A_764 = vector.extract %reduce_sum3A_763[15] : f32 from vector<16xf32>
        %broadcast_in_dim3A_765 = vector.broadcast %reduce_sum3A_764 : f32 to vector<16xf32>
        %select_n3A_766 = arith.select %eq3A_760, %broadcast_in_dim3A_765, %select_n3A_739 : vector<16xi1>, vector<16xf32>
        %eq3A_767 = arith.constant 10 : i32
        %eq3A_768 = vector.broadcast %eq3A_767 : i32 to vector<16xi32>
        %eq3A_769 = arith.cmpi eq, %iota3A, %eq3A_768 : vector<16xi32>
        %reduce_sum3A_770 = arith.constant true
        %reduce_sum3A_771 = vector.broadcast %reduce_sum3A_770 : i1 to vector<16xi1>
        %reduce_sum3A_772 = tpu.scan <sum>, %scan3A_477#42 masked %reduce_sum3A_771 : vector<16xf32>, vector<16xi1> -> vector<16xf32>
        %reduce_sum3A_773 = vector.extract %reduce_sum3A_772[15] : f32 from vector<16xf32>
        %broadcast_in_dim3A_774 = vector.broadcast %reduce_sum3A_773 : f32 to vector<16xf32>
        %select_n3A_775 = arith.select %eq3A_769, %broadcast_in_dim3A_774, %select_n3A_748 : vector<16xi1>, vector<16xf32>
        %eq3A_776 = arith.constant 11 : i32
        %eq3A_777 = vector.broadcast %eq3A_776 : i32 to vector<16xi32>
        %eq3A_778 = arith.cmpi eq, %iota3A, %eq3A_777 : vector<16xi32>
        %reduce_sum3A_779 = arith.constant true
        %reduce_sum3A_780 = vector.broadcast %reduce_sum3A_779 : i1 to vector<16xi1>
        %reduce_sum3A_781 = tpu.scan <sum>, %scan3A_477#11 masked %reduce_sum3A_780 : vector<16xf32>, vector<16xi1> -> vector<16xf32>
        %reduce_sum3A_782 = vector.extract %reduce_sum3A_781[15] : f32 from vector<16xf32>
        %broadcast_in_dim3A_783 = vector.broadcast %reduce_sum3A_782 : f32 to vector<16xf32>
        %select_n3A_784 = arith.select %eq3A_778, %broadcast_in_dim3A_783, %select_n3A_757 : vector<16xi1>, vector<16xf32>
        %eq3A_785 = arith.constant 11 : i32
        %eq3A_786 = vector.broadcast %eq3A_785 : i32 to vector<16xi32>
        %eq3A_787 = arith.cmpi eq, %iota3A, %eq3A_786 : vector<16xi32>
        %reduce_sum3A_788 = arith.constant true
        %reduce_sum3A_789 = vector.broadcast %reduce_sum3A_788 : i1 to vector<16xi1>
        %reduce_sum3A_790 = tpu.scan <sum>, %scan3A_477#27 masked %reduce_sum3A_789 : vector<16xf32>, vector<16xi1> -> vector<16xf32>
        %reduce_sum3A_791 = vector.extract %reduce_sum3A_790[15] : f32 from vector<16xf32>
        %broadcast_in_dim3A_792 = vector.broadcast %reduce_sum3A_791 : f32 to vector<16xf32>
        %select_n3A_793 = arith.select %eq3A_787, %broadcast_in_dim3A_792, %select_n3A_766 : vector<16xi1>, vector<16xf32>
        %eq3A_794 = arith.constant 11 : i32
        %eq3A_795 = vector.broadcast %eq3A_794 : i32 to vector<16xi32>
        %eq3A_796 = arith.cmpi eq, %iota3A, %eq3A_795 : vector<16xi32>
        %reduce_sum3A_797 = arith.constant true
        %reduce_sum3A_798 = vector.broadcast %reduce_sum3A_797 : i1 to vector<16xi1>
        %reduce_sum3A_799 = tpu.scan <sum>, %scan3A_477#43 masked %reduce_sum3A_798 : vector<16xf32>, vector<16xi1> -> vector<16xf32>
        %reduce_sum3A_800 = vector.extract %reduce_sum3A_799[15] : f32 from vector<16xf32>
        %broadcast_in_dim3A_801 = vector.broadcast %reduce_sum3A_800 : f32 to vector<16xf32>
        %select_n3A_802 = arith.select %eq3A_796, %broadcast_in_dim3A_801, %select_n3A_775 : vector<16xi1>, vector<16xf32>
        %eq3A_803 = arith.constant 12 : i32
        %eq3A_804 = vector.broadcast %eq3A_803 : i32 to vector<16xi32>
        %eq3A_805 = arith.cmpi eq, %iota3A, %eq3A_804 : vector<16xi32>
        %reduce_sum3A_806 = arith.constant true
        %reduce_sum3A_807 = vector.broadcast %reduce_sum3A_806 : i1 to vector<16xi1>
        %reduce_sum3A_808 = tpu.scan <sum>, %scan3A_477#12 masked %reduce_sum3A_807 : vector<16xf32>, vector<16xi1> -> vector<16xf32>
        %reduce_sum3A_809 = vector.extract %reduce_sum3A_808[15] : f32 from vector<16xf32>
        %broadcast_in_dim3A_810 = vector.broadcast %reduce_sum3A_809 : f32 to vector<16xf32>
        %select_n3A_811 = arith.select %eq3A_805, %broadcast_in_dim3A_810, %select_n3A_784 : vector<16xi1>, vector<16xf32>
        %eq3A_812 = arith.constant 12 : i32
        %eq3A_813 = vector.broadcast %eq3A_812 : i32 to vector<16xi32>
        %eq3A_814 = arith.cmpi eq, %iota3A, %eq3A_813 : vector<16xi32>
        %reduce_sum3A_815 = arith.constant true
        %reduce_sum3A_816 = vector.broadcast %reduce_sum3A_815 : i1 to vector<16xi1>
        %reduce_sum3A_817 = tpu.scan <sum>, %scan3A_477#28 masked %reduce_sum3A_816 : vector<16xf32>, vector<16xi1> -> vector<16xf32>
        %reduce_sum3A_818 = vector.extract %reduce_sum3A_817[15] : f32 from vector<16xf32>
        %broadcast_in_dim3A_819 = vector.broadcast %reduce_sum3A_818 : f32 to vector<16xf32>
        %select_n3A_820 = arith.select %eq3A_814, %broadcast_in_dim3A_819, %select_n3A_793 : vector<16xi1>, vector<16xf32>
        %eq3A_821 = arith.constant 12 : i32
        %eq3A_822 = vector.broadcast %eq3A_821 : i32 to vector<16xi32>
        %eq3A_823 = arith.cmpi eq, %iota3A, %eq3A_822 : vector<16xi32>
        %reduce_sum3A_824 = arith.constant true
        %reduce_sum3A_825 = vector.broadcast %reduce_sum3A_824 : i1 to vector<16xi1>
        %reduce_sum3A_826 = tpu.scan <sum>, %scan3A_477#44 masked %reduce_sum3A_825 : vector<16xf32>, vector<16xi1> -> vector<16xf32>
        %reduce_sum3A_827 = vector.extract %reduce_sum3A_826[15] : f32 from vector<16xf32>
        %broadcast_in_dim3A_828 = vector.broadcast %reduce_sum3A_827 : f32 to vector<16xf32>
        %select_n3A_829 = arith.select %eq3A_823, %broadcast_in_dim3A_828, %select_n3A_802 : vector<16xi1>, vector<16xf32>
        %eq3A_830 = arith.constant 13 : i32
        %eq3A_831 = vector.broadcast %eq3A_830 : i32 to vector<16xi32>
        %eq3A_832 = arith.cmpi eq, %iota3A, %eq3A_831 : vector<16xi32>
        %reduce_sum3A_833 = arith.constant true
        %reduce_sum3A_834 = vector.broadcast %reduce_sum3A_833 : i1 to vector<16xi1>
        %reduce_sum3A_835 = tpu.scan <sum>, %scan3A_477#13 masked %reduce_sum3A_834 : vector<16xf32>, vector<16xi1> -> vector<16xf32>
        %reduce_sum3A_836 = vector.extract %reduce_sum3A_835[15] : f32 from vector<16xf32>
        %broadcast_in_dim3A_837 = vector.broadcast %reduce_sum3A_836 : f32 to vector<16xf32>
        %select_n3A_838 = arith.select %eq3A_832, %broadcast_in_dim3A_837, %select_n3A_811 : vector<16xi1>, vector<16xf32>
        %eq3A_839 = arith.constant 13 : i32
        %eq3A_840 = vector.broadcast %eq3A_839 : i32 to vector<16xi32>
        %eq3A_841 = arith.cmpi eq, %iota3A, %eq3A_840 : vector<16xi32>
        %reduce_sum3A_842 = arith.constant true
        %reduce_sum3A_843 = vector.broadcast %reduce_sum3A_842 : i1 to vector<16xi1>
        %reduce_sum3A_844 = tpu.scan <sum>, %scan3A_477#29 masked %reduce_sum3A_843 : vector<16xf32>, vector<16xi1> -> vector<16xf32>
        %reduce_sum3A_845 = vector.extract %reduce_sum3A_844[15] : f32 from vector<16xf32>
        %broadcast_in_dim3A_846 = vector.broadcast %reduce_sum3A_845 : f32 to vector<16xf32>
        %select_n3A_847 = arith.select %eq3A_841, %broadcast_in_dim3A_846, %select_n3A_820 : vector<16xi1>, vector<16xf32>
        %eq3A_848 = arith.constant 13 : i32
        %eq3A_849 = vector.broadcast %eq3A_848 : i32 to vector<16xi32>
        %eq3A_850 = arith.cmpi eq, %iota3A, %eq3A_849 : vector<16xi32>
        %reduce_sum3A_851 = arith.constant true
        %reduce_sum3A_852 = vector.broadcast %reduce_sum3A_851 : i1 to vector<16xi1>
        %reduce_sum3A_853 = tpu.scan <sum>, %scan3A_477#45 masked %reduce_sum3A_852 : vector<16xf32>, vector<16xi1> -> vector<16xf32>
        %reduce_sum3A_854 = vector.extract %reduce_sum3A_853[15] : f32 from vector<16xf32>
        %broadcast_in_dim3A_855 = vector.broadcast %reduce_sum3A_854 : f32 to vector<16xf32>
        %select_n3A_856 = arith.select %eq3A_850, %broadcast_in_dim3A_855, %select_n3A_829 : vector<16xi1>, vector<16xf32>
        %eq3A_857 = arith.constant 14 : i32
        %eq3A_858 = vector.broadcast %eq3A_857 : i32 to vector<16xi32>
        %eq3A_859 = arith.cmpi eq, %iota3A, %eq3A_858 : vector<16xi32>
        %reduce_sum3A_860 = arith.constant true
        %reduce_sum3A_861 = vector.broadcast %reduce_sum3A_860 : i1 to vector<16xi1>
        %reduce_sum3A_862 = tpu.scan <sum>, %scan3A_477#14 masked %reduce_sum3A_861 : vector<16xf32>, vector<16xi1> -> vector<16xf32>
        %reduce_sum3A_863 = vector.extract %reduce_sum3A_862[15] : f32 from vector<16xf32>
        %broadcast_in_dim3A_864 = vector.broadcast %reduce_sum3A_863 : f32 to vector<16xf32>
        %select_n3A_865 = arith.select %eq3A_859, %broadcast_in_dim3A_864, %select_n3A_838 : vector<16xi1>, vector<16xf32>
        %eq3A_866 = arith.constant 14 : i32
        %eq3A_867 = vector.broadcast %eq3A_866 : i32 to vector<16xi32>
        %eq3A_868 = arith.cmpi eq, %iota3A, %eq3A_867 : vector<16xi32>
        %reduce_sum3A_869 = arith.constant true
        %reduce_sum3A_870 = vector.broadcast %reduce_sum3A_869 : i1 to vector<16xi1>
        %reduce_sum3A_871 = tpu.scan <sum>, %scan3A_477#30 masked %reduce_sum3A_870 : vector<16xf32>, vector<16xi1> -> vector<16xf32>
        %reduce_sum3A_872 = vector.extract %reduce_sum3A_871[15] : f32 from vector<16xf32>
        %broadcast_in_dim3A_873 = vector.broadcast %reduce_sum3A_872 : f32 to vector<16xf32>
        %select_n3A_874 = arith.select %eq3A_868, %broadcast_in_dim3A_873, %select_n3A_847 : vector<16xi1>, vector<16xf32>
        %eq3A_875 = arith.constant 14 : i32
        %eq3A_876 = vector.broadcast %eq3A_875 : i32 to vector<16xi32>
        %eq3A_877 = arith.cmpi eq, %iota3A, %eq3A_876 : vector<16xi32>
        %reduce_sum3A_878 = arith.constant true
        %reduce_sum3A_879 = vector.broadcast %reduce_sum3A_878 : i1 to vector<16xi1>
        %reduce_sum3A_880 = tpu.scan <sum>, %scan3A_477#46 masked %reduce_sum3A_879 : vector<16xf32>, vector<16xi1> -> vector<16xf32>
        %reduce_sum3A_881 = vector.extract %reduce_sum3A_880[15] : f32 from vector<16xf32>
        %broadcast_in_dim3A_882 = vector.broadcast %reduce_sum3A_881 : f32 to vector<16xf32>
        %select_n3A_883 = arith.select %eq3A_877, %broadcast_in_dim3A_882, %select_n3A_856 : vector<16xi1>, vector<16xf32>
        %eq3A_884 = arith.constant 15 : i32
        %eq3A_885 = vector.broadcast %eq3A_884 : i32 to vector<16xi32>
        %eq3A_886 = arith.cmpi eq, %iota3A, %eq3A_885 : vector<16xi32>
        %reduce_sum3A_887 = arith.constant true
        %reduce_sum3A_888 = vector.broadcast %reduce_sum3A_887 : i1 to vector<16xi1>
        %reduce_sum3A_889 = tpu.scan <sum>, %scan3A_477#15 masked %reduce_sum3A_888 : vector<16xf32>, vector<16xi1> -> vector<16xf32>
        %reduce_sum3A_890 = vector.extract %reduce_sum3A_889[15] : f32 from vector<16xf32>
        %broadcast_in_dim3A_891 = vector.broadcast %reduce_sum3A_890 : f32 to vector<16xf32>
        %select_n3A_892 = arith.select %eq3A_886, %broadcast_in_dim3A_891, %select_n3A_865 : vector<16xi1>, vector<16xf32>
        %eq3A_893 = arith.constant 15 : i32
        %eq3A_894 = vector.broadcast %eq3A_893 : i32 to vector<16xi32>
        %eq3A_895 = arith.cmpi eq, %iota3A, %eq3A_894 : vector<16xi32>
        %reduce_sum3A_896 = arith.constant true
        %reduce_sum3A_897 = vector.broadcast %reduce_sum3A_896 : i1 to vector<16xi1>
        %reduce_sum3A_898 = tpu.scan <sum>, %scan3A_477#31 masked %reduce_sum3A_897 : vector<16xf32>, vector<16xi1> -> vector<16xf32>
        %reduce_sum3A_899 = vector.extract %reduce_sum3A_898[15] : f32 from vector<16xf32>
        %broadcast_in_dim3A_900 = vector.broadcast %reduce_sum3A_899 : f32 to vector<16xf32>
        %select_n3A_901 = arith.select %eq3A_895, %broadcast_in_dim3A_900, %select_n3A_874 : vector<16xi1>, vector<16xf32>
        %eq3A_902 = arith.constant 15 : i32
        %eq3A_903 = vector.broadcast %eq3A_902 : i32 to vector<16xi32>
        %eq3A_904 = arith.cmpi eq, %iota3A, %eq3A_903 : vector<16xi32>
        %reduce_sum3A_905 = arith.constant true
        %reduce_sum3A_906 = vector.broadcast %reduce_sum3A_905 : i1 to vector<16xi1>
        %reduce_sum3A_907 = tpu.scan <sum>, %scan3A_477#47 masked %reduce_sum3A_906 : vector<16xf32>, vector<16xi1> -> vector<16xf32>
        %reduce_sum3A_908 = vector.extract %reduce_sum3A_907[15] : f32 from vector<16xf32>
        %broadcast_in_dim3A_909 = vector.broadcast %reduce_sum3A_908 : f32 to vector<16xf32>
        %select_n3A_910 = arith.select %eq3A_904, %broadcast_in_dim3A_909, %select_n3A_883 : vector<16xi1>, vector<16xf32>
        %max3A = arith.constant 1.000000e+00 : f32
        %max3A_911 = vector.broadcast %max3A : f32 to vector<16xf32>
        %max3A_912 = arith.maximumf %select_n3A_910, %max3A_911 : vector<16xf32>
        %div3A = arith.constant 1.000000e+00 : f32
        %div3A_913 = vector.broadcast %div3A : f32 to vector<16xf32>
        %div3A_914 = arith.divf %div3A_913, %max3A_912 : vector<16xf32>
        %mul3A_915 = arith.mulf %select_n3A_892, %div3A_914 : vector<16xf32>
        %bitcast_convert_type3A_916 = tpu.bitcast %mul3A_915 : vector<16xf32> -> vector<16xi32>
        %and3A_917 = arith.constant -2147483648 : i32
        %and3A_918 = vector.broadcast %and3A_917 : i32 to vector<16xi32>
        %and3A_919 = arith.andi %bitcast_convert_type3A_916, %and3A_918 : vector<16xi32>
        %and3A_920 = arith.constant 2147483647 : i32
        %and3A_921 = vector.broadcast %and3A_920 : i32 to vector<16xi32>
        %and3A_922 = arith.andi %bitcast_convert_type3A_916, %and3A_921 : vector<16xi32>
        %shift_right_logical3A_923 = arith.constant 13 : i32
        %shift_right_logical3A_924 = vector.broadcast %shift_right_logical3A_923 : i32 to vector<16xi32>
        %shift_right_logical3A_925 = arith.shrui %and3A_922, %shift_right_logical3A_924 : vector<16xi32>
        %and3A_926 = arith.constant 1 : i32
        %and3A_927 = vector.broadcast %and3A_926 : i32 to vector<16xi32>
        %and3A_928 = arith.andi %shift_right_logical3A_925, %and3A_927 : vector<16xi32>
        %add3A_929 = arith.constant 4095 : i32
        %add3A_930 = vector.broadcast %add3A_929 : i32 to vector<16xi32>
        %add3A_931 = arith.addi %and3A_922, %add3A_930 : vector<16xi32>
        %add3A_932 = arith.addi %add3A_931, %and3A_928 : vector<16xi32>
        %and3A_933 = arith.constant -8192 : i32
        %and3A_934 = vector.broadcast %and3A_933 : i32 to vector<16xi32>
        %and3A_935 = arith.andi %add3A_932, %and3A_934 : vector<16xi32>
        %or3A_936 = arith.ori %and3A_919, %and3A_935 : vector<16xi32>
        %bitcast_convert_type3A_937 = tpu.bitcast %or3A_936 : vector<16xi32> -> vector<16xf32>
        %abs3A_938 = math.absf %mul3A_915 : vector<16xf32>
        %add3A_939 = arith.constant 5.000000e-01 : f32
        %add3A_940 = vector.broadcast %add3A_939 : f32 to vector<16xf32>
        %add3A_941 = arith.addf %abs3A_938, %add3A_940 : vector<16xf32>
        %sub3A_942 = arith.constant 5.000000e-01 : f32
        %sub3A_943 = vector.broadcast %sub3A_942 : f32 to vector<16xf32>
        %sub3A_944 = arith.subf %add3A_941, %sub3A_943 : vector<16xf32>
        %lt3A_945 = arith.constant 0.000000e+00 : f32
        %lt3A_946 = vector.broadcast %lt3A_945 : f32 to vector<16xf32>
        %lt3A_947 = arith.cmpf olt, %mul3A_915, %lt3A_946 : vector<16xf32>
        %neg3A_948 = arith.constant 0.000000e+00 : f32
        %neg3A_949 = vector.broadcast %neg3A_948 : f32 to vector<16xf32>
        %neg3A_950 = arith.subf %neg3A_949, %sub3A_944 : vector<16xf32>
        %select_n3A_951 = arith.select %lt3A_947, %neg3A_950, %sub3A_944 : vector<16xi1>, vector<16xf32>
        %ge3A_952 = arith.constant 6.10351563E-5 : f32
        %ge3A_953 = vector.broadcast %ge3A_952 : f32 to vector<16xf32>
        %ge3A_954 = arith.cmpf oge, %abs3A_938, %ge3A_953 : vector<16xf32>
        %select_n3A_955 = arith.select %ge3A_954, %bitcast_convert_type3A_937, %select_n3A_951 : vector<16xi1>, vector<16xf32>
        %mul3A_956 = arith.mulf %select_n3A_901, %div3A_914 : vector<16xf32>
        %bitcast_convert_type3A_957 = tpu.bitcast %mul3A_956 : vector<16xf32> -> vector<16xi32>
        %and3A_958 = arith.constant -2147483648 : i32
        %and3A_959 = vector.broadcast %and3A_958 : i32 to vector<16xi32>
        %and3A_960 = arith.andi %bitcast_convert_type3A_957, %and3A_959 : vector<16xi32>
        %and3A_961 = arith.constant 2147483647 : i32
        %and3A_962 = vector.broadcast %and3A_961 : i32 to vector<16xi32>
        %and3A_963 = arith.andi %bitcast_convert_type3A_957, %and3A_962 : vector<16xi32>
        %shift_right_logical3A_964 = arith.constant 13 : i32
        %shift_right_logical3A_965 = vector.broadcast %shift_right_logical3A_964 : i32 to vector<16xi32>
        %shift_right_logical3A_966 = arith.shrui %and3A_963, %shift_right_logical3A_965 : vector<16xi32>
        %and3A_967 = arith.constant 1 : i32
        %and3A_968 = vector.broadcast %and3A_967 : i32 to vector<16xi32>
        %and3A_969 = arith.andi %shift_right_logical3A_966, %and3A_968 : vector<16xi32>
        %add3A_970 = arith.constant 4095 : i32
        %add3A_971 = vector.broadcast %add3A_970 : i32 to vector<16xi32>
        %add3A_972 = arith.addi %and3A_963, %add3A_971 : vector<16xi32>
        %add3A_973 = arith.addi %add3A_972, %and3A_969 : vector<16xi32>
        %and3A_974 = arith.constant -8192 : i32
        %and3A_975 = vector.broadcast %and3A_974 : i32 to vector<16xi32>
        %and3A_976 = arith.andi %add3A_973, %and3A_975 : vector<16xi32>
        %or3A_977 = arith.ori %and3A_960, %and3A_976 : vector<16xi32>
        %bitcast_convert_type3A_978 = tpu.bitcast %or3A_977 : vector<16xi32> -> vector<16xf32>
        %abs3A_979 = math.absf %mul3A_956 : vector<16xf32>
        %add3A_980 = arith.constant 5.000000e-01 : f32
        %add3A_981 = vector.broadcast %add3A_980 : f32 to vector<16xf32>
        %add3A_982 = arith.addf %abs3A_979, %add3A_981 : vector<16xf32>
        %sub3A_983 = arith.constant 5.000000e-01 : f32
        %sub3A_984 = vector.broadcast %sub3A_983 : f32 to vector<16xf32>
        %sub3A_985 = arith.subf %add3A_982, %sub3A_984 : vector<16xf32>
        %lt3A_986 = arith.constant 0.000000e+00 : f32
        %lt3A_987 = vector.broadcast %lt3A_986 : f32 to vector<16xf32>
        %lt3A_988 = arith.cmpf olt, %mul3A_956, %lt3A_987 : vector<16xf32>
        %neg3A_989 = arith.constant 0.000000e+00 : f32
        %neg3A_990 = vector.broadcast %neg3A_989 : f32 to vector<16xf32>
        %neg3A_991 = arith.subf %neg3A_990, %sub3A_985 : vector<16xf32>
        %select_n3A_992 = arith.select %lt3A_988, %neg3A_991, %sub3A_985 : vector<16xi1>, vector<16xf32>
        %ge3A_993 = arith.constant 6.10351563E-5 : f32
        %ge3A_994 = vector.broadcast %ge3A_993 : f32 to vector<16xf32>
        %ge3A_995 = arith.cmpf oge, %abs3A_979, %ge3A_994 : vector<16xf32>
        %select_n3A_996 = arith.select %ge3A_995, %bitcast_convert_type3A_978, %select_n3A_992 : vector<16xi1>, vector<16xf32>
        scf.yield %select_n3A_955, %select_n3A_996 : vector<16xf32>, vector<16xf32>
      }
      %scan3A_143 = arith.constant 10 : i32
      %swap3A = arith.constant 0 : index
      %swap3A_144 = tpu.vector_load %arg18[%swap3A] {strides = array<i32>} : memref<32xf32, #tpu.memory_space<vmem>>, vector<16xf32>,
      tpu.vector_store %arg18[%swap3A], %scan3A_142#0 {strides = array<i32>} : memref<32xf32, #tpu.memory_space<vmem>>, vector<16xf32>,
      %swap3A_145 = arith.constant 16 : index
      %swap3A_146 = tpu.vector_load %arg18[%swap3A_145] {strides = array<i32>} : memref<32xf32, #tpu.memory_space<vmem>>, vector<16xf32>,
      tpu.vector_store %arg18[%swap3A_145], %scan3A_142#1 {strides = array<i32>} : memref<32xf32, #tpu.memory_space<vmem>>, vector<16xf32>,
      %mul3A_147 = arith.constant 2 : i32
      %mul3A_148 = arith.muli %add3A_14, %mul3A_147 : i32
      %mul3A_149 = arith.constant 16 : i32
      %mul3A_150 = arith.muli %mul3A_148, %mul3A_149 : i32
      "tpu.region"() ({
        %run_scoped3A = tpu.sem_alloc : memref<!tpu.dma_semaphore, #tpu.memory_space<semaphore_mem>>
        %dma_start3A = tpu.memref_slice %arg5[%mul3A_150] : memref<8192xf32, #tpu.memory_space<hbm>> -> memref<32xf32, #tpu.memory_space<hbm>>
        %dma_start3A_152 = tpu.memref_slice %arg5[%mul3A_150] : memref<8192xf32, #tpu.memory_space<hbm>> -> memref<32xf32, #tpu.memory_space<hbm>>
        tpu.enqueue_dma source(%arg18 : memref<32xf32, #tpu.memory_space<vmem>>) target(%dma_start3A_152 : memref<32xf32, #tpu.memory_space<hbm>>) target_semaphore(%run_scoped3A : memref<!tpu.dma_semaphore, #tpu.memory_space<semaphore_mem>>)
        %dma_wait3A = tpu.memref_slice %arg5[%mul3A_150] : memref<8192xf32, #tpu.memory_space<hbm>> -> memref<32xf32, #tpu.memory_space<hbm>>
        %dma_wait3A_153 = tpu.memref_slice %arg5[%mul3A_150] : memref<8192xf32, #tpu.memory_space<hbm>> -> memref<32xf32, #tpu.memory_space<hbm>>
        tpu.wait_dma2 semaphore(%run_scoped3A : memref<!tpu.dma_semaphore, #tpu.memory_space<semaphore_mem>>) src(%arg18 : memref<32xf32, #tpu.memory_space<vmem>>) dst(%dma_wait3A_153 : memref<32xf32, #tpu.memory_space<hbm>>)
        tpu.yield
      }) : () -> ()
      %scan3A_151 = arith.constant 0 : i32
      scf.yield %scan3A_151 : i32
    }
    %scan3A_9 = arith.constant 8 : i32
    return
  }
}

</mosaic_0001>

<sc_bundles>
// kernel: kernel.3.cloned.1.call-start
scs
__scs_entry_jumppad:
0x0: {  	(pc) =	sbr.rel $0x88, $3  }
0x1: {  	(tag) =	ssettag $0x0;
	lr =	simm.s32 $0x1  }
0x2: {  	[smem:$0x3FA0] =	sst lr;
	_ =	strace $0xD0000000  }
0x3: {  	_ = 	snop  }
0x4: {  	_ = 	snop  }
0x5: {  	_ = 	snop  }
0x6: {  	_ = 	snop  }
0x7: {  	_ = 	snop  }
__scs_overlays_trampoline_lowered:
0x8: {  	[smem:$0x3FAF] =	sst s0  }
0x9: {  	[smem:$0x3FB0] =	sst s1  }
0xa: {  	[smem:$0x3FB1] =	sst s2  }
0xb: {  	[smem:$0x3FB2] =	sst s3  }
0xc: {  	[smem:$0x3FB3] =	sst s4  }
0xd: {  	[smem:$0x3FB4] =	sst s5  }
0xe: {  	[smem:$0x3FB5] =	sst s6  }
0xf: {  	[smem:$0x3FB6] =	sst s7  }
0x10: {  	[smem:$0x3FB7] =	sst s8  }
0x11: {  	[smem:$0x3FB8] =	sst s9;
	s0 =	simm.s32 @!p0 $0x0  }
0x12: {  	s1 =	sld [smem:$0x3F9E];
	s0 =	simm.s32 @p0 $0x1  }
0x13: {  	[smem:$0x3FB9] =	sst s0;
	s0 =	simm.s32 @!p1 $0x0  }
0x14: {  	s2 =	sld [smem:$0x3F9D];
	s0 =	simm.s32 @p1 $0x1  }
0x15: {  	[smem:$0x3FBA] =	sst s0;
	s0 =	simm.s32 @!p2 $0x0  }
0x16: {  	s3 =	sld [smem:$0x3FDB];
	s0 =	simm.s32 @p2 $0x1  }
0x17: {  	s4 =	simm.s32 $0x1BF5;
	[smem:$0x3FBC] =	sst s0  }
0x18: {  	s0 =	sld [smem:$0x3F9F];
	_ =	swait.ge [sflag:s4], $0x0  }
0x19: {  	s7 =	sld [smem:$0x3FA0]  }
0x1a: {  	s8 =	sadd.s32 $0xFFFFE003, lr  }
0x1b: {  	s9 =	sadd.s32 $0xFFFFFEF7, lr;
	s5 =	simm.s32 $0xFFFFFFFF;
	p2 =	slt.u32 s8, $0xFFFFF086  }
0x1c: {  	p1 =	slt.u32 s9, $0xF7A;
	s5 =	simm.s32 @!p2 $0x0  }
0x1d: {  	s5 =	simm.s32 @p1 $0x1;
	p0 =	seq.s32 s7, s2  }
0x1e: {  	s7 =	smul.u32 @!p0 $0xF7A, s2;
	p2 =	seq.s32 @!p0 s5, $0x0  }
0x1f: {  	s9 =	smul.u32 $0xF7A, s1;
	s8 =	simm.s32 @!p0 $0x1BF5;
	p2 =	por !p2, p0  }
0x20: {  	[sflag:s8] =	ssyncset.s32 @!p0 $0xFFFFF086;
	s6 =	sadd.s32 @!p0 s3, s7;
	s7 =	simm.s32 @!p0 $0x108  }
0x21: {  	s3 =	sadd.s32 s3, s9;
	s6 =	sadd.s32 @!p0 $0x88, s6;
	s7 =	simm.s32 @p2 $0x1082  }
0x22: {  	[simem:s7], [sflag:s8] =	dma.local @!p0 [hbm:s6], $0xF7A  }
0x23: {  	s9 =	sor.u32 $0xD0000000, s2;
	s6 =	simm.s32 $0x108;
	_ =	swait.ge @!p0 [sflag:s8], $0x0  }
0x24: {  	s3 =	sadd.s32 $0x88, s3;
	s6 =	simm.s32 @!p1 $0x1082;
	[sflag:s4] =	ssyncset.s32 $0xFFFFF086  }
0x25: {  	[simem:s6], [sflag:s4] =	dma.local [hbm:s3], $0xF7A  }
0x26: {  	[smem:$0x3FA0] =	sst s1;
	(tag) =	ssettag s2;
	_ =	strace s9  }
0x27: {  	s1 =	sld [smem:$0x3FB0]  }
0x28: {  	s2 =	sld [smem:$0x3FB1]  }
0x29: {  	s4 =	sld [smem:$0x3FB3]  }
0x2a: {  	p0 =	seq.s32 s5, $0x0;
	s5 =	sld [smem:$0x3FB4]  }
0x2b: {  	s6 =	sld [smem:$0x3FB5]  }
0x2c: {  	s7 =	sld [smem:$0x3FB6]  }
0x2d: {  	s3 =	simm.s32 $0x108;
	s8 =	sld [smem:$0x3FB7]  }
0x2e: {  	s3 =	simm.s32 @!p0 $0x1082;
	s9 =	sld [smem:$0x3FB8]  }
0x2f: {  	lr =	sadd.s32 s0, s3;
	s0 =	sld [smem:$0x3FAF]  }
0x30: {  	s3 =	sld [smem:$0x3FB2]  }
0x31: {  	[smem:$0x3FBB] =	sst s10  }
0x32: {  	s10 =	sld [smem:$0x3FB9];
	_ =	sdelay $0x3  }
0x33: {  	p0 =	seq.s32 s10, $0x1;
	s10 =	sld [smem:$0x3FBB];
	_ =	sdelay $0x3  }
0x34: {  	[smem:$0x3FBB] =	sst s10  }
0x35: {  	s10 =	sld [smem:$0x3FBA];
	_ =	sdelay $0x3  }
0x36: {  	p1 =	seq.s32 s10, $0x1;
	s10 =	sld [smem:$0x3FBB];
	_ =	sdelay $0x3  }
0x37: {  	[smem:$0x3FBB] =	sst s10  }
0x38: {  	s10 =	sld [smem:$0x3FBC]  }
0x39: {  	_ = 	snop;
	(pc) =	sbr.ind lr, $3  }
0x3a: {  	_ = 	snop  }
0x3b: {  	_ = 	snop  }
0x3c: {  	p2 =	seq.s32 s10, $0x1;
	s10 =	sld [smem:$0x3FBB]  }
0x3d: {  	_ =	shalt  }
0x3e: {  	_ =	shalt  }
0x3f: {  	_ =	shalt  }
0x40: {  	_ =	shalt  }
0x41: {  	_ =	shalt  }
0x42: {  	_ =	shalt  }
0x43: {  	_ =	shalt  }
0x44: {  	_ =	shalt  }
0x45: {  	_ =	shalt  }
0x46: {  	_ =	shalt  }
0x47: {  	_ =	shalt  }
0x48: {  	_ =	shalt  }
0x49: {  	_ =	shalt  }
0x4a: {  	_ =	shalt  }
0x4b: {  	_ =	shalt  }
0x4c: {  	_ =	shalt  }
0x4d: {  	_ =	shalt  }
0x4e: {  	_ =	shalt  }
0x4f: {  	_ =	shalt  }
0x50: {  	_ =	shalt  }
0x51: {  	_ =	shalt  }
0x52: {  	_ =	shalt  }
0x53: {  	_ =	shalt  }
0x54: {  	_ =	shalt  }
0x55: {  	_ =	shalt  }
0x56: {  	_ =	shalt  }
0x57: {  	_ =	shalt  }
0x58: {  	_ =	shalt  }
0x59: {  	_ =	shalt  }
0x5a: {  	_ =	shalt  }
0x5b: {  	_ =	shalt  }
0x5c: {  	_ =	shalt  }
0x5d: {  	_ =	shalt  }
0x5e: {  	_ =	shalt  }
0x5f: {  	_ =	shalt  }
0x60: {  	_ =	shalt  }
0x61: {  	_ =	shalt  }
0x62: {  	_ =	shalt  }
0x63: {  	_ =	shalt  }
0x64: {  	_ =	shalt  }
0x65: {  	_ =	shalt  }
0x66: {  	_ =	shalt  }
0x67: {  	_ =	shalt  }
0x68: {  	_ =	shalt  }
0x69: {  	_ =	shalt  }
0x6a: {  	_ =	shalt  }
0x6b: {  	_ =	shalt  }
0x6c: {  	_ =	shalt  }
0x6d: {  	_ =	shalt  }
0x6e: {  	_ =	shalt  }
0x6f: {  	_ =	shalt  }
0x70: {  	_ =	shalt  }
0x71: {  	_ =	shalt  }
0x72: {  	_ =	shalt  }
0x73: {  	_ =	shalt  }
0x74: {  	_ =	shalt  }
0x75: {  	_ =	shalt  }
0x76: {  	_ =	shalt  }
0x77: {  	_ =	shalt  }
0x78: {  	_ =	shalt  }
0x79: {  	_ =	shalt  }
0x7a: {  	_ =	shalt  }
0x7b: {  	_ =	shalt  }
0x7c: {  	_ =	shalt  }
0x7d: {  	_ =	shalt  }
0x7e: {  	_ =	shalt  }
0x7f: {  	_ =	shalt  }
0x80: {  	_ =	shalt  }
0x81: {  	_ =	shalt  }
0x82: {  	_ =	shalt  }
0x83: {  	_ =	shalt  }
0x84: {  	_ =	shalt  }
0x85: {  	_ =	shalt  }
0x86: {  	_ =	shalt  }
0x87: {  	_ =	shalt  }
.Lfunc_end0:
.L_simem_size_0:
called_computation_lowered:
.L_overlay_start_0:
0x88: {  	s2 =	sld [smem:$0x3FD9]  }
0x89: {  	s3 =	sld [smem:$0x3FFE];
	_ =	sdelay $0x1  }
0x8a: {  	s1 =	srdreg.scid  }
0x8b: {  	s0 =	sand.u32 $0x1, s1  }
0x8c: {  	s17 =	sshll.u32 s0, $0xA;
	s2 =	sadd.s32 s3, s2  }
0x8d: {  	s2 =	sadd.s32 s2, s17  }
0x8e: {  	[smem:$0x3FC7] =	sst s2  }
0x8f: {  	_ = 	snop  }
0x90: {  	s2 =	sld [smem:$0x3FD0];
	(tm) =	ssettm $0x1  }
0x91: {  	s18 =	sld [smem:$0x3FFB];
	_ =	sdelay $0x3  }
0x92: {  	_ =	strace s18  }
0x93: {  	s3 =	sld [smem:$0x3FFC];
	_ =	sdelay $0x3  }
0x94: {  	_ =	strace s3  }
0x95: {  	s3 =	sld [smem:$0x3FFD];
	_ =	sdelay $0x3  }
0x96: {  	_ =	strace s3  }
0x97: {  	_ =	strace $0x8FFFFFFF  }
0x98: {  	s19 =	sld [smem:$0x3FDB];
	_ =	sdelay $0x1  }
0x99: {  	s4 =	simm.s32 $_scs_section_size  }
0x9a: {  	s5 =	simm.s32 $_size__tile_overlayer_lowered;
	s6 =	simm.s32 $_tile_overlayer_lowered  }
0x9b: {  	s22 =	simm.s32 $0x1BFF;
	s21 =	sshll.u32 s6, $0x1;
	s3 =	sadd.s32 s4, s19  }
0x9c: {  	s7 =	simm.s32 $0x0;
	s20 =	sshll.u32 s5, $0x1;
	s5 =	sadd.s32 s21, s3  }
0x9d: {  	[timem:s7], [sflag:s22] =	dma.local [hbm:s5], s20  }
0x9e: {  	_ =	swait.ge [sflag:s22], s20  }
0x9f: {  	s4 =	ssub.s32 $0x0, s20;
	[sflag:s22] =	ssyncset.done $0x0  }
0xa0: {  	[sflag:s22] =	ssyncadd.s32 s4;
	_ =	sdelay $0x1  }
0xa1: {  	s23 =	simm.s32 $0x1B8B  }
0xa2: {  	_ =	swait.ge [sflag:s23], $0x1  }
0xa3: {  	[sflag:s23] =	ssyncset.done $0x0  }
0xa4: {  	s25 =	simm.s32 $0x1B8E;
	s24 =	sld [smem:$0x3FFE];
	[sflag:s23] =	ssyncadd.s32 $0xFFFFFFFF  }
0xa5: {  	s26 =	simm.s32 $execute0_lowered;
	[smem:$0x3FD2] =	sst s25  }
0xa6: {  	s5 =	sshll.u32 s26, $0x1;
	_ =	strace $0x80000046;
	[dreg:$0x1] =	wrdreg $0xFFFFFFFF  }
0xa7: {  	s28 =	simm.s32 $_size_execute0_lowered;
	s3 =	sadd.s32 s3, s5;
	[dreg:$0x0] =	wrdreg $0x0  }
0xa8: {  	s5 =	sshll.u32 s28, $0x1;
	[dreg:$0x2] =	wrdreg s3  }
0xa9: {  	[dreg:$0x3] =	wrdreg s5  }
0xaa: {  	[dreg:$0x4] =	wrdreg $0xC0  }
0xab: {  	_ =	task [dreg:s7], $0x5FFFF  }
0xac: {  	[dreg:$0x1] =	wrdreg $0xFFFFFFFF  }
0xad: {  	[dreg:$0x0] =	wrdreg $0x60  }
0xae: {  	[dreg:$0x2] =	wrdreg s24  }
0xaf: {  	[dreg:$0x3] =	wrdreg s2  }
0xb0: {  	[dreg:$0x4] =	wrdreg $0x9  }
0xb1: {  	_ =	task.clear_ibuf [dreg:s7], $0x5FFFF;
	_ =	strace $0x90000046  }
0xb2: {  	s29 =	simm.s32 $0x9;
	_ =	strace $0x80000048  }
0xb3: {  	_ =	swait.ge [sflag:s29], $0x1  }
0xb4: {  	[sflag:s29] =	ssyncadd.s32 $0xFFFFFFFF  }
0xb5: {  	_ =	strace $0x90000048  }
0xb6: {  	_ =	sfence  }
0xb7: {  	s30 =	sld [smem:$0x0];
	_ =	sdelay $0x2  }
0xb8: {  	s31 =	sshll.u32 s1, $0xD;
	s1 =	sshrl.u32 s1, $0x2  }
0xb9: {  	s3 =	sand.u32 $0x4000, s31;
	s1 =	sadd.s32 s1, s30  }
0xba: {  	s0 =	sor.u32 s3, s0;
	s1 =	sshll.u32 s1, $0x11  }
0xbb: {  	s0 =	sor.u32 s1, s0  }
0xbc: {  	s0 =	sadd.s32 $0x8F2B, s0  }
0xbd: {  	[sflag:s0] =	ssyncadd.remote.s32 $0x1  }
0xbe: {  	_ =	sfence.sel $0xFFFF  }
0xbf: {  	[dreg:$0x0] =	wrdreg $0xFFFFFFFF;
	(pc) =	sbr.abs _section_cstart, $3  }
0xc0: {  	[dreg:$0x1] =	wrdreg $0xFFFFFFFF  }
0xc1: {  	_ =	task.clear_ibuf [dreg:s7], $0x2FFFF;
	_ =	strace $0x9FFFFFFF  }
0xc2: {  	(tm) =	ssettm $0x7FFFFFFF  }
0xc3: {  	_ =	shalt  }
tec
execute0_lowered:
.L_overlay_start_1:
0x0: {  	(tag) =	ssettag $0x1  }
0x1: {  	s6 =	rddreg [dreg:$0x0]  }
0x2: {  	s1 =	rddreg [dreg:$0x1]  }
0x3: {  	s0 =	rddreg [dreg:$0x2]  }
0x4: {  	s2 =	simm.s32 $0x0;
	s4 =	srdreg.scid;
	s11 =	simm.s32 $0x1800  }
0x5: {  	s12 =	simm.s32 $0x1880;
	s13 =	simm.s32 $0x0;
	[smem:$0x7FF] =	sst s2  }
0x6: {  	s3 =	sadd.s32 $0xBC800, s6;
	s7 =	sand.u32 $0x1, s4;
	s5 =	sadd.s32 $0xB4800, s6  }
0x7: {  	s4 =	stileid.u32;
	s6 =	sadd.s32 $0xC4800, s6;
	s8 =	ssub.s32 $0x2, s7  }
0x8: {  	s10 =	sshll.u32 s4, $0x4;
	s7 =	sshll.u32 s7, $0x3;
	s9 =	sshrl.u32 s8, $0x1  }
0x9: {  	vm0 =	vmmov $0x1;
	v2 =	vlaneseq.u32;
	v43 =	vimm.s32 $0x0;
	_ =	strace $0x80000047;
	s7 =	sor.u32 s7, s10;
	s8 =	ssub.s32 s8, s9  }
0xa: {  	vm14 =	vcmask $0x373C;
	vm15 =	vmmov $0x7fff;
	v31 =	vimm.f32 $0.0e+00;
	s10 =	simm.s32 $0x400;
	s9 =	simm.s32 $0x1;
	s8 =	smax.u32 s8, $0x1  }
.LBB2_1:
0xb: {  	s14 =	simm.s32 $0x0  }
.LBB2_2:
0xc: {  	s15 =	sadd.s32 s7, s14  }
0xd: {  	s16 =	sshll.u32 s15, $0x7  }
0xe: {  	s18 =	simm.s32 $0x0;
	s17 =	sadd.s32 s3, s16  }
0xf: {  	[tilespmem:s18], [sflag:$0x1] =	stream.linear.gather [hbm4b:s17+s18], $0x400, $0x38;
	[tilespmem:$0x1900] =	vst v63  }
0x10: {  	_ =	swait.ge [sflag:s9], $0x400  }
0x11: {  	[sflag:s9] =	ssyncset.done $0x0  }
0x12: {  	s16 =	sadd.s32 s5, s16;
	[sflag:s9] =	ssyncadd.s32 $0xFFFFFC00  }
0x13: {  	[tilespmem:s10], [sflag:$0x1] =	stream.linear.gather [hbm4b:s16+s18], $0x400, $0x38;
	[tilespmem:$0x1900] =	vst v63  }
0x14: {  	_ =	swait.ge [sflag:s9], $0x400  }
0x15: {  	s31 =	sshll.u32 s15, $0x1;
	[sflag:s9] =	ssyncset.done $0x0  }
0x16: {  	s16 =	sadd.s32 s1, s31;
	[sflag:s9] =	ssyncadd.s32 $0xFFFFFC00  }
0x17: {  	[tilespmem:s11], [sflag:$0x1] =	stream.linear.gather [hbm4b:s16+s18], $0x10, $0x38;
	[tilespmem:$0x1900] =	vst v63  }
0x18: {  	_ =	swait.ge [sflag:s9], $0x10  }
0x19: {  	[sflag:s9] =	ssyncset.done $0x0  }
0x1a: {  	s16 =	simm.s32 $0x0;
	[sflag:s9] =	ssyncadd.s32 $0xFFFFFFF0  }
0x1b: {  	v0 =	vld [tilespmem:s16+$0x400]  }
0x1c: {  	v1 =	vld [tilespmem:s16+$0x0];
	_ =	sdelay $0x3  }
0x1d: {  	v3 =	vand.u32 $0x7FFFFFFF, v0;
	v4 =	vmul.f32 v0, v0  }
0x1e: {  	v5 =	vand.u32 $0x80000000, v1;
	v6 =	vand.u32 $0x7FFFFFFF, v1;
	v7 =	vadd.f32 $5.000000000e-01, v3  }
0x1f: {  	v13 =	vand.u32 $0x80000000, v0;
	vm1 =	vlt.f32 v0, $0.0e+00;
	v10 =	vshrl.u32 v3, $0xD  }
0x20: {  	v8 =	vshrl.u32 v6, $0xD;
	v10 =	vand.u32 $0x1, v10;
	v7 =	vadd.f32 $-5.000000000e-01, v7  }
0x21: {  	v9 =	vadd.f32 $5.000000000e-01, v6;
	v8 =	vand.u32 $0x1, v8;
	v10 =	vadd.s32 v10, v3  }
0x22: {  	s17 =	simm.s32 $0x10;
	v8 =	vadd.s32 v8, v6;
	v10 =	vadd.s32 $0xFFF, v10;
	v11 =	vsub.f32 $0.0e+00, v7  }
0x23: {  	v12 =	vld [tilespmem:s17+$0x400];
	v9 =	vadd.f32 $-5.000000000e-01, v9;
	v8 =	vadd.s32 $0xFFF, v8;
	v10 =	vand.u32 $0xFFFFE000, v10  }
0x24: {  	v0 =	vor.u32 v13, v10;
	v7 =	vsel vm1, v11, v7;
	vm1 =	vge.f32 v3, $6.103515630e-05  }
0x25: {  	v3 =	vand.u32 $0xFFFFE000, v8;
	v8 =	vsub.f32 $0.0e+00, v9;
	v7 =	vsel vm1, v0, v7  }
0x26: {  	v3 =	vor.u32 v5, v3;
	vm1 =	vlt.f32 v1, $0.0e+00;
	v1 =	vmul.f32 v1, v1  }
0x27: {  	v0 =	vshrl.u32 v7, $0x10;
	v5 =	vsel vm1, v8, v9;
	vm1 =	vge.f32 v6, $6.103515630e-05  }
0x28: {  	v6 =	vand.u32 $0x7FFFFFFF, v12;
	v8 =	vand.u32 $0x1, v0;
	v3 =	vsel vm1, v3, v5  }
0x29: {  	v0 =	vld [tilespmem:s17+$0x0];
	v5 =	vadd.f32 $5.000000000e-01, v6;
	v9 =	vadd.f32 v4, v1;
	v1 =	vmul.f32 v12, v12  }
0x2a: {  	v10 =	vshrl.u32 v6, $0xD;
	vm1 =	vlt.f32 v12, $0.0e+00;
	v12 =	vand.u32 $0x80000000, v12  }
0x2b: {  	v7 =	vadd.s32 v8, v7;
	v8 =	vshrl.u32 v3, $0x10;
	v5 =	vadd.f32 $-5.000000000e-01, v5  }
0x2c: {  	v10 =	vand.u32 $0x1, v10;
	v7 =	vadd.s32 $0x7FFF, v7;
	v8 =	vand.u32 $0x1, v8  }
0x2d: {  	v10 =	vadd.s32 v10, v6;
	v3 =	vadd.s32 v8, v3;
	v8 =	vsub.f32 $0.0e+00, v5  }
0x2e: {  	v7 =	vand.u32 $0xFFFF0000, v7;
	v10 =	vadd.s32 $0xFFF, v10;
	v4 =	vand.u32 $0x7FFFFFFF, v0  }
0x2f: {  	v11 =	vshrl.u32 v4, $0xD;
	v8 =	vsel vm1, v8, v5;
	v5 =	vadd.f32 $5.000000000e-01, v4  }
0x30: {  	v3 =	vadd.s32 $0x7FFF, v3;
	v10 =	vand.u32 $0xFFFFE000, v10;
	v11 =	vand.u32 $0x1, v11  }
0x31: {  	v63 =	vand.u32 $0x80000000, v0;
	v11 =	vadd.s32 v11, v4;
	v5 =	vadd.f32 $-5.000000000e-01, v5  }
0x32: {  	v10 =	vor.u32 v12, v10;
	vm1 =	vge.f32 v6, $6.103515630e-05;
	v11 =	vadd.s32 $0xFFF, v11  }
0x33: {  	[tilespmem:s16+$0xC00] =	vst v7;
	v6 =	vsel vm1, v10, v8;
	v11 =	vand.u32 $0xFFFFE000, v11;
	v7 =	vsub.f32 $0.0e+00, v5  }
0x34: {  	s19 =	simm.s32 $0xC0;
	s18 =	simm.s32 $0x20;
	[tilespmem:s16+$0x1000] =	vst v9;
	vm1 =	vlt.f32 v0, $0.0e+00;
	v9 =	vshrl.u32 v6, $0x10;
	v8 =	vor.u32 v63, v11  }
.LBB2_3:
0x35: {  	p0 =	sne.s32 s19, $0xFC0;
	v10 =	vld [tilespmem:s18+$0x400];
	v5 =	vsel vm1, v7, v5;
	vm1 =	vge.f32 v4, $6.103515630e-05;
	v4 =	vand.u32 $0x1, v9  }
0x36: {  	v5 =	vsel vm1, v8, v5;
	v4 =	vadd.s32 v4, v6;
	v6 =	vmul.f32 v0, v0;
	v0 =	vld [tilespmem:s18+$0x0]  }
0x37: {  	v3 =	vand.u32 $0xFFFF0000, v3;
	v7 =	vshrl.u32 v5, $0x10;
	v4 =	vadd.s32 $0x7FFF, v4  }
0x38: {  	v7 =	vand.u32 $0x1, v7;
	v4 =	vand.u32 $0xFFFF0000, v4;
	v6 =	vadd.f32 v1, v6;
	[tilespmem:s16+$0x800] =	vst v3;
	s16 =	smov.u32 s17;
	s17 =	smov.u32 s18  }
0x39: {  	v3 =	vadd.s32 v7, v5;
	[tilespmem:s16+$0xC00] =	vst v4  }
0x3a: {  	v7 =	vand.u32 $0x7FFFFFFF, v10;
	v1 =	vmul.f32 v10, v10;
	v3 =	vadd.s32 $0x7FFF, v3;
	[tilespmem:s16+$0x1000] =	vst v6  }
0x3b: {  	v8 =	vand.u32 $0x80000000, v0;
	v4 =	vand.u32 $0x7FFFFFFF, v0;
	v5 =	vadd.f32 $5.000000000e-01, v7  }
0x3c: {  	v11 =	vshrl.u32 v7, $0xD;
	v6 =	vshrl.u32 v4, $0xD;
	v9 =	vadd.f32 $5.000000000e-01, v4  }
0x3d: {  	v11 =	vand.u32 $0x1, v11;
	v6 =	vand.u32 $0x1, v6;
	v12 =	vadd.f32 $-5.000000000e-01, v5  }
0x3e: {  	v6 =	vadd.s32 v6, v4;
	v5 =	vadd.f32 $-5.000000000e-01, v9;
	v9 =	vadd.s32 v11, v7  }
.Ltmp0:
0x3f: {  	v6 =	vadd.s32 $0xFFF, v6;
	v9 =	vadd.s32 $0xFFF, v9;
	v11 =	vsub.f32 $0.0e+00, v12;
	(pc) =	sbr.rel @p0 .LBB2_3-.Ltmp0, $4  }
0x40: {  	v13 =	vand.u32 $0x80000000, v10;
	vm1 =	vlt.f32 v10, $0.0e+00;
	v9 =	vand.u32 $0xFFFFE000, v9  }
0x41: {  	v9 =	vor.u32 v13, v9;
	v10 =	vsel vm1, v11, v12;
	vm1 =	vge.f32 v7, $6.103515630e-05  }
0x42: {  	v11 =	vand.u32 $0xFFFFE000, v6;
	v7 =	vsub.f32 $0.0e+00, v5;
	v6 =	vsel vm1, v9, v10  }
0x43: {  	s18 =	sshra.s32 s19, $0x2;
	s19 =	sadd.s32 $0x40, s19;
	v8 =	vor.u32 v8, v11;
	vm1 =	vlt.f32 v0, $0.0e+00;
	v9 =	vshrl.u32 v6, $0x10  }
0x44: {  	v10 =	vld [tilespmem:s18+$0x400]  }
0x45: {  	v5 =	vsel vm1, v7, v5;
	vm1 =	vge.f32 v4, $6.103515630e-05;
	v7 =	vld [tilespmem:s18+$0x0]  }
0x46: {  	v4 =	vand.u32 $0x1, v9;
	v0 =	vmul.f32 v0, v0;
	v5 =	vsel vm1, v8, v5  }
0x47: {  	v3 =	vand.u32 $0xFFFF0000, v3;
	v4 =	vadd.s32 v4, v6;
	v6 =	vshrl.u32 v5, $0x10  }
0x48: {  	v4 =	vadd.s32 $0x7FFF, v4;
	v0 =	vadd.f32 v1, v0;
	v6 =	vand.u32 $0x1, v6  }
0x49: {  	v4 =	vand.u32 $0xFFFF0000, v4;
	v1 =	vadd.s32 v6, v5;
	v5 =	vand.u32 $0x7FFFFFFF, v10  }
0x4a: {  	v6 =	vmul.f32 v10, v10;
	v8 =	vand.u32 $0x7FFFFFFF, v7;
	v9 =	vadd.f32 $5.000000000e-01, v5  }
0x4b: {  	v14 =	vand.u32 $0x80000000, v7;
	v16 =	vand.u32 $0x80000000, v10;
	v13 =	vshrl.u32 v5, $0xD  }
0x4c: {  	vm1 =	vlt.f32 v10, $0.0e+00;
	v13 =	vand.u32 $0x1, v13;
	v9 =	vadd.f32 $-5.000000000e-01, v9  }
0x4d: {  	v11 =	vshrl.u32 v8, $0xD;
	v12 =	vadd.f32 $5.000000000e-01, v8;
	v13 =	vadd.s32 v13, v5  }
0x4e: {  	v11 =	vand.u32 $0x1, v11;
	v13 =	vadd.s32 $0xFFF, v13;
	v15 =	vsub.f32 $0.0e+00, v9  }
0x4f: {  	v11 =	vadd.s32 v11, v8;
	v12 =	vadd.f32 $-5.000000000e-01, v12;
	v13 =	vand.u32 $0xFFFFE000, v13  }
0x50: {  	v10 =	vadd.s32 $0xFFF, v11;
	v11 =	vor.u32 v16, v13;
	v9 =	vsel vm1, v15, v9  }
0x51: {  	vm1 =	vge.f32 v5, $6.103515630e-05;
	v5 =	vand.u32 $0xFFFFE000, v10;
	v10 =	vsub.f32 $0.0e+00, v12  }
0x52: {  	v9 =	vsel vm1, v11, v9;
	v5 =	vor.u32 v14, v5;
	vm1 =	vlt.f32 v7, $0.0e+00  }
0x53: {  	v11 =	vshrl.u32 v9, $0x10;
	v10 =	vsel vm1, v10, v12;
	vm1 =	vge.f32 v8, $6.103515630e-05  }
0x54: {  	[tilespmem:s16+$0x800] =	vst v3;
	v1 =	vadd.s32 $0x7FFF, v1;
	v3 =	vand.u32 $0x1, v11;
	v5 =	vsel vm1, v5, v10  }
0x55: {  	[tilespmem:s17+$0xC00] =	vst v4;
	v4 =	vmul.f32 v7, v7;
	v3 =	vadd.s32 v3, v9;
	v7 =	vshrl.u32 v5, $0x10  }
0x56: {  	[tilespmem:s17+$0x1000] =	vst v0;
	v1 =	vand.u32 $0xFFFF0000, v1;
	v0 =	vadd.s32 $0x7FFF, v3;
	v3 =	vand.u32 $0x1, v7  }
0x57: {  	v4 =	vadd.f32 v6, v4;
	[tilespmem:s17+$0x800] =	vst v1;
	v0 =	vand.u32 $0xFFFF0000, v0;
	v1 =	vadd.s32 v3, v5  }
0x58: {  	[tilespmem:s18+$0xC00] =	vst v0;
	v0 =	vadd.s32 $0x7FFF, v1  }
0x59: {  	[tilespmem:s18+$0x1000] =	vst v4;
	v0 =	vand.u32 $0xFFFF0000, v0  }
0x5a: {  	[tilespmem:s18+$0x800] =	vst v0  }
0x5b: {  	v1 =	vld [tilespmem:$0x0]  }
0x5c: {  	v0 =	vld [tilespmem:$0x400];
	_ =	sdelay $0x3  }
0x5d: {  	(v2sf) =	vpush v1, $0x0  }
0x5e: {  	(v2sf) =	vpush v0, $0x0;
	_ =	sdelay $0x8  }
0x5f: {  	v6 =	vld.msk [tilespmem:$0x800 ss:$0x0], $0xffff  }
0x60: {  	s16 =	simm.s32 $0x0;
	v7 =	vld.msk [tilespmem:$0xC00 ss:$0x0], $0xffff  }
0x61: {  	v3 =	vld [tilespmem:s16+$0x800]  }
0x62: {  	v4 =	vld [tilespmem:s16+$0xC00];
	_ =	sdelay $0x1  }
0x63: {  	s30 =	spop (v2sf)  }
0x64: {  	s31 =	spop (v2sf);
	s17 =	smul.f32 s30, s30  }
0x65: {  	v5 =	vld [tilespmem:s16+$0x1000];
	s18 =	smul.f32 s31, s31  }
0x66: {  	v3 =	vmul.f32 v3, v6;
	v4 =	vmul.f32 v4, v7  }
0x67: {  	s17 =	sadd.f32 s18, s17  }
0x68: {  	v3 =	vadd.f32 v4, v3  }
0x69: {  	v8 =	vmov s17  }
0x6a: {  	v3 =	vadd.f32 v3, v3;
	v4 =	vadd.f32 v5, v8  }
0x6b: {  	s17 =	simm.s32 $0x10  }
0x6c: {  	v5 =	vld [tilespmem:s17+$0x800];
	v3 =	vsub.f32 v4, v3  }
0x6d: {  	v4 =	vld [tilespmem:s17+$0xC00]  }
0x6e: {  	v12 =	vmax.f32 v3, $0.0e+00  }
0x6f: {  	v3 =	vshrl.u32 v12, $0x1  }
0x70: {  	v3 =	vadd.s32 $0x1FBD1DF5, v3  }
0x71: {  	v9 =	vld [tilespmem:s17+$0x1000];
	(erf) = vrcp.f32 v3  }
0x72: {  	v5 =	vmul.f32 v5, v6;
	v4 =	vmul.f32 v4, v7;
	_ =	sdelay $0x1  }
0x73: {  	v4 =	vadd.f32 v4, v5;
	_ =	sdelay $0x1  }
0x74: {  	v5 =	vadd.f32 v9, v8;
	v4 =	vadd.f32 v4, v4  }
0x75: {  	s18 =	simm.s32 $0x20  }
0x76: {  	v10 =	vld [tilespmem:s18+$0xC00];
	v4 =	vsub.f32 v5, v4  }
0x77: {  	v9 =	vld [tilespmem:s18+$0x800]  }
0x78: {  	v5 =	vmax.f32 v4, $0.0e+00;
	v11 =	vpop (erf)  }
0x79: {  	v4 =	vmul.f32 v11, v12;
	v11 =	vshrl.u32 v5, $0x1  }
0x7a: {  	v11 =	vadd.s32 $0x1FBD1DF5, v11  }
0x7b: {  	v13 =	vld [tilespmem:s18+$0x1000];
	(erf) = vrcp.f32 v11  }
0x7c: {  	v10 =	vmul.f32 v10, v7;
	v9 =	vmul.f32 v9, v6;
	v3 =	vadd.f32 v3, v4;
	_ =	sdelay $0x1  }
0x7d: {  	v4 =	vadd.f32 v10, v9;
	v9 =	vmul.f32 $5.000000000e-01, v3;
	_ =	sdelay $0x1  }
0x7e: {  	v3 =	vadd.f32 v13, v8;
	v4 =	vadd.f32 v4, v4;
	(erf) = vrcp.f32 v9;
	_ =	sdelay $0x1  }
0x7f: {  	s19 =	simm.s32 $0x30;
	v3 =	vsub.f32 v3, v4  }
0x80: {  	v10 =	vld [tilespmem:s19+$0xC00]  }
0x81: {  	v4 =	vld [tilespmem:s19+$0x800];
	v3 =	vmax.f32 v3, $0.0e+00;
	v13 =	vpop (erf)  }
0x82: {  	v14 =	vshrl.u32 v3, $0x1;
	v13 =	vmul.f32 v13, v5  }
0x83: {  	v14 =	vadd.s32 $0x1FBD1DF5, v14  }
0x84: {  	(erf) = vrcp.f32 v14  }
0x85: {  	v15 =	vld [tilespmem:s19+$0x1000];
	v11 =	vadd.f32 v11, v13  }
0x86: {  	v10 =	vmul.f32 v10, v7;
	v4 =	vmul.f32 v4, v6;
	v13 =	vpop (erf)  }
0x87: {  	v16 =	vmul.f32 $5.000000000e-01, v11;
	v13 =	vmul.f32 v13, v12  }
0x88: {  	v4 =	vadd.f32 v10, v4  }
0x89: {  	(erf) = vrcp.f32 v16;
	v9 =	vadd.f32 v13, v9  }
0x8a: {  	v10 =	vadd.f32 v15, v8;
	v4 =	vadd.f32 v4, v4  }
0x8b: {  	s20 =	simm.s32 $0x40;
	v9 =	vmul.f32 $5.000000000e-01, v9  }
0x8c: {  	v4 =	vsub.f32 v10, v4;
	v10 =	vld [tilespmem:s20+$0x800]  }
0x8d: {  	v13 =	vld [tilespmem:s20+$0xC00];
	v11 =	vpop (erf);
	(erf) = vrcp.f32 v9  }
0x8e: {  	v4 =	vmax.f32 v4, $0.0e+00;
	v11 =	vmul.f32 v11, v3  }
0x8f: {  	v15 =	vshrl.u32 v4, $0x1  }
0x90: {  	v17 =	vadd.s32 $0x1FBD1DF5, v15;
	v11 =	vadd.f32 v14, v11  }
0x91: {  	v10 =	vmul.f32 v10, v6;
	v14 =	vld [tilespmem:s20+$0x1000];
	(erf) = vrcp.f32 v17  }
0x92: {  	v13 =	vmul.f32 v13, v7;
	v11 =	vmul.f32 $5.000000000e-01, v11;
	v15 =	vpop (erf)  }
0x93: {  	s21 =	simm.s32 $0x50;
	v15 =	vmul.f32 v15, v5  }
0x94: {  	v18 =	vld [tilespmem:s21+$0x800];
	v10 =	vadd.f32 v13, v10;
	(erf) = vrcp.f32 v11  }
0x95: {  	v13 =	vadd.f32 v15, v16;
	v15 =	vld [tilespmem:s21+$0xC00]  }
0x96: {  	v14 =	vadd.f32 v14, v8;
	v19 =	vadd.f32 v10, v10;
	v16 =	vpop (erf)  }
0x97: {  	v10 =	vmul.f32 $5.000000000e-01, v13;
	v13 =	vmul.f32 v16, v12  }
0x98: {  	v14 =	vsub.f32 v14, v19  }
0x99: {  	(erf) = vrcp.f32 v10;
	v13 =	vadd.f32 v13, v9  }
0x9a: {  	v16 =	vmul.f32 v18, v6;
	v18 =	vpop (erf);
	v15 =	vmul.f32 v15, v7;
	v9 =	vmax.f32 v14, $0.0e+00;
	v14 =	vld [tilespmem:s21+$0x1000]  }
0x9b: {  	v18 =	vmul.f32 v18, v4;
	v13 =	vmul.f32 $5.000000000e-01, v13  }
0x9c: {  	vm1 =	vgt.f32 v12, $0.0e+00;
	v15 =	vadd.f32 v15, v16;
	v16 =	vshrl.u32 v9, $0x1  }
0x9d: {  	s22 =	simm.s32 $0x180;
	v12 =	vadd.s32 $0x1FBD1DF5, v16;
	v16 =	vadd.f32 v17, v18;
	v17 =	vpop (erf);
	v13 =	vnsel vm1, $0x0, v13  }
.LBB2_5:
0x9e: {  	p0 =	sne.s32 s22, $0xFC0;
	(erf) = vrcp.f32 v12;
	v17 =	vmul.f32 v17, v3;
	v18 =	vand.u32 $0x7FFFFFFF, v13;
	v19 =	vmovc v4;
	v4 =	vmovc v9  }
0x9f: {  	v9 =	vadd.f32 v14, v8;
	v14 =	vmul.f32 $5.000000000e-01, v16;
	v16 =	vadd.f32 $5.000000000e-01, v18  }
0xa0: {  	s23 =	sshra.s32 s22, $0x2;
	v23 =	vadd.f32 v15, v15;
	v22 =	vshrl.u32 v18, $0xD;
	v17 =	vadd.f32 v17, v11  }
0xa1: {  	v21 =	vand.u32 $0x1, v22;
	v20 =	vld [tilespmem:s23+$0x800];
	(erf) = vrcp.f32 v14;
	v16 =	vadd.f32 $-5.000000000e-01, v16;
	v11 =	vmovc v14  }
0xa2: {  	v9 =	vsub.f32 v9, v23;
	v22 =	vld [tilespmem:s23+$0xC00];
	v14 =	vmul.f32 $5.000000000e-01, v17;
	v15 =	vpop (erf);
	v17 =	vadd.s32 v21, v18  }
0xa3: {  	v15 =	vmul.f32 v15, v5;
	v17 =	vadd.s32 $0xFFF, v17;
	v21 =	vsub.f32 $0.0e+00, v16  }
0xa4: {  	vm1 =	vlt.f32 v13, $0.0e+00;
	v23 =	vand.u32 $0x80000000, v13;
	v17 =	vand.u32 $0xFFFFE000, v17  }
0xa5: {  	v13 =	vor.u32 v23, v17;
	v16 =	vsel vm1, v21, v16;
	vm1 =	vge.f32 v18, $6.103515630e-05  }
.Ltmp1:
0xa6: {  	v15 =	vadd.f32 v15, v10;
	v10 =	vmovc v14;
	(erf) = vrcp.f32 v14;
	v13 =	vsel vm1, v13, v16;
	(pc) =	sbr.rel @p0 .LBB2_5-.Ltmp1, $4  }
0xa7: {  	v16 =	vmul.f32 v20, v6;
	v14 =	vld [tilespmem:s23+$0x1000];
	v21 =	vmul.f32 v22, v7;
	v18 =	vpop (erf);
	[tilespmem:s16+$0x1400] =	vst v13;
	s16 =	smov.u32 s17;
	s17 =	smov.u32 s18;
	s18 =	smov.u32 s19  }
0xa8: {  	v9 =	vmax.f32 v9, $0.0e+00;
	s19 =	smov.u32 s20;
	s20 =	smov.u32 s21;
	s21 =	smov.u32 s23;
	v13 =	vmul.f32 v18, v4;
	v18 =	vmul.f32 $5.000000000e-01, v15  }
0xa9: {  	v20 =	vshrl.u32 v9, $0x1;
	vm1 =	vgt.f32 v5, $0.0e+00;
	v5 =	vmovc v3;
	v3 =	vmovc v19;
	v15 =	vadd.f32 v21, v16  }
0xaa: {  	s22 =	sadd.s32 $0x40, s22;
	v16 =	vadd.f32 v12, v13;
	v12 =	vadd.s32 $0x1FBD1DF5, v20;
	v17 =	vpop (erf);
	v13 =	vnsel vm1, $0x0, v18  }
0xab: {  	(erf) = vrcp.f32 v12  }
0xac: {  	v6 =	vmul.f32 v17, v3;
	v42 =	vadd.f32 v15, v15;
	v7 =	vadd.f32 v14, v8;
	_ =	sdelay $0x1  }
0xad: {  	v6 =	vadd.f32 v6, v11;
	v7 =	vsub.f32 v7, v42  }
0xae: {  	v44 =	vmul.f32 $5.000000000e-01, v16  }
0xaf: {  	v6 =	vmul.f32 $5.000000000e-01, v6;
	v7 =	vmax.f32 v7, $0.0e+00  }
0xb0: {  	(erf) = vrcp.f32 v44;
	v45 =	vshrl.u32 v7, $0x1  }
0xb1: {  	(erf) = vrcp.f32 v6;
	v11 =	vadd.s32 $0x1FBD1DF5, v45  }
0xb2: {  	v46 =	vpop (erf);
	(erf) = vrcp.f32 v11  }
0xb3: {  	v47 =	vpop (erf)  }
0xb4: {  	v15 =	vmul.f32 v47, v9  }
0xb5: {  	v52 =	vand.u32 $0x7FFFFFFF, v13;
	vm1 =	vlt.f32 v13, $0.0e+00;
	vm2 =	vgt.f32 v5, $0.0e+00  }
0xb6: {  	v56 =	vand.u32 $0x80000000, v13;
	v1 =	vadd.f32 $0.0e+00, v1;
	v48 =	vadd.f32 v12, v15  }
0xb7: {  	v0 =	vadd.f32 $0.0e+00, v0;
	v18 =	vshrl.u32 v52, $0xD;
	v14 =	vmul.f32 v46, v5  }
0xb8: {  	v53 =	vadd.f32 $5.000000000e-01, v52;
	v18 =	vand.u32 $0x1, v18;
	v12 =	vmul.f32 $5.000000000e-01, v48  }
0xb9: {  	v0 =	vbroadcast v0, $0x0;
	v18 =	vadd.s32 v18, v52;
	v10 =	vadd.f32 v14, v10;
	v49 =	vpop (erf)  }
0xba: {  	v1 =	vbroadcast v1, $0x0;
	v54 =	vadd.s32 $0xFFF, v18;
	v50 =	vpop (erf);
	(erf) = vrcp.f32 v12  }
0xbb: {  	vm3 =	vlt.f32 v0, $0.0e+00;
	v10 =	vmul.f32 $5.000000000e-01, v10;
	v15 =	vmul.f32 v49, v4;
	v51 =	vpop (erf)  }
0xbc: {  	v14 =	vand.u32 $0xFFFFE000, v54;
	v54 =	vand.u32 $0x7FFFFFFF, v1;
	v17 =	vmul.f32 v51, v7  }
0xbd: {  	v13 =	vor.u32 v56, v14;
	v10 =	vnsel vm2, $0x0, v10;
	v8 =	vadd.f32 v15, v44  }
0xbe: {  	v56 =	vadd.f32 $5.000000000e-01, v54;
	v58 =	vand.u32 $0x7FFFFFFF, v10;
	v11 =	vadd.f32 v11, v17  }
0xbf: {  	v21 =	vand.u32 $0x80000000, v10;
	v60 =	vshrl.u32 v58, $0xD;
	v8 =	vmul.f32 $5.000000000e-01, v8  }
0xc0: {  	vm2 =	vlt.f32 v10, $0.0e+00;
	v15 =	vand.u32 $0x1, v60;
	v11 =	vmul.f32 $5.000000000e-01, v11  }
0xc1: {  	v16 =	vmul.f32 v50, v3;
	(erf) = vrcp.f32 v8;
	v17 =	vadd.f32 $-5.000000000e-01, v53  }
0xc2: {  	v59 =	vadd.f32 $5.000000000e-01, v58;
	v15 =	vadd.s32 v15, v58;
	(erf) = vrcp.f32 v11  }
0xc3: {  	v63 =	vadd.s32 $0xFFF, v15;
	v6 =	vadd.f32 v16, v6;
	v55 =	vsub.f32 $0.0e+00, v17;
	v5 =	vpop (erf)  }
0xc4: {  	v60 =	vand.u32 $0x80000000, v1;
	v14 =	vand.u32 $0xFFFFE000, v63;
	v5 =	vmul.f32 v5, v9  }
0xc5: {  	v6 =	vmul.f32 $5.000000000e-01, v6;
	v57 =	vsel vm1, v55, v17;
	vm1 =	vge.f32 v52, $6.103515630e-05  }
0xc6: {  	v55 =	vshrl.u32 v54, $0xD;
	v13 =	vsel vm1, v13, v57;
	v5 =	vadd.f32 v5, v12  }
0xc7: {  	vm1 =	vgt.f32 v3, $0.0e+00;
	v3 =	vor.u32 v21, v14;
	v57 =	vand.u32 $0x1, v55  }
0xc8: {  	v6 =	vnsel vm1, $0x0, v6;
	vm1 =	vge.f32 v58, $6.103515630e-05;
	v5 =	vmul.f32 $5.000000000e-01, v5  }
0xc9: {  	v58 =	vadd.f32 $-5.000000000e-01, v56;
	v22 =	vand.u32 $0x7FFFFFFF, v6;
	v34 =	vand.u32 $0x80000000, v6  }
0xca: {  	v61 =	vpop (erf);
	v12 =	vadd.f32 $-5.000000000e-01, v59;
	v24 =	vadd.f32 $5.000000000e-01, v22;
	(erf) = vrcp.f32 v5  }
0xcb: {  	v25 =	vshrl.u32 v22, $0xD;
	v59 =	vand.u32 $0x7FFFFFFF, v0;
	v23 =	vmul.f32 v61, v4;
	v62 =	vpop (erf)  }
0xcc: {  	v61 =	vadd.f32 $5.000000000e-01, v59;
	v20 =	vsub.f32 $0.0e+00, v12;
	v16 =	vmul.f32 v62, v7  }
0xcd: {  	v63 =	vshrl.u32 v59, $0xD;
	v26 =	vadd.f32 $-5.000000000e-01, v24;
	v8 =	vadd.f32 v23, v8  }
0xce: {  	v15 =	vadd.f32 $-5.000000000e-01, v61;
	v12 =	vsel vm2, v20, v12;
	v11 =	vadd.f32 v16, v11  }
0xcf: {  	v33 =	vsub.f32 $0.0e+00, v26;
	vm2 =	vgt.f32 v7, $0.0e+00;
	v8 =	vmul.f32 $5.000000000e-01, v8  }
0xd0: {  	[tilespmem:s16+$0x1400] =	vst v13;
	v3 =	vsel vm1, v3, v12;
	vm1 =	vgt.f32 v4, $0.0e+00;
	v11 =	vmul.f32 $5.000000000e-01, v11  }
0xd1: {  	v62 =	vsub.f32 $0.0e+00, v58;
	[tilespmem:s17+$0x1400] =	vst v3;
	v3 =	vsub.f32 $0.0e+00, v15;
	v8 =	vnsel vm1, $0x0, v8  }
0xd2: {  	v16 =	vand.u32 $0x1, v25;
	v35 =	vand.u32 $0x7FFFFFFF, v8;
	(erf) = vrcp.f32 v11  }
0xd3: {  	vm1 =	vlt.f32 v6, $0.0e+00;
	v27 =	vadd.s32 v16, v22;
	v36 =	vadd.f32 $5.000000000e-01, v35;
	v4 =	vpop (erf)  }
0xd4: {  	v37 =	vshrl.u32 v35, $0xD;
	v32 =	vadd.s32 $0xFFF, v27;
	v4 =	vmul.f32 v4, v9  }
0xd5: {  	v42 =	vand.u32 $0x80000000, v8;
	v38 =	vand.u32 $0x1, v37;
	v12 =	vand.u32 $0xFFFFE000, v32  }
0xd6: {  	v39 =	vadd.f32 $-5.000000000e-01, v36;
	v10 =	vadd.s32 v38, v35;
	v4 =	vadd.f32 v4, v5  }
0xd7: {  	v6 =	vor.u32 v34, v12;
	v5 =	vsel vm1, v33, v26;
	vm1 =	vge.f32 v22, $6.103515630e-05  }
0xd8: {  	v5 =	vsel vm1, v6, v5;
	v6 =	vadd.s32 $0xFFF, v10;
	v4 =	vmul.f32 $5.000000000e-01, v4  }
0xd9: {  	v41 =	vsub.f32 $0.0e+00, v39;
	vm1 =	vgt.f32 v9, $0.0e+00;
	v6 =	vand.u32 $0xFFFFE000, v6  }
0xda: {  	[tilespmem:s18+$0x1400] =	vst v5;
	v5 =	vand.u32 $0x80000000, v0;
	v4 =	vnsel vm1, $0x0, v4;
	vm1 =	vlt.f32 v8, $0.0e+00  }
0xdb: {  	v6 =	vor.u32 v42, v6;
	v40 =	vpop (erf);
	v44 =	vand.u32 $0x7FFFFFFF, v4;
	v10 =	vsel vm1, v41, v39  }
0xdc: {  	vm1 =	vge.f32 v35, $6.103515630e-05;
	v48 =	vand.u32 $0x80000000, v4;
	v9 =	vmul.f32 v40, v7  }
0xdd: {  	v45 =	vadd.f32 $5.000000000e-01, v44;
	v46 =	vshrl.u32 v44, $0xD;
	v6 =	vsel vm1, v6, v10  }
0xde: {  	v10 =	vadd.s32 v57, v54;
	v9 =	vadd.f32 v9, v11;
	v11 =	vand.u32 $0x1, v46  }
0xdf: {  	v10 =	vadd.s32 $0xFFF, v10;
	v8 =	vadd.f32 $-5.000000000e-01, v45;
	v11 =	vadd.s32 v11, v44  }
0xe0: {  	v10 =	vand.u32 $0xFFFFE000, v10;
	v9 =	vmul.f32 $5.000000000e-01, v9;
	v7 =	vadd.s32 $0xFFF, v11  }
0xe1: {  	v10 =	vor.u32 v60, v10;
	v47 =	vsub.f32 $0.0e+00, v8;
	v7 =	vand.u32 $0xFFFFE000, v7  }
0xe2: {  	v9 =	vnsel vm2, $0x0, v9;
	vm2 =	vlt.f32 v4, $0.0e+00;
	v4 =	vor.u32 v48, v7  }
0xe3: {  	v49 =	vand.u32 $0x7FFFFFFF, v9;
	v8 =	vsel vm2, v47, v8;
	vm2 =	vge.f32 v44, $6.103515630e-05  }
0xe4: {  	v53 =	vand.u32 $0x80000000, v9;
	v7 =	vadd.f32 $5.000000000e-01, v49;
	v50 =	vshrl.u32 v49, $0xD  }
0xe5: {  	v4 =	vsel vm2, v4, v8;
	vm2 =	vlt.f32 v1, $0.0e+00;
	v1 =	vand.u32 $0x1, v63  }
0xe6: {  	vm1 =	vlt.f32 v9, $0.0e+00;
	v11 =	vand.u32 $0x1, v50;
	v1 =	vadd.s32 v1, v59  }
0xe7: {  	v7 =	vadd.f32 $-5.000000000e-01, v7;
	v51 =	vadd.s32 v11, v49;
	v11 =	vsel vm2, v62, v58  }
0xe8: {  	vm2 =	vge.f32 v54, $6.103515630e-05;
	v1 =	vadd.s32 $0xFFF, v1;
	v8 =	vadd.s32 $0xFFF, v51  }
0xe9: {  	v1 =	vand.u32 $0xFFFFE000, v1;
	v52 =	vsub.f32 $0.0e+00, v7;
	v8 =	vand.u32 $0xFFFFE000, v8  }
0xea: {  	v0 =	vor.u32 v5, v1;
	v1 =	vsel vm3, v3, v15;
	vm3 =	vge.f32 v59, $6.103515630e-05  }
0xeb: {  	[tilespmem:s19+$0x1400] =	vst v6;
	v8 =	vor.u32 v53, v8;
	v7 =	vsel vm1, v52, v7;
	vm1 =	vge.f32 v49, $6.103515630e-05  }
0xec: {  	[tilespmem:s20+$0x1400] =	vst v4;
	v5 =	vsel vm2, v10, v11;
	v0 =	vsel vm3, v0, v1;
	v3 =	vsel vm1, v8, v7  }
0xed: {  	s17 =	simm.s32 $0x1;
	v4 =	vnsel vm0, $0x0, v5;
	[tilespmem:s21+$0x1400] =	vst v3;
	v3 =	vnsel vm0, $0x0, v0  }
.LBB2_7:
0xee: {  	s18 =	simm.s32 $0x0  }
0xef: {  	v1 =	vld [tilespmem:s18+$0x1400]  }
0xf0: {  	s29 =	simm.s32 $0x10  }
0xf1: {  	s30 =	simm.s32 $0x20;
	v5 =	vld [tilespmem:s29+$0x1400]  }
0xf2: {  	v6 =	vld [tilespmem:s30+$0x1400];
	_ =	sdelay $0x1  }
0xf3: {  	(xrf2) =	vadd.scan.msk.f32 $0xffff, v1;
	_ =	sdelay $0x1  }
0xf4: {  	(xrf2) =	vadd.scan.msk.f32 $0xffff, v5  }
0xf5: {  	(xrf2) =	vadd.scan.msk.f32 $0xffff, v6;
	_ =	sdelay $0x6  }
0xf6: {  	v5, _, _ =	vpop (xrf2)  }
0xf7: {  	(v2sf) =	vpush v5, $0xF  }
0xf8: {  	s31 =	simm.s32 $0x30;
	v5, _, _ =	vpop (xrf2)  }
0xf9: {  	v1 =	vld [tilespmem:s31+$0x1400];
	(v2sf) =	vpush v5, $0xF;
	v5, _, _ =	vpop (xrf2)  }
0xfa: {  	(v2sf) =	vpush v5, $0xF;
	_ =	sdelay $0x3  }
0xfb: {  	s19 =	simm.s32 $0x40;
	(xrf2) =	vadd.scan.msk.f32 $0xffff, v1  }
0xfc: {  	v1 =	vld [tilespmem:s19+$0x1400];
	_ =	sdelay $0x3  }
0xfd: {  	s16 =	simm.f32 $0.0e+00;
	v0 =	vld [tilespmem:$0x1800];
	s18 =	simm.s32 $0x140  }
.LBB2_8:
0xfe: {  	s19 =	sshra.s32 s18, $0x2;
	p0 =	seq.s32 s18, $0xFC0;
	s18 =	sadd.s32 $0x40, s18;
	(xrf2) =	vadd.scan.msk.f32 $0xffff, v1  }
.Ltmp2:
0xff: {  	v1 =	vld [tilespmem:s19+$0x1400];
	(pc) =	sbr.rel @!p0 .LBB2_8-.Ltmp2, $4  }
0x100: {  	s19 =	spop (v2sf)  }
0x101: {  	s16 =	sadd.f32 s19, s16  }
0x102: {  	v5, _, _ =	vpop (xrf2)  }
0x103: {  	(v2sf) =	vpush v5, $0xF  }
0x104: {  	(xrf2) =	vadd.scan.msk.f32 $0xffff, v1;
	_ =	sdelay $0x7  }
0x105: {  	v1, _, _ =	vpop (xrf2)  }
0x106: {  	(v2sf) =	vpush v1, $0xF  }
0x107: {  	v1, _, _ =	vpop (xrf2)  }
0x108: {  	(v2sf) =	vpush v1, $0xF;
	_ =	sdelay $0x6  }
0x109: {  	s18 =	spop (v2sf)  }
0x10a: {  	s16 =	sadd.f32 s18, s16  }
0x10b: {  	s25 =	spop (v2sf)  }
0x10c: {  	s16 =	sadd.f32 s25, s16  }
0x10d: {  	s26 =	spop (v2sf)  }
0x10e: {  	s16 =	sadd.f32 s26, s16  }
0x10f: {  	s28 =	spop (v2sf)  }
0x110: {  	s16 =	sadd.f32 s28, s16  }
0x111: {  	v1 =	vmov s17;
	s29 =	spop (v2sf)  }
0x112: {  	vm1 =	veq.s32 v1, v2;
	s16 =	sadd.f32 s29, s16  }
0x113: {  	v0 =	vnsel vm1, $0x0, v0  }
0x114: {  	(xrf2) =	vadd.scan.msk.f32 $0xffff, v0;
	v0 =	vmov s16  }
0x115: {  	(erf) = vrcp.f32 v0;
	_ =	sdelay $0x3  }
0x116: {  	s19 =	simm.s32 $0x0  }
0x117: {  	v5 =	vld [tilespmem:s19+$0x1400];
	_ =	sdelay $0x2  }
0x118: {  	s31 =	simm.s32 $0x10  }
0x119: {  	v6 =	vld [tilespmem:s31+$0x1400];
	v1 =	vpop (erf)  }
0x11a: {  	v5 =	vmul.f32 v5, v1;
	_ =	sdelay $0x1  }
0x11b: {  	(xrf2) =	vadd.scan.msk.f32 $0xffff, v5;
	_ =	sdelay $0x1  }
0x11c: {  	v5 =	vmul.f32 v6, v1;
	_ =	sdelay $0x1  }
0x11d: {  	s20 =	simm.s32 $0x20;
	v0, _, _ =	vpop (xrf2);
	(xrf2) =	vadd.scan.msk.f32 $0xffff, v5  }
0x11e: {  	v6 =	vld [tilespmem:s20+$0x1400];
	_ =	sdelay $0x4  }
0x11f: {  	s21 =	simm.s32 $0x30;
	v6 =	vmul.f32 v6, v1;
	v7, _, _ =	vpop (xrf2)  }
0x120: {  	v5 =	vld [tilespmem:s21+$0x1400];
	(v2sf) =	vpush v7, $0xF;
	_ =	sdelay $0x2  }
0x121: {  	(xrf2) =	vadd.scan.msk.f32 $0xffff, v6;
	v6, _, _ =	vpop (xrf2)  }
0x122: {  	(v2sf) =	vpush v6, $0xF  }
0x123: {  	v5 =	vmul.f32 v5, v1;
	_ =	sdelay $0x1  }
0x124: {  	s30 =	simm.f32 $0.0e+00;
	(xrf2) =	vadd.scan.msk.f32 $0xffff, v5  }
0x125: {  	v0 =	vbroadcast v0, $0xF;
	v5 =	vadd.f32 s30, v7  }
0x126: {  	s22 =	simm.s32 $0x40  }
0x127: {  	vm2 =	vlt.f32 v5, v0;
	v5 =	vld [tilespmem:s22+$0x1400];
	_ =	sdelay $0x2  }
0x128: {  	s23 =	simm.s32 $0x50;
	v8 =	vsel vm2, $0x1, v43  }
0x129: {  	(xrf0) =	vadd.scan.msk.s32 $0xffff, v8;
	v8 =	vld [tilespmem:s23+$0x1400]  }
0x12a: {  	s20 =	simm.s32 $0x60;
	v7, _, _ =	vpop (xrf2);
	v5 =	vmul.f32 v5, v1;
	s24 =	spop (v2sf)  }
0x12b: {  	v10 =	vld [tilespmem:s20+$0x1400];
	(v2sf) =	vpush v7, $0xF;
	s18 =	sadd.f32 s24, s30  }
0x12c: {  	(xrf2) =	vadd.scan.msk.f32 $0xffff, v5;
	v9, _, _ =	vpop (xrf2)  }
0x12d: {  	(v2sf) =	vpush v9, $0xF;
	v6 =	vadd.f32 s18, v6  }
0x12e: {  	v5 =	vmul.f32 v8, v1;
	s25 =	spop (v2sf)  }
0x12f: {  	s18 =	sadd.f32 s25, s18;
	vm2 =	vlt.f32 v6, v0  }
0x130: {  	(xrf2) =	vadd.scan.msk.f32 $0xffff, v5;
	v6 =	vmul.f32 v10, v1;
	v5 =	vsel vm2, $0x1, v43  }
0x131: {  	v8, _, _ =	vpop (xrf0);
	(xrf0) =	vadd.scan.msk.s32 $0xffff, v5;
	v5 =	vadd.f32 s18, v7  }
0x132: {  	(xrf2) =	vadd.scan.msk.f32 $0xffff, v6  }
0x133: {  	vm2 =	vlt.f32 v5, v0  }
0x134: {  	s26 =	simm.s32 $0x70;
	v6 =	vsel vm2, $0x1, v43  }
0x135: {  	v5 =	vld [tilespmem:s26+$0x1400];
	(xrf0) =	vadd.scan.msk.s32 $0xffff, v6  }
0x136: {  	s29 =	simm.s32 $0x80;
	(v2sf) =	vpush v8, $0xF;
	v7, _, _ =	vpop (xrf2)  }
0x137: {  	(v2sf) =	vpush v7, $0xF;
	v6 =	vld [tilespmem:s29+$0x1400];
	_ =	sdelay $0x1  }
0x138: {  	v8, _, _ =	vpop (xrf0)  }
0x139: {  	s28 =	spop (v2sf);
	v61 =	vmul.f32 v5, v1;
	(v2sf) =	vpush v8, $0xF;
	v5, _, _ =	vpop (xrf2)  }
0x13a: {  	s18 =	sadd.f32 s28, s18;
	(v2sf) =	vpush v5, $0xF;
	v62, _, _ =	vpop (xrf0)  }
0x13b: {  	s30 =	spop (v2sf);
	v63 =	vmul.f32 v6, v1;
	v6, _, _ =	vpop (xrf2);
	(v2sf) =	vpush v62, $0xF  }
0x13c: {  	v9 =	vadd.f32 s18, v9;
	(v2sf) =	vpush v6, $0xF;
	_ =	sdelay $0x1  }
0x13d: {  	vm2 =	vlt.f32 v9, v0;
	(xrf2) =	vadd.scan.msk.f32 $0xffff, v61  }
0x13e: {  	v8 =	vsel vm2, $0x1, v43  }
0x13f: {  	s19 =	sadd.f32 s30, s18;
	(xrf0) =	vadd.scan.msk.s32 $0xffff, v8  }
0x140: {  	(xrf2) =	vadd.scan.msk.f32 $0xffff, v63  }
0x141: {  	s31 =	simm.s32 $0x90;
	v11 =	vadd.f32 s19, v7  }
0x142: {  	v7 =	vld [tilespmem:s31+$0x1400]  }
0x143: {  	s16 =	simm.s32 $0x0;
	s20 =	simm.s32 $0x280;
	s18 =	spop (v2sf);
	vm2 =	vlt.f32 v11, v0  }
.LBB2_10:
0x144: {  	s21 =	spop (v2sf);
	s16 =	sadd.s32 s16, s18  }
0x145: {  	v9 =	vsel vm2, $0x1, v43;
	s18 =	smov.u32 s20;
	s22 =	sadd.s32 $0x40, s20;
	p0 =	sne.s32 s20, $0xFC0  }
.Ltmp3:
0x146: {  	s19 =	sadd.f32 s21, s19;
	(xrf0) =	vadd.scan.msk.s32 $0xffff, v9;
	v8, _, _ =	vpop (xrf0);
	(pc) =	sbr.rel @p0 .LBB2_10-.Ltmp3, $4  }
0x147: {  	s18 =	sshra.s32 s18, $0x2;
	v9 =	vmul.f32 v7, v1;
	v10, _, _ =	vpop (xrf2);
	(v2sf) =	vpush v8, $0xF  }
0x148: {  	v7 =	vld [tilespmem:s18+$0x1400];
	(v2sf) =	vpush v10, $0xF;
	v8 =	vadd.f32 s19, v5;
	v5 =	vmovc v6;
	v6 =	vmov v10  }
0x149: {  	(xrf2) =	vadd.scan.msk.f32 $0xffff, v9  }
0x14a: {  	s20 =	smov.u32 s22;
	vm2 =	vlt.f32 v8, v0;
	s18 =	spop (v2sf)  }
0x14b: {  	v8 =	vsel vm2, $0x1, v43  }
0x14c: {  	(xrf0) =	vadd.scan.msk.s32 $0xffff, v8;
	_ =	sdelay $0x3  }
0x14d: {  	v8, _, _ =	vpop (xrf0)  }
0x14e: {  	v9, _, _ =	vpop (xrf2);
	(v2sf) =	vpush v8, $0xF  }
0x14f: {  	(v2sf) =	vpush v9, $0xF;
	v8, _, _ =	vpop (xrf0)  }
0x150: {  	v10, _, _ =	vpop (xrf2);
	(v2sf) =	vpush v8, $0xF  }
0x151: {  	(v2sf) =	vpush v10, $0xF;
	_ =	sdelay $0x4  }
0x152: {  	v1 =	vmul.f32 v7, v1;
	_ =	sdelay $0x1  }
0x153: {  	s20 =	spop (v2sf);
	(xrf2) =	vadd.scan.msk.f32 $0xffff, v1  }
0x154: {  	s21 =	spop (v2sf);
	s19 =	sadd.f32 s20, s19  }
0x155: {  	s29 =	spop (v2sf)  }
0x156: {  	s20 =	sadd.f32 s29, s19;
	s22 =	spop (v2sf)  }
0x157: {  	v1 =	vadd.f32 s19, v5;
	s23 =	spop (v2sf)  }
0x158: {  	s23 =	sadd.f32 s23, s20;
	s24 =	spop (v2sf)  }
0x159: {  	vm2 =	vlt.f32 v1, v0;
	v1 =	vadd.f32 s20, v6;
	s30 =	spop (v2sf)  }
0x15a: {  	s19 =	sadd.f32 s30, s23;
	s25 =	spop (v2sf)  }
0x15b: {  	s31 =	spop (v2sf)  }
0x15c: {  	v5 =	vadd.f32 s23, v9;
	s20 =	sadd.f32 s31, s19  }
0x15d: {  	v6 =	vsel vm2, $0x1, v43;
	vm2 =	vlt.f32 v1, v0;
	v1, _, _ =	vpop (xrf2);
	v7 =	vadd.f32 s19, v10  }
0x15e: {  	(xrf0) =	vadd.scan.msk.s32 $0xffff, v6;
	v6 =	vsel vm2, $0x1, v43;
	vm2 =	vlt.f32 v5, v0;
	v5 =	vadd.f32 s20, v1  }
0x15f: {  	(xrf0) =	vadd.scan.msk.s32 $0xffff, v6;
	v6 =	vsel vm2, $0x1, v43;
	vm2 =	vlt.f32 v7, v0  }
0x160: {  	(xrf0) =	vadd.scan.msk.s32 $0xffff, v6;
	v6 =	vsel vm2, $0x1, v43;
	vm2 =	vlt.f32 v5, v0  }
0x161: {  	v0 =	vsel vm2, $0x1, v43  }
0x162: {  	(xrf0) =	vadd.scan.msk.s32 $0xffff, v6  }
0x163: {  	(xrf0) =	vadd.scan.msk.s32 $0xffff, v0  }
0x164: {  	v0, _, _ =	vpop (xrf0)  }
0x165: {  	(v2sf) =	vpush v0, $0xF  }
0x166: {  	v0, _, _ =	vpop (xrf0);
	(v2sf) =	vpush v1, $0xF  }
0x167: {  	v1, _, _ =	vpop (xrf0);
	(v2sf) =	vpush v0, $0xF  }
0x168: {  	v0, _, _ =	vpop (xrf0);
	(v2sf) =	vpush v1, $0xF  }
0x169: {  	(v2sf) =	vpush v0, $0xF;
	v0, _, _ =	vpop (xrf0)  }
0x16a: {  	(v2sf) =	vpush v0, $0xF;
	_ =	sdelay $0x6  }
0x16b: {  	s16 =	sadd.s32 s16, s18  }
0x16c: {  	s16 =	sadd.s32 s16, s21  }
0x16d: {  	s16 =	sadd.s32 s16, s22  }
0x16e: {  	s16 =	sadd.s32 s16, s24;
	s24 =	spop (v2sf)  }
0x16f: {  	s16 =	sadd.s32 s16, s25;
	s25 =	spop (v2sf)  }
0x170: {  	s16 =	sadd.s32 s16, s24;
	s26 =	spop (v2sf)  }
0x171: {  	s16 =	sadd.s32 s16, s26;
	s28 =	spop (v2sf)  }
0x172: {  	s16 =	sadd.s32 s16, s28;
	s29 =	spop (v2sf)  }
0x173: {  	s16 =	sadd.s32 s16, s29;
	s30 =	spop (v2sf)  }
0x174: {  	s16 =	sadd.s32 s16, s30  }
0x175: {  	p0 =	slt.s32 s16, $0x3FF  }
0x176: {  	s16 =	simm.s32 @!p0 $0x3FF  }
0x177: {  	s31 =	sand.u32 $0xFFFFFFF0, s16  }
0x178: {  	v0 =	vld [tilespmem:s31+$0x800]  }
0x179: {  	v1 =	vld [tilespmem:s31+$0xC00]  }
0x17a: {  	s16 =	sand.u32 $0xF, s16  }
0x17b: {  	v5 =	vmov s16  }
0x17c: {  	vm2 =	veq.s32 v5, v2  }
0x17d: {  	v5 =	vld [tilespmem:s31+$0x1000];
	v0 =	vnsel vm2, $0x0, v0  }
0x17e: {  	(xrf2) =	vadd.scan.msk.f32 $0xffff, v0;
	v0 =	vnsel vm2, $0x0, v1  }
0x17f: {  	(xrf2) =	vadd.scan.msk.f32 $0xffff, v0;
	_ =	sdelay $0x2  }
0x180: {  	v0 =	vnsel vm2, $0x0, v5  }
0x181: {  	(xrf2) =	vadd.scan.msk.f32 $0xffff, v0;
	_ =	sdelay $0x1  }
0x182: {  	s22 =	simm.s32 $0x0  }
0x183: {  	v1 =	vld [tilespmem:s22+$0xC00]  }
0x184: {  	v0 =	vld [tilespmem:s22+$0x800]  }
0x185: {  	v5, _, _ =	vpop (xrf2)  }
0x186: {  	v6, _, _ =	vpop (xrf2)  }
0x187: {  	v8 =	vbroadcast v5, $0xF;
	v9 =	vbroadcast v6, $0xF  }
0x188: {  	v5 =	vld [tilespmem:s22+$0x1000]  }
0x189: {  	v0 =	vmul.f32 v0, v8;
	v1 =	vmul.f32 v1, v9  }
0x18a: {  	v6, _, _ =	vpop (xrf2)  }
0x18b: {  	v10 =	vbroadcast v6, $0xF;
	v0 =	vadd.f32 v1, v0;
	_ =	sdelay $0x1  }
0x18c: {  	v1 =	vadd.f32 v5, v10;
	v0 =	vadd.f32 v0, v0  }
0x18d: {  	s21 =	simm.s32 $0x10  }
0x18e: {  	v5 =	vld [tilespmem:s21+$0x800];
	v0 =	vsub.f32 v1, v0  }
0x18f: {  	v1 =	vld [tilespmem:s21+$0xC00]  }
0x190: {  	v14 =	vmax.f32 v0, $0.0e+00  }
0x191: {  	v0 =	vshrl.u32 v14, $0x1  }
0x192: {  	v0 =	vadd.s32 $0x1FBD1DF5, v0  }
0x193: {  	v6 =	vld [tilespmem:s21+$0x1000];
	(erf) = vrcp.f32 v0  }
0x194: {  	v5 =	vmul.f32 v5, v8;
	v1 =	vmul.f32 v1, v9;
	_ =	sdelay $0x1  }
0x195: {  	v1 =	vadd.f32 v1, v5  }
0x196: {  	s20 =	simm.s32 $0x20  }
0x197: {  	v11 =	vld [tilespmem:s20+$0xC00];
	v5 =	vadd.f32 v6, v10;
	v1 =	vadd.f32 v1, v1  }
0x198: {  	v6 =	vld [tilespmem:s20+$0x800]  }
0x199: {  	v1 =	vsub.f32 v5, v1;
	_ =	sdelay $0x1  }
0x19a: {  	v7 =	vmax.f32 v1, $0.0e+00;
	v5 =	vpop (erf)  }
0x19b: {  	v12 =	vld [tilespmem:s20+$0x1000];
	v1 =	vmul.f32 v5, v14;
	v5 =	vshrl.u32 v7, $0x1  }
0x19c: {  	v11 =	vmul.f32 v11, v9;
	v6 =	vmul.f32 v6, v8;
	v5 =	vadd.s32 $0x1FBD1DF5, v5  }
0x19d: {  	(erf) = vrcp.f32 v5  }
0x19e: {  	v0 =	vadd.f32 v0, v1;
	v1 =	vadd.f32 v11, v6;
	_ =	sdelay $0x1  }
0x19f: {  	v6 =	vadd.f32 v12, v10;
	v1 =	vadd.f32 v1, v1  }
0x1a0: {  	v0 =	vmul.f32 $5.000000000e-01, v0  }
0x1a1: {  	v1 =	vsub.f32 v6, v1  }
0x1a2: {  	s19 =	simm.s32 $0x30;
	(erf) = vrcp.f32 v0  }
0x1a3: {  	v11 =	vld [tilespmem:s19+$0x800]  }
0x1a4: {  	v12 =	vld [tilespmem:s19+$0xC00];
	v6 =	vmax.f32 v1, $0.0e+00  }
0x1a5: {  	v13 =	vshrl.u32 v6, $0x1;
	v1 =	vpop (erf)  }
0x1a6: {  	v13 =	vadd.s32 $0x1FBD1DF5, v13;
	v1 =	vmul.f32 v1, v7  }
0x1a7: {  	(erf) = vrcp.f32 v13  }
0x1a8: {  	v15 =	vld [tilespmem:s19+$0x1000];
	v1 =	vadd.f32 v5, v1  }
0x1a9: {  	v5 =	vmul.f32 v11, v8;
	v11 =	vmul.f32 v12, v9  }
0x1aa: {  	v1 =	vmul.f32 $5.000000000e-01, v1  }
0x1ab: {  	v12 =	vpop (erf);
	v5 =	vadd.f32 v11, v5  }
0x1ac: {  	v12 =	vmul.f32 v12, v14;
	(erf) = vrcp.f32 v1  }
0x1ad: {  	v11 =	vadd.f32 v15, v10;
	v5 =	vadd.f32 v5, v5  }
0x1ae: {  	v0 =	vadd.f32 v12, v0  }
0x1af: {  	v5 =	vsub.f32 v11, v5  }
0x1b0: {  	s18 =	simm.s32 $0x40;
	v0 =	vmul.f32 $5.000000000e-01, v0;
	v12 =	vpop (erf)  }
0x1b1: {  	v15 =	vld [tilespmem:s18+$0xC00];
	v12 =	vmul.f32 v12, v6;
	v5 =	vmax.f32 v5, $0.0e+00  }
0x1b2: {  	v11 =	vld [tilespmem:s18+$0x800];
	(erf) = vrcp.f32 v0;
	v16 =	vshrl.u32 v5, $0x1  }
0x1b3: {  	v12 =	vadd.f32 v13, v12;
	v18 =	vadd.s32 $0x1FBD1DF5, v16  }
0x1b4: {  	(erf) = vrcp.f32 v18  }
0x1b5: {  	v13 =	vmul.f32 $5.000000000e-01, v12;
	v17 =	vpop (erf)  }
0x1b6: {  	s16 =	simm.s32 $0x50;
	v16 =	vld [tilespmem:s18+$0x1000];
	v12 =	vmul.f32 v15, v9;
	v15 =	vmul.f32 v17, v7  }
0x1b7: {  	v11 =	vmul.f32 v11, v8;
	v17 =	vld [tilespmem:s16+$0x800]  }
0x1b8: {  	v1 =	vadd.f32 v15, v1;
	v15 =	vld [tilespmem:s16+$0xC00]  }
0x1b9: {  	(erf) = vrcp.f32 v13;
	v11 =	vadd.f32 v12, v11;
	_ =	sdelay $0x1  }
0x1ba: {  	v16 =	vadd.f32 v16, v10;
	v11 =	vadd.f32 v11, v11;
	v19 =	vpop (erf)  }
0x1bb: {  	v12 =	vmul.f32 $5.000000000e-01, v1;
	v1 =	vmul.f32 v19, v14  }
0x1bc: {  	v11 =	vsub.f32 v16, v11;
	v16 =	vmul.f32 v17, v8;
	v17 =	vpop (erf);
	v15 =	vmul.f32 v15, v9  }
0x1bd: {  	(erf) = vrcp.f32 v12;
	v0 =	vadd.f32 v1, v0;
	v19 =	vmul.f32 v17, v5  }
0x1be: {  	v17 =	vadd.f32 v15, v16;
	v16 =	vld [tilespmem:s16+$0x1000]  }
0x1bf: {  	v11 =	vmax.f32 v11, $0.0e+00;
	v20 =	vmul.f32 $5.000000000e-01, v0  }
0x1c0: {  	vm3 =	vgt.f32 v14, $0.0e+00;
	v1 =	vld [tilespmem:s31+$0x0];
	v15 =	vshrl.u32 v11, $0x1  }
0x1c1: {  	s23 =	simm.s32 $0x180;
	v0 =	vld [tilespmem:s31+$0x400];
	v18 =	vadd.f32 v18, v19;
	v14 =	vadd.s32 $0x1FBD1DF5, v15;
	v15 =	vnsel vm3, $0x0, v20;
	v19 =	vpop (erf)  }
.LBB2_12:
0x1c2: {  	p0 =	sne.s32 s23, $0xFC0;
	(erf) = vrcp.f32 v14;
	v19 =	vmul.f32 v19, v6;
	v20 =	vand.u32 $0x7FFFFFFF, v15;
	v21 =	vmovc v5;
	v5 =	vmovc v11  }
0x1c3: {  	s24 =	sshra.s32 s23, $0x2;
	v11 =	vadd.f32 v16, v10;
	v16 =	vmul.f32 $5.000000000e-01, v18;
	v18 =	vadd.f32 $5.000000000e-01, v20  }
0x1c4: {  	v26 =	vadd.f32 v17, v17;
	v25 =	vshrl.u32 v20, $0xD;
	v22 =	vld [tilespmem:s24+$0x800];
	v19 =	vadd.f32 v19, v13  }
0x1c5: {  	v24 =	vand.u32 $0x1, v25;
	v23 =	vld [tilespmem:s24+$0xC00];
	(erf) = vrcp.f32 v16;
	v18 =	vadd.f32 $-5.000000000e-01, v18;
	v13 =	vmovc v16  }
0x1c6: {  	v11 =	vsub.f32 v11, v26;
	v24 =	vadd.s32 v24, v20;
	v16 =	vmul.f32 $5.000000000e-01, v19;
	v17 =	vpop (erf);
	v19 =	vld [tilespmem:s22+$0x1400]  }
0x1c7: {  	v24 =	vadd.s32 $0xFFF, v24;
	v17 =	vmul.f32 v17, v7;
	v25 =	vsub.f32 $0.0e+00, v18  }
0x1c8: {  	vm3 =	vlt.f32 v15, $0.0e+00;
	v26 =	vand.u32 $0x80000000, v15;
	v24 =	vand.u32 $0xFFFFE000, v24  }
0x1c9: {  	v15 =	vor.u32 v26, v24;
	v18 =	vsel vm3, v25, v18;
	vm3 =	vge.f32 v20, $6.103515630e-05  }
.Ltmp4:
0x1ca: {  	v17 =	vadd.f32 v17, v12;
	v12 =	vmovc v16;
	(erf) = vrcp.f32 v16;
	v15 =	vsel vm3, v15, v18;
	(pc) =	sbr.rel @p0 .LBB2_12-.Ltmp4, $4  }
0x1cb: {  	v18 =	vmul.f32 v22, v8;
	v20 =	vmul.f32 v23, v9;
	v16 =	vld [tilespmem:s24+$0x1000];
	v22 =	vpop (erf);
	v15 =	vmin.f32 v19, v15  }
0x1cc: {  	v11 =	vmax.f32 v11, $0.0e+00;
	v23 =	vmul.f32 v22, v5;
	v22 =	vmul.f32 $5.000000000e-01, v17;
	[tilespmem:s22+$0x1400] =	vst v15;
	s22 =	smov.u32 s21;
	s21 =	smov.u32 s20;
	s20 =	smov.u32 s19  }
0x1cd: {  	vm3 =	vgt.f32 v7, $0.0e+00;
	v7 =	vmovc v6;
	v6 =	vmovc v21;
	v17 =	vadd.f32 v20, v18;
	v15 =	vshrl.u32 v11, $0x1;
	s19 =	smov.u32 s18;
	s18 =	smov.u32 s16;
	s16 =	smov.u32 s24  }
0x1ce: {  	s23 =	sadd.s32 $0x40, s23;
	v18 =	vadd.f32 v14, v23;
	v14 =	vadd.s32 $0x1FBD1DF5, v15;
	v19 =	vpop (erf);
	v15 =	vnsel vm3, $0x0, v22  }
0x1cf: {  	v8 =	vmul.f32 v19, v6  }
0x1d0: {  	v42 =	vadd.f32 v17, v17;
	(erf) = vrcp.f32 v14;
	v9 =	vadd.f32 v16, v10;
	_ =	sdelay $0x1  }
0x1d1: {  	v8 =	vadd.f32 v8, v13;
	v9 =	vsub.f32 v9, v42  }
0x1d2: {  	v44 =	vmul.f32 $5.000000000e-01, v18  }
0x1d3: {  	v13 =	vmul.f32 $5.000000000e-01, v8;
	v8 =	vmax.f32 v9, $0.0e+00  }
0x1d4: {  	(erf) = vrcp.f32 v44;
	v9 =	vshrl.u32 v8, $0x1  }
0x1d5: {  	(erf) = vrcp.f32 v13;
	v9 =	vadd.s32 $0x1FBD1DF5, v9  }
0x1d6: {  	(erf) = vrcp.f32 v9  }
0x1d7: {  	v45 =	vpop (erf)  }
0x1d8: {  	v46 =	vpop (erf)  }
0x1d9: {  	v17 =	vmul.f32 v46, v11;
	_ =	sdelay $0x1  }
0x1da: {  	v47 =	vadd.f32 v14, v17;
	_ =	sdelay $0x1  }
0x1db: {  	v48 =	vpop (erf);
	v14 =	vmul.f32 $5.000000000e-01, v47  }
0x1dc: {  	v49 =	vpop (erf)  }
0x1dd: {  	v17 =	vmul.f32 v48, v5;
	(erf) = vrcp.f32 v14;
	v50 =	vpop (erf)  }
0x1de: {  	v20 =	vand.u32 $0x7FFFFFFF, v15;
	v16 =	vmul.f32 v45, v7;
	v19 =	vmul.f32 v50, v8  }
0x1df: {  	vm3 =	vgt.f32 v7, $0.0e+00;
	v21 =	vand.u32 $0x80000000, v15;
	v10 =	vadd.f32 v17, v44  }
0x1e0: {  	v1 =	vnsel vm2, $0x0, v1;
	v12 =	vadd.f32 v16, v12;
	v9 =	vadd.f32 v9, v19  }
0x1e1: {  	v51 =	vadd.f32 $5.000000000e-01, v20;
	v52 =	vshrl.u32 v20, $0xD;
	v10 =	vmul.f32 $5.000000000e-01, v10  }
0x1e2: {  	v53 =	vand.u32 $0x1, v52;
	v12 =	vmul.f32 $5.000000000e-01, v12;
	v9 =	vmul.f32 $5.000000000e-01, v9  }
0x1e3: {  	v16 =	vadd.s32 v53, v20;
	v17 =	vadd.f32 $-5.000000000e-01, v51;
	(erf) = vrcp.f32 v10  }
0x1e4: {  	v7 =	vadd.s32 $0xFFF, v16;
	v12 =	vnsel vm3, $0x0, v12;
	(erf) = vrcp.f32 v9  }
0x1e5: {  	v7 =	vand.u32 $0xFFFFE000, v7;
	v56 =	vand.u32 $0x7FFFFFFF, v12;
	v54 =	vsub.f32 $0.0e+00, v17  }
0x1e6: {  	vm3 =	vlt.f32 v15, $0.0e+00;
	v57 =	vadd.f32 $5.000000000e-01, v56;
	v18 =	vmul.f32 v49, v6;
	v58 =	vpop (erf)  }
0x1e7: {  	v55 =	vld [tilespmem:s22+$0x1400];
	v15 =	vsel vm3, v54, v17;
	vm3 =	vge.f32 v20, $6.103515630e-05;
	v20 =	vmul.f32 v58, v11  }
0x1e8: {  	v7 =	vor.u32 v21, v7;
	v62 =	vand.u32 $0x80000000, v12;
	v13 =	vadd.f32 v18, v13  }
0x1e9: {  	v59 =	vshrl.u32 v56, $0xD;
	v17 =	vadd.f32 $-5.000000000e-01, v57;
	v14 =	vadd.f32 v20, v14  }
0x1ea: {  	v7 =	vsel vm3, v7, v15;
	v15 =	vand.u32 $0x1, v59;
	v13 =	vmul.f32 $5.000000000e-01, v13  }
0x1eb: {  	vm3 =	vgt.f32 v6, $0.0e+00;
	v15 =	vadd.s32 v15, v56;
	v6 =	vmul.f32 $5.000000000e-01, v14  }
0x1ec: {  	v7 =	vmin.f32 v55, v7;
	v60 =	vsub.f32 $0.0e+00, v17;
	v15 =	vadd.s32 $0xFFF, v15;
	v61 =	vpop (erf)  }
0x1ed: {  	v13 =	vnsel vm3, $0x0, v13;
	[tilespmem:s22+$0x1400] =	vst v7;
	vm3 =	vlt.f32 v12, $0.0e+00;
	(erf) = vrcp.f32 v6;
	v63 =	vpop (erf)  }
0x1ee: {  	v15 =	vand.u32 $0xFFFFE000, v15;
	v21 =	vld [tilespmem:s21+$0x1400];
	v22 =	vand.u32 $0x7FFFFFFF, v13;
	v14 =	vmul.f32 v63, v8  }
0x1ef: {  	v23 =	vsel vm3, v60, v17;
	vm3 =	vge.f32 v56, $6.103515630e-05;
	v7 =	vor.u32 v62, v15  }
0x1f0: {  	v25 =	vshrl.u32 v22, $0xD;
	v19 =	vmul.f32 v61, v5;
	v9 =	vadd.f32 v14, v9  }
0x1f1: {  	v24 =	vadd.f32 $5.000000000e-01, v22;
	v7 =	vsel vm3, v7, v23;
	v26 =	vand.u32 $0x1, v25  }
0x1f2: {  	vm3 =	vgt.f32 v5, $0.0e+00;
	v10 =	vadd.f32 v19, v10;
	v9 =	vmul.f32 $5.000000000e-01, v9  }
0x1f3: {  	v16 =	vadd.f32 $-5.000000000e-01, v24;
	v27 =	vadd.s32 v26, v22;
	v7 =	vmin.f32 v21, v7  }
0x1f4: {  	[tilespmem:s21+$0x1400] =	vst v7;
	v5 =	vadd.s32 $0xFFF, v27;
	v10 =	vmul.f32 $5.000000000e-01, v10;
	(erf) = vrcp.f32 v9  }
0x1f5: {  	v33 =	vand.u32 $0x80000000, v13;
	v7 =	vsub.f32 $0.0e+00, v16;
	v32 =	vld [tilespmem:s20+$0x1400];
	v5 =	vand.u32 $0xFFFFE000, v5  }
0x1f6: {  	v5 =	vor.u32 v33, v5;
	v10 =	vnsel vm3, $0x0, v10;
	vm3 =	vlt.f32 v13, $0.0e+00;
	v36 =	vpop (erf)  }
0x1f7: {  	v34 =	vand.u32 $0x7FFFFFFF, v10;
	v7 =	vsel vm3, v7, v16;
	v14 =	vmul.f32 v36, v11  }
0x1f8: {  	vm3 =	vge.f32 v22, $6.103515630e-05;
	v35 =	vadd.f32 $5.000000000e-01, v34;
	v37 =	vshrl.u32 v34, $0xD  }
0x1f9: {  	v5 =	vsel vm3, v5, v7;
	v38 =	vand.u32 $0x1, v37;
	v6 =	vadd.f32 v14, v6  }
0x1fa: {  	v0 =	vnsel vm2, $0x0, v0;
	v5 =	vmin.f32 v32, v5;
	v7 =	vadd.s32 v38, v34  }
0x1fb: {  	v13 =	vadd.f32 $-5.000000000e-01, v35;
	[tilespmem:s20+$0x1400] =	vst v5;
	v7 =	vadd.s32 $0xFFF, v7;
	v6 =	vmul.f32 $5.000000000e-01, v6  }
0x1fc: {  	(xrf2) =	vadd.scan.msk.f32 $0xffff, v1;
	vm3 =	vgt.f32 v11, $0.0e+00;
	v5 =	vand.u32 $0x80000000, v10;
	v1 =	vld [tilespmem:s19+$0x1400];
	v7 =	vand.u32 $0xFFFFE000, v7  }
0x1fd: {  	(xrf2) =	vadd.scan.msk.f32 $0xffff, v0;
	v39 =	vsub.f32 $0.0e+00, v13;
	v5 =	vor.u32 v5, v7;
	v6 =	vnsel vm3, $0x0, v6;
	v40 =	vpop (erf)  }
0x1fe: {  	vm3 =	vlt.f32 v10, $0.0e+00;
	v7 =	vand.u32 $0x7FFFFFFF, v6;
	v41 =	vmul.f32 v40, v8  }
0x1ff: {  	vm2 =	vge.f32 v34, $6.103515630e-05;
	v10 =	vsel vm3, v39, v13;
	v42 =	vadd.f32 $5.000000000e-01, v7  }
0x200: {  	v0 =	vsel vm2, v5, v10;
	v5 =	vshrl.u32 v7, $0xD;
	v9 =	vadd.f32 v41, v9  }
0x201: {  	v5 =	vand.u32 $0x1, v5;
	v0 =	vmin.f32 v1, v0  }
0x202: {  	v44 =	vadd.f32 $-5.000000000e-01, v42;
	v1 =	vadd.s32 v5, v7;
	v9 =	vmul.f32 $5.000000000e-01, v9  }
0x203: {  	v46 =	vand.u32 $0x80000000, v6;
	vm2 =	vgt.f32 v8, $0.0e+00;
	v1 =	vadd.s32 $0xFFF, v1  }
0x204: {  	v45 =	vsub.f32 $0.0e+00, v44;
	v1 =	vand.u32 $0xFFFFE000, v1;
	v5 =	vnsel vm2, $0x0, v9  }
0x205: {  	v1 =	vor.u32 v46, v1;
	vm2 =	vlt.f32 v6, $0.0e+00;
	v9 =	vand.u32 $0x7FFFFFFF, v5  }
0x206: {  	v48, _, _ =	vpop (xrf2);
	[tilespmem:s19+$0x1400] =	vst v0;
	v8 =	vsel vm2, v45, v44;
	vm2 =	vge.f32 v7, $6.103515630e-05;
	v51 =	vand.u32 $0x80000000, v5  }
0x207: {  	v52, _, _ =	vpop (xrf2);
	v7 =	vld [tilespmem:s18+$0x1400];
	v47 =	vadd.f32 $5.000000000e-01, v9;
	v6 =	vshrl.u32 v9, $0xD;
	v1 =	vsel vm2, v1, v8  }
0x208: {  	vm2 =	vlt.f32 v5, $0.0e+00;
	v5 =	vadd.f32 $0.0e+00, v52;
	v6 =	vand.u32 $0x1, v6  }
0x209: {  	v49 =	vadd.f32 $-5.000000000e-01, v47;
	v0 =	vadd.s32 v6, v9;
	v6 =	vadd.f32 $0.0e+00, v48  }
0x20a: {  	v5 =	vbroadcast v5, $0xF;
	v0 =	vadd.s32 $0xFFF, v0  }
0x20b: {  	v50 =	vsub.f32 $0.0e+00, v49;
	v0 =	vand.u32 $0xFFFFE000, v0;
	v6 =	vbroadcast v6, $0xF  }
0x20c: {  	v1 =	vmin.f32 v7, v1;
	v57 =	vand.u32 $0x7FFFFFFF, v5;
	v63 =	vand.u32 $0x80000000, v5  }
0x20d: {  	vm3 =	vlt.f32 v5, $0.0e+00;
	v0 =	vor.u32 v51, v0;
	v59 =	vadd.f32 $5.000000000e-01, v57  }
0x20e: {  	v60 =	vshrl.u32 v57, $0xD;
	v8 =	vsel vm2, v50, v49;
	v53 =	vand.u32 $0x7FFFFFFF, v6  }
0x20f: {  	vm2 =	vge.f32 v9, $6.103515630e-05;
	v58 =	vand.u32 $0x80000000, v6;
	v54 =	vshrl.u32 v53, $0xD  }
0x210: {  	v55 =	vadd.f32 $5.000000000e-01, v53;
	v0 =	vsel vm2, v0, v8;
	vm2 =	vlt.f32 v6, $0.0e+00  }
0x211: {  	[tilespmem:s18+$0x1400] =	vst v1;
	v6 =	vand.u32 $0x1, v60;
	v12 =	vadd.f32 $-5.000000000e-01, v59;
	v7 =	vand.u32 $0x1, v54  }
0x212: {  	s17 =	sadd.s32 $0x1, s17;
	v61 =	vld [tilespmem:s16+$0x1400];
	v6 =	vadd.s32 v6, v57;
	v7 =	vadd.s32 v7, v53;
	v56 =	vadd.f32 $-5.000000000e-01, v55  }
0x213: {  	p0 =	sne.s32 s17, $0x10;
	v6 =	vadd.s32 $0xFFF, v6;
	v62 =	vsub.f32 $0.0e+00, v12;
	v7 =	vadd.s32 $0xFFF, v7  }
.Ltmp5:
0x214: {  	v6 =	vand.u32 $0xFFFFE000, v6;
	v1 =	vand.u32 $0xFFFFE000, v7;
	v7 =	vsub.f32 $0.0e+00, v56;
	(pc) =	sbr.rel @p0 .LBB2_7-.Ltmp5, $4  }
0x215: {  	v5 =	vor.u32 v63, v6;
	v6 =	vsel vm3, v62, v12;
	vm3 =	vge.f32 v57, $6.103515630e-05  }
0x216: {  	v1 =	vor.u32 v58, v1;
	v7 =	vsel vm2, v7, v56;
	vm2 =	vge.f32 v53, $6.103515630e-05  }
0x217: {  	v0 =	vmin.f32 v61, v0;
	v5 =	vsel vm3, v5, v6;
	v1 =	vsel vm2, v1, v7  }
0x218: {  	[tilespmem:s16+$0x1400] =	vst v0;
	s16 =	simm.s32 $0x0;
	v3 =	vsel vm1, v5, v3;
	v4 =	vsel vm1, v1, v4  }
.LBB2_14:
0x219: {  	v0 =	vnsel vm0, $0x0, v4;
	vm1 =	vcmask $0x308  }
0x21a: {  	vm2 =	vcmask $0x70C;
	(xrf2) =	vadd.scan.msk.f32 $0xffff, v0;
	v0 =	vsel vm1, $0x0, v4  }
0x21b: {  	vm3 =	vcmask $0xB10;
	(xrf2) =	vadd.scan.msk.f32 $0xffff, v0;
	v0 =	vsel vm2, $0x0, v4  }
0x21c: {  	vm4 =	vcmask $0xF14;
	(xrf2) =	vadd.scan.msk.f32 $0xffff, v0;
	v0 =	vsel vm3, $0x0, v4  }
0x21d: {  	vm5 =	vcmask $0x1318;
	(xrf2) =	vadd.scan.msk.f32 $0xffff, v0;
	v0 =	vsel vm4, $0x0, v4  }
0x21e: {  	vm6 =	vcmask $0x171C;
	(xrf2) =	vadd.scan.msk.f32 $0xffff, v0;
	v0 =	vsel vm5, $0x0, v4  }
0x21f: {  	vm7 =	vcmask $0x1B20;
	(xrf2) =	vadd.scan.msk.f32 $0xffff, v0;
	v0 =	vsel vm6, $0x0, v4  }
0x220: {  	vm8 =	vcmask $0x1F24;
	(xrf2) =	vadd.scan.msk.f32 $0xffff, v0;
	v0 =	vsel vm7, $0x0, v4  }
0x221: {  	vm9 =	vcmask $0x2328;
	(xrf2) =	vadd.scan.msk.f32 $0xffff, v0;
	v0 =	vsel vm8, $0x0, v4  }
0x222: {  	vm10 =	vcmask $0x272C;
	(xrf2) =	vadd.scan.msk.f32 $0xffff, v0;
	v0 =	vsel vm9, $0x0, v4  }
0x223: {  	vm11 =	vcmask $0x2B30;
	(xrf2) =	vadd.scan.msk.f32 $0xffff, v0;
	v0 =	vsel vm10, $0x0, v4  }
0x224: {  	vm12 =	vcmask $0x2F34;
	v1, _, _ =	vpop (xrf2);
	(xrf2) =	vadd.scan.msk.f32 $0xffff, v0;
	v0 =	vsel vm11, $0x0, v4  }
0x225: {  	vm13 =	vcmask $0x3338;
	v5, _, _ =	vpop (xrf2);
	(xrf2) =	vadd.scan.msk.f32 $0xffff, v0;
	v0 =	vsel vm12, $0x0, v4  }
0x226: {  	v6, _, _ =	vpop (xrf2);
	(xrf2) =	vadd.scan.msk.f32 $0xffff, v0;
	v0 =	vsel vm13, $0x0, v4  }
0x227: {  	v7, _, _ =	vpop (xrf2);
	(xrf2) =	vadd.scan.msk.f32 $0xffff, v0;
	v0 =	vsel vm14, $0x0, v4  }
0x228: {  	v8, _, _ =	vpop (xrf2);
	(xrf2) =	vadd.scan.msk.f32 $0xffff, v0;
	v0 =	vsel vm15, $0x0, v4  }
0x229: {  	v4, _, _ =	vpop (xrf2);
	(xrf2) =	vadd.scan.msk.f32 $0xffff, v0;
	v0 =	vnsel vm0, $0x0, v3  }
0x22a: {  	v9, _, _ =	vpop (xrf2);
	(xrf2) =	vadd.scan.msk.f32 $0xffff, v0;
	v0 =	vsel vm1, $0x0, v3  }
0x22b: {  	v10, _, _ =	vpop (xrf2);
	(xrf2) =	vadd.scan.msk.f32 $0xffff, v0;
	v0 =	vsel vm2, $0x0, v3  }
0x22c: {  	v11, _, _ =	vpop (xrf2);
	(xrf2) =	vadd.scan.msk.f32 $0xffff, v0;
	v0 =	vsel vm3, $0x0, v3  }
0x22d: {  	v12, _, _ =	vpop (xrf2);
	(xrf2) =	vadd.scan.msk.f32 $0xffff, v0;
	v0 =	vsel vm4, $0x0, v3  }
0x22e: {  	v13, _, _ =	vpop (xrf2);
	(xrf2) =	vadd.scan.msk.f32 $0xffff, v0;
	v0 =	vsel vm5, $0x0, v3  }
0x22f: {  	v14, _, _ =	vpop (xrf2);
	(xrf2) =	vadd.scan.msk.f32 $0xffff, v0;
	v0 =	vsel vm6, $0x0, v3  }
0x230: {  	v2 =	vbroadcast v1, $0xF;
	v15, _, _ =	vpop (xrf2);
	(xrf2) =	vadd.scan.msk.f32 $0xffff, v0;
	v0 =	vsel vm7, $0x0, v3  }
0x231: {  	v21 =	vbroadcast v5, $0xF;
	v23 =	vbroadcast v6, $0xF;
	v16, _, _ =	vpop (xrf2);
	(xrf2) =	vadd.scan.msk.f32 $0xffff, v0;
	v0 =	vsel vm8, $0x0, v3  }
0x232: {  	v25 =	vbroadcast v7, $0xF;
	v26 =	vbroadcast v8, $0xF;
	v17, _, _ =	vpop (xrf2);
	(xrf2) =	vadd.scan.msk.f32 $0xffff, v0;
	v0 =	vsel vm9, $0x0, v3  }
0x233: {  	s17 =	simm.s32 $0x0;
	v27 =	vbroadcast v4, $0xF;
	v29 =	vbroadcast v9, $0xF;
	v18, _, _ =	vpop (xrf2);
	(xrf2) =	vadd.scan.msk.f32 $0xffff, v0;
	v0 =	vsel vm10, $0x0, v3  }
0x234: {  	v7 =	vld [tilespmem:s17+$0x0];
	v32 =	vbroadcast v10, $0xF;
	v33 =	vbroadcast v11, $0xF;
	v19, _, _ =	vpop (xrf2);
	(xrf2) =	vadd.scan.msk.f32 $0xffff, v0;
	v0 =	vsel vm11, $0x0, v3  }
0x235: {  	v34 =	vbroadcast v12, $0xF;
	v10 =	vbroadcast v13, $0xF;
	v1, _, _ =	vpop (xrf2);
	(xrf2) =	vadd.scan.msk.f32 $0xffff, v0;
	v0 =	vsel vm12, $0x0, v3  }
0x236: {  	v37 =	vbroadcast v14, $0xF;
	v20 =	vbroadcast v19, $0xF;
	v19 =	vld [tilespmem:s17+$0x400];
	v5, _, _ =	vpop (xrf2);
	(xrf2) =	vadd.scan.msk.f32 $0xffff, v0;
	v0 =	vsel vm13, $0x0, v3  }
0x237: {  	v39 =	vbroadcast v15, $0xF;
	v22 =	vbroadcast v1, $0xF;
	v1, _, _ =	vpop (xrf2);
	(xrf2) =	vadd.scan.msk.f32 $0xffff, v0;
	v0 =	vsel vm14, $0x0, v3  }
0x238: {  	v41 =	vbroadcast v16, $0xF;
	v24 =	vbroadcast v5, $0xF;
	v5, _, _ =	vpop (xrf2);
	(xrf2) =	vadd.scan.msk.f32 $0xffff, v0;
	v0 =	vsel vm15, $0x0, v3  }
0x239: {  	v16 =	vsub.f32 v7, v37;
	v42 =	vbroadcast v18, $0xF;
	v6 =	vbroadcast v1, $0xF  }
0x23a: {  	v18 =	vsub.f32 v7, v29;
	v3 =	vbroadcast v17, $0xF;
	v1, _, _ =	vpop (xrf2);
	(xrf2) =	vadd.scan.msk.f32 $0xffff, v0;
	v8 =	vbroadcast v5, $0xF  }
0x23b: {  	v28 =	vbroadcast v1, $0xF;
	v5 =	vsub.f32 v19, v22;
	v15 =	vsub.f32 v19, v20;
	v0, _, _ =	vpop (xrf2)  }
0x23c: {  	[tilespmem:$0x1FE30] =	vst v6;
	v4 =	vsub.f32 v19, v6;
	v6 =	vsub.f32 v7, v10;
	v1, _, _ =	vpop (xrf2);
	v30 =	vbroadcast v0, $0xF  }
0x23d: {  	[tilespmem:$0x1FE50] =	vst v10;
	v10 =	vsub.f32 v7, v23;
	v5 =	vmul.f32 v5, v5;
	v15 =	vmul.f32 v15, v15;
	v0, _, _ =	vpop (xrf2)  }
0x23e: {  	[tilespmem:$0x1FE60] =	vst v8;
	v8 =	vsub.f32 v19, v8;
	v6 =	vmul.f32 v6, v6;
	v9 =	vbroadcast v1, $0xF;
	v1, _, _ =	vpop (xrf2)  }
0x23f: {  	[tilespmem:$0x1FE00] =	vst v2;
	v17 =	vsub.f32 v19, v28;
	v4 =	vmul.f32 v4, v4;
	v11 =	vbroadcast v0, $0xF;
	v0, _, _ =	vpop (xrf2)  }
0x240: {  	v8 =	vmul.f32 v8, v8;
	v35 =	vbroadcast v1, $0xF;
	[tilespmem:$0x1FE70] =	vst v9;
	v9 =	vsub.f32 v19, v9;
	v1, _, _ =	vpop (xrf2)  }
0x241: {  	v17 =	vmul.f32 v17, v17;
	v36 =	vbroadcast v0, $0xF;
	[tilespmem:$0x1FE90] =	vst v11;
	v11 =	vsub.f32 v19, v11;
	v0, _, _ =	vpop (xrf2)  }
0x242: {  	[tilespmem:$0x1FE20] =	vst v21;
	v12 =	vsub.f32 v19, v24;
	v38 =	vbroadcast v1, $0xF;
	v9 =	vmul.f32 v9, v9;
	v1, _, _ =	vpop (xrf2)  }
0x243: {  	[tilespmem:$0x1FE40] =	vst v22;
	v22 =	vsub.f32 v7, v39;
	v40 =	vbroadcast v0, $0xF;
	v11 =	vmul.f32 v11, v11;
	v0, _, _ =	vpop (xrf2)  }
0x244: {  	[tilespmem:$0x1FEE0] =	vst v20;
	v13 =	vbroadcast v1, $0xF;
	v1, _, _ =	vpop (xrf2);
	v14 =	vbroadcast v0, $0xF;
	v0 =	vsub.f32 v7, v2  }
0x245: {  	[tilespmem:$0x1FE10] =	vst v3;
	v2 =	vbroadcast v1, $0xF;
	v1 =	vsub.f32 v7, v3;
	v3 =	vsub.f32 v7, v21  }
0x246: {  	v20 =	vsub.f32 v19, v36;
	[tilespmem:$0x1FEB0] =	vst v13;
	v13 =	vsub.f32 v19, v13;
	v0 =	vmul.f32 v0, v0  }
0x247: {  	[tilespmem:$0x1FE80] =	vst v23;
	v23 =	vsub.f32 v19, v40;
	v21 =	vsub.f32 v7, v26;
	v3 =	vmul.f32 v3, v3  }
0x248: {  	v13 =	vmul.f32 v13, v13;
	v0 =	vadd.f32 v15, v0;
	v15 =	vsub.f32 v7, v25  }
0x249: {  	v3 =	vadd.f32 v5, v3;
	v5 =	vmul.f32 v10, v10;
	v10 =	vmul.f32 v12, v12  }
0x24a: {  	[tilespmem:$0x1FED0] =	vst v14;
	v14 =	vsub.f32 v19, v14;
	v21 =	vmul.f32 v21, v21;
	v1 =	vmul.f32 v1, v1  }
0x24b: {  	v15 =	vmul.f32 v15, v15;
	v5 =	vadd.f32 v10, v5;
	vm1 =	vlt.f32 v3, v0  }
0x24c: {  	v12 =	vsub.f32 v7, v32;
	v10 =	vsub.f32 v7, v27;
	v0 =	vsel vm1, v3, v0  }
0x24d: {  	v3 =	vsel vm1, $0x1, v43;
	v4 =	vadd.f32 v4, v15;
	vm1 =	vlt.f32 v5, v0  }
0x24e: {  	v8 =	vadd.f32 v8, v21;
	v10 =	vmul.f32 v10, v10;
	v0 =	vsel vm1, v5, v0  }
0x24f: {  	v12 =	vmul.f32 v12, v12;
	v5 =	vsub.f32 v19, v30;
	vm2 =	vlt.f32 v4, v0  }
0x250: {  	v3 =	vsel vm1, $0x2, v3;
	v10 =	vadd.f32 v17, v10;
	v0 =	vsel vm2, v4, v0  }
0x251: {  	v4 =	vmul.f32 v18, v18;
	v5 =	vmul.f32 v5, v5;
	vm1 =	vlt.f32 v8, v0  }
0x252: {  	v9 =	vadd.f32 v9, v12;
	v12 =	vsub.f32 v7, v33;
	v0 =	vsel vm1, v8, v0  }
0x253: {  	v3 =	vsel vm2, $0x3, v3;
	v4 =	vadd.f32 v5, v4;
	vm3 =	vlt.f32 v10, v0  }
0x254: {  	v8 =	vmul.f32 v23, v23;
	v5 =	vmul.f32 v12, v12;
	v0 =	vsel vm3, v10, v0  }
0x255: {  	v12 =	vsub.f32 v19, v35;
	v10 =	vsub.f32 v7, v34;
	vm2 =	vlt.f32 v4, v0  }
0x256: {  	v3 =	vsel vm1, $0x4, v3;
	v5 =	vadd.f32 v11, v5;
	v0 =	vsel vm2, v4, v0  }
0x257: {  	v4 =	vmul.f32 v10, v10;
	v10 =	vmul.f32 v12, v12;
	vm1 =	vlt.f32 v9, v0  }
0x258: {  	v3 =	vsel vm3, $0x5, v3;
	v11 =	vsub.f32 v19, v38;
	v0 =	vsel vm1, v9, v0  }
0x259: {  	v4 =	vadd.f32 v10, v4;
	v9 =	vmul.f32 v20, v20;
	vm3 =	vlt.f32 v5, v0  }
0x25a: {  	v3 =	vsel vm2, $0x6, v3;
	v10 =	vmul.f32 v16, v16;
	v0 =	vsel vm3, v5, v0  }
0x25b: {  	v5 =	vadd.f32 v9, v6;
	v6 =	vmul.f32 v11, v11;
	vm2 =	vlt.f32 v4, v0  }
0x25c: {  	v3 =	vsel vm1, $0x7, v3;
	v9 =	vsub.f32 v7, v41;
	v0 =	vsel vm2, v4, v0  }
0x25d: {  	v4 =	vadd.f32 v6, v10;
	v6 =	vmul.f32 v22, v22;
	vm1 =	vlt.f32 v5, v0  }
0x25e: {  	v14 =	vmul.f32 v14, v14;
	v3 =	vsel vm3, $0x8, v3;
	v0 =	vsel vm1, v5, v0  }
0x25f: {  	v5 =	vadd.f32 v8, v6;
	v6 =	vmul.f32 v9, v9;
	vm3 =	vlt.f32 v4, v0  }
0x260: {  	v10 =	vsub.f32 v7, v42;
	v3 =	vsel vm2, $0x9, v3;
	v0 =	vsel vm3, v4, v0  }
0x261: {  	v8 =	vsub.f32 v19, v2;
	v4 =	vadd.f32 v13, v6;
	vm2 =	vlt.f32 v5, v0  }
0x262: {  	v1 =	vadd.f32 v14, v1;
	v3 =	vsel vm1, $0xA, v3;
	v0 =	vsel vm2, v5, v0  }
0x263: {  	v6 =	vmul.f32 v8, v8;
	v5 =	vmul.f32 v10, v10;
	vm1 =	vlt.f32 v4, v0  }
0x264: {  	v3 =	vsel vm3, $0xB, v3;
	v0 =	vsel vm1, v4, v0  }
0x265: {  	v3 =	vsel vm2, $0xC, v3;
	v4 =	vadd.f32 v6, v5;
	vm2 =	vlt.f32 v1, v0  }
0x266: {  	v21 =	vimm.f32 $0.0e+00;
	v3 =	vsel vm1, $0xD, v3;
	v0 =	vsel vm2, v1, v0  }
0x267: {  	v17 =	vimm.f32 $0.0e+00;
	v1 =	vsel vm2, $0xE, v3;
	vm1 =	vlt.f32 v4, v0  }
0x268: {  	v18 =	vimm.f32 $0.0e+00;
	v16 =	vimm.f32 $0.0e+00;
	v1 =	vsel vm1, $0xF, v1  }
0x269: {  	v22 =	vimm.f32 $0.0e+00;
	vm4 =	veq.s32 v1, $0x0;
	vm3 =	veq.s32 v1, $0x1  }
0x26a: {  	vm2 =	veq.s32 v1, $0x2;
	vm1 =	veq.s32 v1, $0x3;
	vm5 =	veq.s32 v1, $0x4  }
0x26b: {  	vm6 =	veq.s32 v1, $0x5;
	vm7 =	veq.s32 v1, $0x8;
	vm8 =	veq.s32 v1, $0xD  }
0x26c: {  	v0 =	vnsel vm3, $0x0, v19;
	v3 =	vsel vm4, $0x3F800000, v31;
	v4 =	vsel vm8, $0x3F800000, v31  }
0x26d: {  	[tilespmem:$0x1FF40] =	vst v25;
	v5 =	vnsel vm7, $0x0, v7;
	v6 =	vnsel vm7, $0x0, v19;
	v8 =	vsel vm7, $0x3F800000, v31  }
0x26e: {  	[tilespmem:$0x1FF50] =	vst v26;
	vm7 =	veq.s32 v1, $0x6;
	v26 =	vnsel vm2, $0x0, v7;
	v25 =	vnsel vm1, $0x0, v7  }
0x26f: {  	v54 =	vadd.f32 v0, v22;
	v55 =	vadd.f32 v3, v22;
	v0 =	vnsel vm8, $0x0, v7  }
0x270: {  	[tilespmem:$0x1FEC0] =	vst v32;
	v3 =	vnsel vm8, $0x0, v19;
	vm8 =	veq.s32 v1, $0x9;
	v32 =	vadd.f32 v4, v22  }
0x271: {  	v12 =	vsel vm7, $0x3F800000, v31;
	v44 =	vadd.f32 v6, v22;
	v62 =	vadd.f32 v5, v22  }
0x272: {  	v20 =	vadd.f32 v8, v22;
	v6 =	vnsel vm6, $0x0, v7;
	v5 =	vnsel vm7, $0x0, v7  }
0x273: {  	v8 =	vnsel vm7, $0x0, v19;
	vm7 =	veq.s32 v1, $0xF;
	v9 =	vnsel vm8, $0x0, v7  }
0x274: {  	v10 =	vnsel vm8, $0x0, v19;
	v11 =	vsel vm8, $0x3F800000, v31;
	vm8 =	veq.s32 v1, $0xB  }
0x275: {  	[tilespmem:$0x1FFA0] =	vst v34;
	v46 =	vadd.f32 v12, v22;
	v12 =	vsel vm6, $0x3F800000, v31;
	v34 =	vadd.f32 v0, v22  }
0x276: {  	v59 =	vadd.f32 v3, v22;
	v56 =	vadd.f32 v5, v22;
	v5 =	vnsel vm6, $0x0, v19  }
0x277: {  	v57 =	vadd.f32 v8, v22;
	v8 =	vadd.f32 v6, v22;
	vm6 =	veq.s32 v1, $0xE  }
0x278: {  	v13 =	vnsel vm8, $0x0, v7;
	v14 =	vnsel vm8, $0x0, v19;
	v60 =	vadd.f32 v12, v22  }
0x279: {  	v15 =	vsel vm8, $0x3F800000, v31;
	v49 =	vadd.f32 v9, v22;
	v45 =	vadd.f32 v11, v22  }
0x27a: {  	vm8 =	veq.s32 v1, $0xC;
	v53 =	vadd.f32 v10, v22;
	v5 =	vadd.f32 v5, v22  }
0x27b: {  	[tilespmem:$0x1FFC0] =	vst v38;
	v3 =	vnsel vm8, $0x0, v7;
	v38 =	vadd.f32 v13, v22;
	v0 =	vnsel vm8, $0x0, v19  }
0x27c: {  	v63 =	vadd.f32 v14, v22;
	v4 =	vsel vm8, $0x3F800000, v31;
	vm8 =	veq.s32 v1, $0x7  }
0x27d: {  	[tilespmem:$0x1FFE0] =	vst v42;
	v42 =	vadd.f32 v15, v22;
	v13 =	vsel vm7, $0x3F800000, v31;
	v15 =	vimm.f32 $0.0e+00  }
0x27e: {  	[tilespmem:$0x1FEF0] =	vst v37;
	v14 =	vimm.f32 $0.0e+00;
	v61 =	vadd.f32 v0, v22;
	v0 =	vnsel vm5, $0x0, v7  }
0x27f: {  	[tilespmem:$0x1FFD0] =	vst v41;
	v41 =	vadd.f32 v3, v22;
	v37 =	vadd.f32 v4, v22;
	v3 =	vnsel vm8, $0x0, v7  }
0x280: {  	[tilespmem:$0x1FF00] =	vst v27;
	v4 =	vnsel vm5, $0x0, v19;
	v9 =	vnsel vm8, $0x0, v19;
	v11 =	vsel vm8, $0x3F800000, v31  }
0x281: {  	[tilespmem:$0x1FF20] =	vst v29;
	v47 =	vadd.f32 v13, v22;
	v13 =	vimm.f32 $0.0e+00;
	v0 =	vadd.f32 v0, v22  }
0x282: {  	[tilespmem:$0x1FF90] =	vst v33;
	v10 =	vadd.f32 v4, v22;
	v4 =	vsel vm5, $0x3F800000, v31;
	v6 =	vadd.f32 v3, v22  }
0x283: {  	[tilespmem:$0x1FF60] =	vst v39;
	v58 =	vadd.f32 v9, v22;
	v9 =	vnsel vm7, $0x0, v7;
	v3 =	vadd.f32 v4, v22  }
0x284: {  	[tilespmem:$0x1FFB0] =	vst v35;
	v4 =	vadd.f32 v11, v22;
	v35 =	vadd.f32 v9, v22;
	v9 =	vnsel vm4, $0x0, v7  }
0x285: {  	[tilespmem:$0x1FEA0] =	vst v24;
	v11 =	vnsel vm6, $0x0, v7;
	v12 =	vadd.f32 v9, v22;
	v9 =	vnsel vm3, $0x0, v7  }
0x286: {  	[tilespmem:$0x1FF70] =	vst v40;
	v40 =	vadd.f32 v11, v22;
	v11 =	vadd.f32 v9, v22;
	v9 =	vnsel vm6, $0x0, v19  }
0x287: {  	[tilespmem:$0x1FF10] =	vst v28;
	vm5 =	veq.s32 v1, $0xA;
	v29 =	vadd.f32 v9, v22;
	v9 =	vnsel vm7, $0x0, v19  }
0x288: {  	[tilespmem:$0x1FF80] =	vst v30;
	v1 =	vimm.f32 $0.0e+00;
	v50 =	vadd.f32 v9, v22;
	v9 =	vnsel vm5, $0x0, v7  }
0x289: {  	[tilespmem:$0x1FF30] =	vst v36;
	v23 =	vsel vm5, $0x3F800000, v31;
	v48 =	vadd.f32 v9, v22;
	v9 =	vsel vm6, $0x3F800000, v31  }
0x28a: {  	s17 =	simm.s32 $0x40;
	[tilespmem:$0x1FFF0] =	vst v2;
	v24 =	vnsel vm5, $0x0, v19;
	v28 =	vadd.f32 v9, v22;
	v9 =	vimm.f32 $0.0e+00  }
.LBB2_15:
0x28b: {  	_ =	sdelay $0x2  }
0x28c: {  	v22 =	vadd.f32 v24, v22  }
0x28d: {  	s18 =	sshra.s32 s17, $0x2;
	v2 =	vld [tilespmem:$0x1FE00]  }
0x28e: {  	[tilespmem:$0x1FDF0] =	vst v22;
	v22 =	vld [tilespmem:s18+$0x0];
	_ =	sdelay $0x3  }
0x28f: {  	v24 =	vnsel vm1, $0x0, v19  }
0x290: {  	[tilespmem:$0x1FDA0] =	vst v20;
	v20 =	vadd.f32 v24, v13;
	v24 =	vsub.f32 v22, v2;
	v2 =	vld [tilespmem:$0x1FE10];
	_ =	sdelay $0x4  }
0x291: {  	v2 =	vsub.f32 v22, v2;
	_ =	sdelay $0x1  }
0x292: {  	[tilespmem:$0x1FD80] =	vst v2;
	v2 =	vld [tilespmem:$0x1FE20];
	_ =	sdelay $0x3  }
0x293: {  	v27 =	vnsel vm4, $0x0, v19;
	v9 =	vadd.f32 v23, v9;
	v23 =	vnsel vm2, $0x0, v19;
	v19 =	vld [tilespmem:s18+$0x400]  }
0x294: {  	v16 =	vadd.f32 v25, v16;
	v25 =	vsub.f32 v22, v2;
	v2 =	vld [tilespmem:$0x1FE30];
	_ =	sdelay $0x4  }
0x295: {  	v18 =	vadd.f32 v26, v18;
	v26 =	vsub.f32 v19, v2;
	v2 =	vld [tilespmem:$0x1FE40];
	_ =	sdelay $0x4  }
0x296: {  	v7 =	vadd.f32 v27, v1;
	v27 =	vsub.f32 v19, v2;
	v2 =	vld [tilespmem:$0x1FE50];
	_ =	sdelay $0x4  }
0x297: {  	[tilespmem:$0x1FDD0] =	vst v28;
	v28 =	vsub.f32 v22, v2;
	v2 =	vld [tilespmem:$0x1FE60];
	_ =	sdelay $0x4  }
0x298: {  	[tilespmem:$0x1FDB0] =	vst v29;
	v29 =	vsub.f32 v19, v2;
	v2 =	vld [tilespmem:$0x1FE70];
	_ =	sdelay $0x4  }
0x299: {  	v30 =	vsub.f32 v19, v2;
	v2 =	vld [tilespmem:$0x1FE80];
	_ =	sdelay $0x2  }
0x29a: {  	v15 =	vadd.f32 v23, v15;
	v23 =	vsel vm3, $0x3F800000, v31  }
0x29b: {  	v1 =	vadd.f32 v23, v21;
	v23 =	vsel vm2, $0x3F800000, v31  }
0x29c: {  	v17 =	vadd.f32 v23, v17;
	v23 =	vsel vm1, $0x3F800000, v31;
	v31 =	vsub.f32 v22, v2;
	v2 =	vld [tilespmem:$0x1FE90];
	_ =	sdelay $0x4  }
0x29d: {  	v39 =	vsub.f32 v19, v2;
	v2 =	vld [tilespmem:$0x1FEA0];
	_ =	sdelay $0x4  }
0x29e: {  	v33 =	vsub.f32 v19, v2;
	v2 =	vld [tilespmem:$0x1FEB0];
	_ =	sdelay $0x4  }
0x29f: {  	[tilespmem:$0x1FDC0] =	vst v47;
	v47 =	vsub.f32 v19, v2;
	v2 =	vld [tilespmem:$0x1FEC0];
	_ =	sdelay $0x4  }
0x2a0: {  	v51 =	vmul.f32 v33, v33;
	v33 =	vsub.f32 v22, v2;
	v2 =	vld [tilespmem:$0x1FED0];
	_ =	sdelay $0x4  }
0x2a1: {  	v52 =	vsub.f32 v19, v2;
	v2 =	vld [tilespmem:$0x1FEE0]  }
0x2a2: {  	v25 =	vmul.f32 v25, v25;
	v27 =	vmul.f32 v27, v27;
	_ =	sdelay $0x1  }
0x2a3: {  	v25 =	vadd.f32 v27, v25;
	v27 =	vmul.f32 v31, v31  }
0x2a4: {  	[tilespmem:$0x1FD70] =	vst v34;
	v34 =	vld [tilespmem:$0x1FF20]  }
0x2a5: {  	v27 =	vadd.f32 v51, v27;
	v51 =	vld [tilespmem:$0x1FF00];
	v2 =	vsub.f32 v19, v2  }
0x2a6: {  	[tilespmem:$0x1FD90] =	vst v35;
	v35 =	vmul.f32 v52, v52;
	v52 =	vld [tilespmem:$0x1FF10]  }
0x2a7: {  	v24 =	vmul.f32 v24, v24;
	v2 =	vmul.f32 v2, v2;
	_ =	sdelay $0x1  }
0x2a8: {  	v2 =	vadd.f32 v2, v24;
	v24 =	vld [tilespmem:$0x1FF40]  }
0x2a9: {  	[tilespmem:$0x1FDE0] =	vst v50;
	v14 =	vadd.f32 v23, v14;
	v50 =	vmovc v45;
	v45 =	vmov v32;
	v32 =	vsub.f32 v22, v51  }
0x2aa: {  	v51 =	vmovc v37;
	v37 =	vsub.f32 v19, v52;
	v52 =	vmov v38;
	v38 =	vsub.f32 v22, v34;
	v34 =	vld [tilespmem:$0x1FF50];
	_ =	sdelay $0x2  }
0x2ab: {  	v21 =	vmovc v17;
	v17 =	vmov v14;
	v14 =	vmov v11;
	v24 =	vsub.f32 v22, v24  }
0x2ac: {  	v11 =	vmovc v9;
	v9 =	vmovc v6;
	v6 =	vmov v0;
	v0 =	vmov v54;
	v26 =	vmul.f32 v26, v26  }
0x2ad: {  	v54 =	vmovc v40;
	vm1 =	vlt.f32 v25, v2;
	v40 =	vsub.f32 v22, v34;
	v24 =	vmul.f32 v24, v24  }
0x2ae: {  	v13 =	vmovc v3;
	v3 =	vmovc v8;
	v29 =	vmul.f32 v29, v29;
	v2 =	vsel vm1, v25, v2;
	v25 =	vsel vm1, $0x1, v43  }
0x2af: {  	v8 =	vmovc v5;
	vm1 =	vlt.f32 v27, v2;
	v40 =	vmul.f32 v40, v40;
	v24 =	vadd.f32 v26, v24  }
0x2b0: {  	v5 =	vmovc v57;
	v57 =	vmovc v44;
	v44 =	vld [tilespmem:$0x1FFF0];
	v37 =	vmul.f32 v37, v37;
	v25 =	vsel vm1, $0x2, v25;
	v2 =	vsel vm1, v27, v2  }
0x2b1: {  	v27 =	vld [tilespmem:$0x1FF80];
	v29 =	vadd.f32 v29, v40;
	v26 =	vmul.f32 v32, v32;
	vm1 =	vlt.f32 v24, v2  }
0x2b2: {  	v23 =	vmov v58;
	v58 =	vld [tilespmem:$0x1FF60];
	v2 =	vsel vm1, v24, v2  }
0x2b3: {  	v26 =	vadd.f32 v37, v26;
	v37 =	vld [tilespmem:$0x1FF90];
	v25 =	vsel vm1, $0x3, v25;
	vm1 =	vlt.f32 v29, v2  }
0x2b4: {  	v30 =	vmul.f32 v30, v30;
	v31 =	vmul.f32 v39, v39;
	v39 =	vld [tilespmem:$0x1FF30];
	v2 =	vsel vm1, v29, v2  }
0x2b5: {  	v24 =	vmul.f32 v38, v38;
	v38 =	vld [tilespmem:$0x1FFB0];
	v25 =	vsel vm1, $0x4, v25;
	vm1 =	vlt.f32 v26, v2  }
0x2b6: {  	v33 =	vmul.f32 v33, v33;
	v27 =	vsub.f32 v19, v27;
	v2 =	vsel vm1, v26, v2;
	v26 =	vld [tilespmem:$0x1FFA0]  }
0x2b7: {  	v44 =	vsub.f32 v19, v44  }
0x2b8: {  	v30 =	vadd.f32 v30, v33;
	v27 =	vmul.f32 v27, v27;
	v33 =	vsub.f32 v22, v37  }
0x2b9: {  	v36 =	vld [tilespmem:$0x1FEF0];
	v39 =	vsub.f32 v19, v39;
	v34 =	vmov v41;
	v41 =	vsub.f32 v22, v58  }
0x2ba: {  	v58 =	vmovc v4;
	v4 =	vmovc v56;
	v56 =	vmov v42;
	v42 =	vld [tilespmem:$0x1FF70];
	v24 =	vadd.f32 v27, v24;
	v27 =	vmul.f32 v33, v33  }
0x2bb: {  	v33 =	vsub.f32 v19, v38;
	v26 =	vsub.f32 v22, v26  }
0x2bc: {  	v25 =	vsel vm1, $0x5, v25;
	vm1 =	vlt.f32 v24, v2;
	v27 =	vadd.f32 v31, v27;
	v31 =	vld [tilespmem:$0x1FFC0]  }
0x2bd: {  	v2 =	vsel vm1, v24, v2;
	v24 =	vmul.f32 v26, v26;
	v26 =	vmul.f32 v33, v33  }
0x2be: {  	v36 =	vsub.f32 v22, v36;
	v28 =	vmul.f32 v28, v28;
	v47 =	vmul.f32 v47, v47  }
0x2bf: {  	v42 =	vsub.f32 v19, v42;
	v24 =	vadd.f32 v26, v24;
	v26 =	vmul.f32 v39, v39  }
0x2c0: {  	v40 =	vmovc v54;
	v54 =	vmovc v0;
	v0 =	vmov v6;
	v25 =	vsel vm1, $0x6, v25;
	vm1 =	vlt.f32 v30, v2  }
0x2c1: {  	v6 =	vmovc v9;
	v2 =	vsel vm1, v30, v2;
	v31 =	vsub.f32 v19, v31;
	v26 =	vadd.f32 v26, v28;
	v28 =	vld [tilespmem:$0x1FFD0]  }
0x2c2: {  	v43 =	vld [tilespmem:$0x1FFE0];
	v9 =	vmovc v11;
	v11 =	vmovc v14;
	v14 =	vmov v17;
	v25 =	vsel vm1, $0x7, v25;
	vm1 =	vlt.f32 v27, v2  }
0x2c3: {  	v17 =	vmovc v21;
	v30 =	vmul.f32 v36, v36;
	v2 =	vsel vm1, v27, v2;
	v27 =	vmul.f32 v31, v31  }
0x2c4: {  	v21 =	vmovc v1;
	v1 =	vmovc v7;
	v7 =	vld [tilespmem:$0x1FD80];
	v32 =	vmul.f32 v42, v42;
	v25 =	vsel vm1, $0x8, v25;
	vm1 =	vlt.f32 v24, v2  }
0x2c5: {  	v2 =	vsel vm1, v24, v2;
	v25 =	vsel vm1, $0x9, v25;
	v24 =	vadd.f32 v27, v30  }
0x2c6: {  	v27 =	vmul.f32 v41, v41;
	vm1 =	vlt.f32 v26, v2;
	v28 =	vsub.f32 v22, v28  }
0x2c7: {  	v43 =	vsub.f32 v22, v43;
	v2 =	vsel vm1, v26, v2;
	v25 =	vsel vm1, $0xA, v25  }
0x2c8: {  	v42 =	vmovc v56;
	v26 =	vadd.f32 v32, v27;
	vm1 =	vlt.f32 v24, v2;
	v27 =	vmul.f32 v28, v28  }
0x2c9: {  	v56 =	vmovc v4;
	v4 =	vmovc v58;
	v58 =	vmov v23;
	v23 =	vmul.f32 v7, v7;
	v2 =	vsel vm1, v24, v2  }
0x2ca: {  	v25 =	vsel vm1, $0xB, v25;
	vm1 =	vlt.f32 v26, v2;
	v24 =	vadd.f32 v47, v27  }
0x2cb: {  	v29 =	vmul.f32 v44, v44;
	v23 =	vadd.f32 v35, v23;
	v2 =	vsel vm1, v26, v2  }
0x2cc: {  	v25 =	vsel vm1, $0xC, v25;
	v26 =	vmul.f32 v43, v43;
	vm1 =	vlt.f32 v24, v2  }
0x2cd: {  	v2 =	vsel vm1, v24, v2  }
0x2ce: {  	v24 =	vsel vm1, $0xD, v25;
	v25 =	vadd.f32 v29, v26;
	vm1 =	vlt.f32 v23, v2  }
0x2cf: {  	v2 =	vsel vm1, v23, v2  }
0x2d0: {  	v23 =	vsel vm1, $0xE, v24;
	vm1 =	vlt.f32 v25, v2  }
0x2d1: {  	v31 =	vimm.f32 $0.0e+00;
	v2 =	vsel vm1, $0xF, v23  }
0x2d2: {  	vm4 =	veq.s32 v2, $0x0;
	vm3 =	veq.s32 v2, $0x1;
	vm2 =	veq.s32 v2, $0x2  }
0x2d3: {  	vm1 =	veq.s32 v2, $0x3;
	vm5 =	veq.s32 v2, $0x4;
	vm7 =	veq.s32 v2, $0x5  }
0x2d4: {  	v39 =	vld [tilespmem:$0x1FD70];
	vm8 =	veq.s32 v2, $0x6;
	vm6 =	veq.s32 v2, $0x7;
	vm12 =	veq.s32 v2, $0x8  }
0x2d5: {  	vm11 =	veq.s32 v2, $0x9;
	vm10 =	veq.s32 v2, $0xB;
	vm9 =	veq.s32 v2, $0xC  }
0x2d6: {  	vm13 =	veq.s32 v2, $0xD;
	v23 =	vnsel vm3, $0x0, v19;
	v24 =	vsel vm4, $0x3F800000, v31  }
0x2d7: {  	v25 =	vnsel vm13, $0x0, v22;
	v26 =	vnsel vm13, $0x0, v19;
	v27 =	vsel vm7, $0x3F800000, v31  }
0x2d8: {  	v54 =	vadd.f32 v23, v54;
	v55 =	vadd.f32 v24, v55;
	v23 =	vsel vm8, $0x3F800000, v31  }
0x2d9: {  	v41 =	vmovc v34;
	v24 =	vnsel vm9, $0x0, v22;
	v34 =	vadd.f32 v25, v39;
	v59 =	vadd.f32 v26, v59  }
0x2da: {  	v25 =	vsel vm13, $0x3F800000, v31;
	v26 =	vnsel vm12, $0x0, v22;
	v46 =	vadd.f32 v23, v46  }
0x2db: {  	v23 =	vnsel vm5, $0x0, v22;
	v32 =	vadd.f32 v25, v45;
	v25 =	vnsel vm11, $0x0, v22  }
0x2dc: {  	v62 =	vadd.f32 v26, v62;
	v26 =	vsel vm10, $0x3F800000, v31;
	v41 =	vadd.f32 v24, v41  }
0x2dd: {  	v24 =	vnsel vm6, $0x0, v22;
	v49 =	vadd.f32 v25, v49;
	v25 =	vsel vm9, $0x3F800000, v31  }
0x2de: {  	v0 =	vadd.f32 v23, v0;
	v23 =	vnsel vm7, $0x0, v22;
	v42 =	vadd.f32 v26, v42  }
0x2df: {  	v44 =	vmovc v57;
	v57 =	vmovc v5;
	v35 =	vld [tilespmem:$0x1FD90];
	v26 =	vnsel vm8, $0x0, v22;
	v6 =	vadd.f32 v24, v6;
	v24 =	vsel vm6, $0x3F800000, v31  }
0x2e0: {  	v5 =	vmovc v8;
	v8 =	vmovc v3;
	v37 =	vadd.f32 v25, v51;
	v25 =	vnsel vm5, $0x0, v19;
	v56 =	vadd.f32 v26, v56  }
0x2e1: {  	v26 =	vnsel vm7, $0x0, v19;
	v8 =	vadd.f32 v23, v8;
	v23 =	vsel vm5, $0x3F800000, v31  }
0x2e2: {  	vm5 =	veq.s32 v2, $0xA;
	vm7 =	veq.s32 v2, $0xF;
	v5 =	vadd.f32 v26, v5  }
0x2e3: {  	v26 =	vnsel vm6, $0x0, v19;
	vm6 =	veq.s32 v2, $0xE;
	v2 =	vnsel vm7, $0x0, v22  }
0x2e4: {  	v35 =	vadd.f32 v2, v35;
	v2 =	vnsel vm6, $0x0, v22  }
0x2e5: {  	v40 =	vadd.f32 v2, v40;
	v2 =	vld [tilespmem:$0x1FDC0];
	_ =	sdelay $0x2  }
0x2e6: {  	v3 =	vmov v13;
	v13 =	vmov v20;
	v20 =	vld [tilespmem:$0x1FDA0];
	v29 =	vnsel vm9, $0x0, v19  }
0x2e7: {  	v61 =	vadd.f32 v29, v61;
	v29 =	vsel vm7, $0x3F800000, v31  }
0x2e8: {  	v2 =	vadd.f32 v29, v2  }
0x2e9: {  	v43 =	vimm.s32 $0x0;
	v28 =	vnsel vm12, $0x0, v19;
	v30 =	vsel vm12, $0x3F800000, v31  }
0x2ea: {  	v60 =	vadd.f32 v27, v60;
	v27 =	vnsel vm10, $0x0, v22;
	v44 =	vadd.f32 v28, v44;
	[tilespmem:$0x1FDC0] =	vst v2;
	v2 =	vld [tilespmem:$0x1FDE0]  }
0x2eb: {  	v28 =	vnsel vm10, $0x0, v19;
	v20 =	vadd.f32 v30, v20;
	v38 =	vadd.f32 v27, v52  }
0x2ec: {  	v27 =	vnsel vm11, $0x0, v19;
	v63 =	vadd.f32 v28, v63;
	v28 =	vsel vm11, $0x3F800000, v31  }
0x2ed: {  	v45 =	vadd.f32 v28, v50;
	v53 =	vadd.f32 v27, v53;
	v27 =	vnsel vm8, $0x0, v19  }
0x2ee: {  	v57 =	vadd.f32 v27, v57;
	v4 =	vadd.f32 v24, v4;
	v28 =	vnsel vm7, $0x0, v19;
	v29 =	vld [tilespmem:$0x1FDB0]  }
0x2ef: {  	p0 =	sne.s32 s17, $0xFC0;
	v24 =	vnsel vm4, $0x0, v22;
	v10 =	vadd.f32 v25, v10;
	v2 =	vadd.f32 v28, v2;
	v28 =	vld [tilespmem:$0x1FDD0]  }
.Ltmp6:
0x2f0: {  	v3 =	vadd.f32 v23, v3;
	v23 =	vsel vm5, $0x3F800000, v31;
	v12 =	vadd.f32 v24, v12;
	(pc) =	sbr.rel @p0 .LBB2_15-.Ltmp6, $4  }
0x2f1: {  	v30 =	vnsel vm5, $0x0, v22;
	v58 =	vadd.f32 v26, v58;
	v26 =	vnsel vm3, $0x0, v22  }
0x2f2: {  	v25 =	vnsel vm6, $0x0, v19;
	v27 =	vsel vm6, $0x3F800000, v31;
	v11 =	vadd.f32 v26, v11;
	v47 =	vld [tilespmem:$0x1FDC0]  }
0x2f3: {  	v26 =	vnsel vm2, $0x0, v22;
	v29 =	vadd.f32 v25, v29;
	v25 =	vnsel vm1, $0x0, v22;
	v22 =	vld [tilespmem:$0x1FDF0];
	[tilespmem:$0x1FDE0] =	vst v2  }
0x2f4: {  	s17 =	sadd.s32 $0x40, s17;
	v24 =	vnsel vm5, $0x0, v19;
	v48 =	vadd.f32 v30, v48;
	v50 =	vld [tilespmem:$0x1FDE0];
	v28 =	vadd.f32 v27, v28  }
0x2f5: {  	v2 =	vnsel vm4, $0x0, v19  }
0x2f6: {  	v2 =	vadd.f32 v2, v1  }
0x2f7: {  	(xrf2) =	vadd.scan.msk.f32 $0xffff, v12  }
0x2f8: {  	(xrf2) =	vadd.scan.msk.f32 $0xffff, v2  }
0x2f9: {  	v2 =	vsel vm3, $0x3F800000, v31;
	(xrf2) =	vadd.scan.msk.f32 $0xffff, v55  }
0x2fa: {  	v2 =	vadd.f32 v2, v21;
	(xrf2) =	vadd.scan.msk.f32 $0xffff, v11  }
0x2fb: {  	v52 =	vnsel vm2, $0x0, v19;
	v55 =	vadd.f32 v26, v18;
	(xrf2) =	vadd.scan.msk.f32 $0xffff, v54  }
0x2fc: {  	v18 =	vsel vm2, $0x3F800000, v31;
	v11 =	vadd.f32 v52, v15;
	(xrf2) =	vadd.scan.msk.f32 $0xffff, v2  }
0x2fd: {  	v2 =	vadd.f32 v18, v17;
	(xrf2) =	vadd.scan.msk.f32 $0xffff, v55  }
0x2fe: {  	v25 =	vadd.f32 v25, v16;
	v27 =	vsel vm1, $0x3F800000, v31;
	v21 =	vnsel vm1, $0x0, v19;
	(xrf2) =	vadd.scan.msk.f32 $0xffff, v11  }
0x2ff: {  	v26 =	vadd.f32 v21, v13;
	(xrf2) =	vadd.scan.msk.f32 $0xffff, v2;
	v2 =	vadd.f32 v27, v14  }
0x300: {  	(xrf2) =	vadd.scan.msk.f32 $0xffff, v25  }
0x301: {  	v12, _, _ =	vpop (xrf2);
	(xrf2) =	vadd.scan.msk.f32 $0xffff, v26  }
0x302: {  	v11, _, _ =	vpop (xrf2);
	(xrf2) =	vadd.scan.msk.f32 $0xffff, v2  }
0x303: {  	v2, _, _ =	vpop (xrf2);
	(xrf2) =	vadd.scan.msk.f32 $0xffff, v0  }
0x304: {  	v0, _, _ =	vpop (xrf2);
	(xrf2) =	vadd.scan.msk.f32 $0xffff, v10  }
0x305: {  	v33, _, _ =	vpop (xrf2);
	(xrf2) =	vadd.scan.msk.f32 $0xffff, v3  }
0x306: {  	v3, _, _ =	vpop (xrf2);
	(xrf2) =	vadd.scan.msk.f32 $0xffff, v8  }
0x307: {  	v36, _, _ =	vpop (xrf2);
	(xrf2) =	vadd.scan.msk.f32 $0xffff, v5  }
0x308: {  	v5, _, _ =	vpop (xrf2);
	(xrf2) =	vadd.scan.msk.f32 $0xffff, v60  }
0x309: {  	v13, _, _ =	vpop (xrf2);
	(xrf2) =	vadd.scan.msk.f32 $0xffff, v56  }
0x30a: {  	v39, _, _ =	vpop (xrf2);
	(xrf2) =	vadd.scan.msk.f32 $0xffff, v57  }
0x30b: {  	v51, _, _ =	vpop (xrf2);
	(xrf2) =	vadd.scan.msk.f32 $0xffff, v46  }
0x30c: {  	v52, _, _ =	vpop (xrf2);
	(xrf2) =	vadd.scan.msk.f32 $0xffff, v6  }
0x30d: {  	v6, _, _ =	vpop (xrf2);
	(xrf2) =	vadd.scan.msk.f32 $0xffff, v58  }
0x30e: {  	v1, _, _ =	vpop (xrf2);
	(xrf2) =	vadd.scan.msk.f32 $0xffff, v4  }
0x30f: {  	v4, _, _ =	vpop (xrf2);
	(xrf2) =	vadd.scan.msk.f32 $0xffff, v62  }
0x310: {  	v54, _, _ =	vpop (xrf2);
	(xrf2) =	vadd.scan.msk.f32 $0xffff, v44  }
0x311: {  	v55, _, _ =	vpop (xrf2);
	(xrf2) =	vadd.scan.msk.f32 $0xffff, v20  }
0x312: {  	v56, _, _ =	vpop (xrf2);
	(xrf2) =	vadd.scan.msk.f32 $0xffff, v49  }
0x313: {  	v20, _, _ =	vpop (xrf2);
	(xrf2) =	vadd.scan.msk.f32 $0xffff, v53  }
0x314: {  	v57 =	vadd.f32 v24, v22;
	v22, _, _ =	vpop (xrf2);
	(xrf2) =	vadd.scan.msk.f32 $0xffff, v45  }
0x315: {  	v9 =	vadd.f32 v23, v9;
	v58, _, _ =	vpop (xrf2);
	(xrf2) =	vadd.scan.msk.f32 $0xffff, v48  }
0x316: {  	v7, _, _ =	vpop (xrf2);
	(xrf2) =	vadd.scan.msk.f32 $0xffff, v57  }
0x317: {  	v21, _, _ =	vpop (xrf2);
	(xrf2) =	vadd.scan.msk.f32 $0xffff, v9  }
0x318: {  	v60, _, _ =	vpop (xrf2);
	(xrf2) =	vadd.scan.msk.f32 $0xffff, v38  }
0x319: {  	vm5 =	vmmov $0x1f;
	v62, _, _ =	vpop (xrf2);
	(xrf2) =	vadd.scan.msk.f32 $0xffff, v63  }
0x31a: {  	vm10 =	vmmov $0x3f;
	v12 =	vbroadcast v12, $0xF;
	v11 =	vbroadcast v11, $0xF;
	v63, _, _ =	vpop (xrf2);
	(xrf2) =	vadd.scan.msk.f32 $0xffff, v42  }
0x31b: {  	vm1 =	vmmov $0x3;
	v0 =	vbroadcast v0, $0xF;
	v10 =	vbroadcast v33, $0xF;
	v33, _, _ =	vpop (xrf2);
	(xrf2) =	vadd.scan.msk.f32 $0xffff, v41  }
0x31c: {  	vm2 =	vmmov $0x7;
	v2 =	vbroadcast v2, $0xF;
	v3 =	vbroadcast v3, $0xF;
	v27, _, _ =	vpop (xrf2);
	(xrf2) =	vadd.scan.msk.f32 $0xffff, v61  }
0x31d: {  	v0 =	vsel vm0, v12, v0;
	v10 =	vsel vm0, v11, v10;
	v8 =	vbroadcast v36, $0xF;
	v36, _, _ =	vpop (xrf2);
	(xrf2) =	vadd.scan.msk.f32 $0xffff, v37  }
0x31e: {  	v2 =	vsel vm0, v2, v3;
	v3 =	vbroadcast v5, $0xF;
	v6 =	vbroadcast v6, $0xF;
	v5, _, _ =	vpop (xrf2);
	(xrf2) =	vadd.scan.msk.f32 $0xffff, v34  }
0x31f: {  	v0 =	vsel vm1, v0, v8;
	v1 =	vbroadcast v1, $0xF;
	v38 =	vbroadcast v39, $0xF;
	v39, _, _ =	vpop (xrf2);
	(xrf2) =	vadd.scan.msk.f32 $0xffff, v59  }
0x320: {  	v3 =	vsel vm1, v10, v3;
	v41 =	vbroadcast v51, $0xF;
	v37 =	vbroadcast v13, $0xF;
	v42, _, _ =	vpop (xrf2);
	(xrf2) =	vadd.scan.msk.f32 $0xffff, v32  }
0x321: {  	v44 =	vbroadcast v52, $0xF;
	v4 =	vbroadcast v4, $0xF;
	v0 =	vsel vm2, v0, v38;
	v45, _, _ =	vpop (xrf2);
	(xrf2) =	vadd.scan.msk.f32 $0xffff, v40  }
0x322: {  	v3 =	vsel vm2, v3, v41;
	v2 =	vsel vm1, v2, v37;
	vm1 =	vmmov $0xf;
	v46, _, _ =	vpop (xrf2);
	(xrf2) =	vadd.scan.msk.f32 $0xffff, v29  }
0x323: {  	v2 =	vsel vm2, v2, v44;
	v0 =	vsel vm1, v0, v6;
	v1 =	vsel vm1, v3, v1;
	v48, _, _ =	vpop (xrf2);
	(xrf2) =	vadd.scan.msk.f32 $0xffff, v28  }
0x324: {  	v3 =	vbroadcast v54, $0xF;
	v2 =	vsel vm1, v2, v4;
	v4 =	vbroadcast v56, $0xF;
	v6, _, _ =	vpop (xrf2);
	(xrf2) =	vadd.scan.msk.f32 $0xffff, v35  }
0x325: {  	vm9 =	vmmov $0x7f;
	vm6 =	vmmov $0xff;
	v51 =	vbroadcast v58, $0xF;
	v49, _, _ =	vpop (xrf2);
	(xrf2) =	vadd.scan.msk.f32 $0xffff, v50  }
0x326: {  	v0 =	vsel vm5, v0, v3;
	v2 =	vsel vm5, v2, v4;
	v4 =	vbroadcast v60, $0xF;
	v52, _, _ =	vpop (xrf2);
	(xrf2) =	vadd.scan.msk.f32 $0xffff, v47  }
0x327: {  	v3 =	vbroadcast v55, $0xF;
	v55 =	vbroadcast v33, $0xF;
	v2 =	vsel vm10, v2, v51;
	v53, _, _ =	vpop (xrf2)  }
0x328: {  	vm7 =	vmmov $0x1ff;
	v2 =	vsel vm9, v2, v4;
	v4 =	vbroadcast v5, $0xF;
	v54, _, _ =	vpop (xrf2)  }
0x329: {  	vm4 =	vmmov $0x1fff;
	v12 =	vbroadcast v45, $0xF;
	v2 =	vsel vm6, v2, v55;
	v56, _, _ =	vpop (xrf2)  }
0x32a: {  	vm1 =	vmmov $0x3ff;
	v2 =	vsel vm7, v2, v4;
	v4 =	vbroadcast v6, $0xF;
	v5, _, _ =	vpop (xrf2)  }
0x32b: {  	vm8 =	vmmov $0x3fff;
	vm2 =	vmmov $0x7ff;
	v2 =	vsel vm1, v2, v12;
	v57, _, _ =	vpop (xrf2)  }
0x32c: {  	v58 =	vbroadcast v53, $0xF;
	v2 =	vsel vm2, v2, v4;
	v4 =	vbroadcast v5, $0xF;
	v6, _, _ =	vpop (xrf2)  }
0x32d: {  	vm3 =	vmmov $0xfff;
	v1 =	vsel vm5, v1, v3;
	v3 =	vbroadcast v22, $0xF;
	v59, _, _ =	vpop (xrf2)  }
0x32e: {  	v20 =	vbroadcast v20, $0xF;
	v2 =	vsel vm3, v2, v58;
	v5, _, _ =	vpop (xrf2);
	v60 =	vbroadcast v59, $0xF  }
0x32f: {  	v1 =	vsel vm10, v1, v3;
	v3 =	vbroadcast v21, $0xF;
	v2 =	vsel vm4, v2, v4;
	v61, _, _ =	vpop (xrf2)  }
0x330: {  	v7 =	vbroadcast v7, $0xF;
	v2 =	vsel vm8, v2, v60;
	v4, _, _ =	vpop (xrf2)  }
0x331: {  	v0 =	vsel vm10, v0, v20;
	v1 =	vsel vm9, v1, v3;
	v2 =	vsel vm15, v2, v4  }
0x332: {  	v3 =	vbroadcast v27, $0xF;
	v4 =	vbroadcast v62, $0xF;
	v2 =	vmax.f32 v2, $1.000000000e+00  }
0x333: {  	v0 =	vsel vm9, v0, v7;
	(erf) = vrcp.f32 v2;
	v2 =	vbroadcast v63, $0xF  }
0x334: {  	v7 =	vbroadcast v39, $0xF;
	v0 =	vsel vm6, v0, v4;
	v4 =	vbroadcast v36, $0xF  }
0x335: {  	v0 =	vsel vm7, v0, v3;
	v1 =	vsel vm6, v1, v2;
	v2 =	vbroadcast v46, $0xF  }
0x336: {  	v0 =	vsel vm1, v0, v7;
	v1 =	vsel vm7, v1, v4;
	v4 =	vbroadcast v42, $0xF  }
0x337: {  	v3 =	vbroadcast v49, $0xF;
	v0 =	vsel vm2, v0, v2  }
0x338: {  	v2 =	vbroadcast v54, $0xF;
	v1 =	vsel vm1, v1, v4;
	v4 =	vbroadcast v52, $0xF  }
0x339: {  	v7 =	vbroadcast v48, $0xF;
	v0 =	vsel vm3, v0, v3;
	v3 =	vbroadcast v57, $0xF  }
0x33a: {  	v0 =	vsel vm4, v0, v2  }
0x33b: {  	v1 =	vsel vm2, v1, v7;
	v2 =	vbroadcast v56, $0xF;
	v0 =	vsel vm8, v0, v3  }
0x33c: {  	v1 =	vsel vm3, v1, v4;
	v3 =	vbroadcast v6, $0xF;
	v0 =	vsel vm15, v0, v5;
	v4 =	vpop (erf)  }
0x33d: {  	v1 =	vsel vm4, v1, v2;
	v0 =	vmul.f32 v4, v0  }
0x33e: {  	v1 =	vsel vm8, v1, v3  }
0x33f: {  	v1 =	vsel vm15, v1, v61;
	v2 =	vand.u32 $0x7FFFFFFF, v0  }
0x340: {  	v1 =	vmul.f32 v4, v1;
	v5 =	vadd.f32 $5.000000000e-01, v2  }
0x341: {  	v6 =	vand.u32 $0x80000000, v0;
	vm1 =	vlt.f32 v0, $0.0e+00  }
0x342: {  	v3 =	vshrl.u32 v2, $0xD;
	v4 =	vadd.f32 $-5.000000000e-01, v5;
	v5 =	vand.u32 $0x7FFFFFFF, v1  }
0x343: {  	vm2 =	vlt.f32 v1, $0.0e+00;
	v3 =	vand.u32 $0x1, v3;
	v7 =	vadd.f32 $5.000000000e-01, v5  }
0x344: {  	s16 =	sadd.s32 $0x1, s16;
	v3 =	vadd.s32 v3, v2;
	v63 =	vshrl.u32 v5, $0xD;
	v62 =	vsub.f32 $0.0e+00, v4  }
0x345: {  	p0 =	sne.s32 s16, $0xA;
	v3 =	vadd.s32 $0xFFF, v3;
	v0 =	vand.u32 $0x1, v63;
	v7 =	vadd.f32 $-5.000000000e-01, v7  }
.Ltmp7:
0x346: {  	v3 =	vand.u32 $0xFFFFE000, v3;
	v0 =	vadd.s32 v0, v5;
	v4 =	vsel vm1, v62, v4;
	(pc) =	sbr.rel @p0 .LBB2_14-.Ltmp7, $4  }
0x347: {  	vm1 =	vge.f32 v2, $6.103515630e-05;
	v0 =	vadd.s32 $0xFFF, v0;
	v2 =	vsub.f32 $0.0e+00, v7  }
0x348: {  	v3 =	vor.u32 v6, v3;
	v6 =	vand.u32 $0x80000000, v1;
	v0 =	vand.u32 $0xFFFFE000, v0  }
0x349: {  	v0 =	vor.u32 v6, v0;
	v1 =	vsel vm2, v2, v7;
	vm2 =	vge.f32 v5, $6.103515630e-05  }
0x34a: {  	v4 =	vsel vm1, v3, v4;
	v2 =	vlaneseq.u32;
	v3 =	vsel vm2, v0, v1  }
0x34b: {  	s14 =	sadd.s32 $0x1, s14  }
0x34c: {  	[tilespmem:$0x1880] =	vst v4;
	s15 =	sshll.u32 s15, $0x2;
	p0 =	sne.s32 s14, $0x8  }
.Ltmp8:
0x34d: {  	[tilespmem:$0x1890] =	vst v3;
	s15 =	sadd.s32 s6, s15;
	(pc) =	sbr.rel @p0 .LBB2_2-.Ltmp8, $4  }
0x34e: {  	[hbm4b:s15+s2] =	stream.linear.scatter [tilespmem:s12], [sflag:$0x1], $0x20, $0x38;
	[tilespmem:$0x1900] =	vst v63  }
0x34f: {  	_ =	swait.ge [sflag:s9], $0x20  }
0x350: {  	[sflag:s9] =	ssyncset.done $0x0  }
0x351: {  	[sflag:s9] =	ssyncadd.s32 $0xFFFFFFE0  }
0x352: {  	s13 =	sadd.s32 $0x1, s13  }
0x353: {  	p0 =	sne.s32 s13, s8  }
.Ltmp9:
0x354: {  	_ = 	snop;
	(pc) =	sbr.rel @p0 .LBB2_1-.Ltmp9, $1  }
0x355: {  	_ =	sdelay $0x3  }
0x356: {  	_ =	sfence.sel $0x180000  }
0x357: {  	[bflag:$0x0] =	sbarrier.arrive $0xFFFF  }
0x358: {  	p0 =	sne.s32 s4, $0x0;
	_ =	strace $0x90000047  }
0x359: {  	s0 =	sadd.s32 @!p0 $0x100000, s0;
	[bflag:$0x2] =	sbarrier.arrive $0xFFFF  }
0x35a: {  	[sflag:s0] =	ssyncadd.tile.s32 @!p0 $0x1;
	_ =	shalt  }
.Lfunc_end2:
_tile_overlayer_lowered:
.L_overlay_start_2:
0x35b: {  	(tag) =	ssettag $0x2  }
0x35c: {  	s0 =	rddreg [dreg:$0x0];
	s2 =	stileid.u32  }
0x35d: {  	s1 =	rddreg [dreg:$0x1];
	p0 =	sne.s32 s2, $0x0  }
0x35e: {  	s3 =	rddreg [dreg:$0x2];
	[bflag:$0x3] =	sbarrier.arrive $0xFFFF;
	s2 =	simm.s32 @!p0 $0x1C01  }
0x35f: {  	[timem:s3], [sflag:s2] =	dma.local @!p0 [hbm:s0], s1  }
0x360: {  	s0 =	simm.s32 @!p0 $0x1  }
0x361: {  	_ =	swait.ge @!p0 [sflag:s0], s1  }
0x362: {  	s1 =	ssub.s32 @!p0 $0x0, s1;
	[sflag:s0] =	ssyncset.done @!p0 $0x0  }
0x363: {  	[sflag:s0] =	ssyncadd.s32 @!p0 s1  }
0x364: {  	[bflag:$0x3] =	sbarrier.arrive $0xFFFF  }
0x365: {  	_ =	shalt  }

</sc_bundles>
